<compile_context>
chip_gen: v7x
topology: tpu7x:2x2x1
jax: 0.10.2.dev20260603
libtpu: 0.0.44.dev20260713+nightly
codegen_flags: <defaults>
</compile_context>

<pallas_src>
import numpy as np
import jax
import jax.numpy as jnp
from jax import lax
from jax.experimental import pallas as pl
from jax.experimental.pallas import tpu as pltpu
from jax.experimental.pallas import tpu_sc as plsc

N = 10000
E = 320000
D = 128
NB = 8
NSYS = 8
RMAX = 5.0

NPTC = 10240
NROW = 4 * NPTC
TRASH = N
NW = 32
EPW = E // NW
UNROLL = 5
NITER = EPW // (16 * UNROLL)
RB = 4
ROWS_PER_TILE = NROW // 16


def _sc_edge_kernel(pos_h, types_h, edge_h, zeros_h, out_h,
                    posf, types, srcb, dstb, dzb, rowsb, rbfb,
                    rowb, racc):
    cid = lax.axis_index("c")
    sid = lax.axis_index("s")
    wid = sid * 2 + cid

    pltpu.sync_copy(zeros_h, racc.at[pl.ds(sid * ROWS_PER_TILE, ROWS_PER_TILE)])
    pltpu.sync_copy(pos_h, posf)
    pltpu.sync_copy(types_h, types)
    base = pl.multiple_of(wid * EPW, 8)
    pltpu.sync_copy(edge_h.at[0, pl.ds(base, EPW)], srcb)
    pltpu.sync_copy(edge_h.at[1, pl.ds(base, EPW)], dstb)
    plsc.subcore_barrier()

    zero16 = jnp.zeros((16,), jnp.int32)
    pi_over_r = jnp.float32(np.pi / RMAX)
    two_over_pi = jnp.float32(2.0 / np.pi)
    half_pi = jnp.float32(np.pi / 2)
    rmaxf = jnp.float32(RMAX)
    trash16 = jnp.full((16,), TRASH, jnp.int32)
    ringm = jnp.full((16,), RB * 128 - 1, jnp.int32)
    m127 = jnp.full((16,), 127, jnp.int32)

    rmax2 = jnp.float32(RMAX * RMAX)

    def p1_body(it, c_in):
        vals = []
        for k in range(UNROLL):
            g0 = it * (16 * UNROLL) + k * 16
            sv = srcb[pl.ds(g0, 16)]
            dv = dstb[pl.ds(g0, 16)]
            sv3 = sv + sv + sv
            dv3 = dv + dv + dv
            xs = plsc.load_gather(posf, [sv3])
            ys = plsc.load_gather(posf, [sv3 + 1])
            zs = plsc.load_gather(posf, [sv3 + 2])
            xd = plsc.load_gather(posf, [dv3])
            yd = plsc.load_gather(posf, [dv3 + 1])
            zd = plsc.load_gather(posf, [dv3 + 2])
            tv = plsc.load_gather(types, [sv])
            dx = xd - xs
            dy = yd - ys
            dz = zd - zs
            d2 = dx * dx + dy * dy + dz * dz
            keep = d2 < rmax2
            vals.append((keep, dx, dy, dz, tv * NPTC + dv))

        c = c_in
        for k in range(UNROLL):
            keep, dx, dy, dz, rows_v = vals[k]
            mi = keep.astype(jnp.int32)
            cs = plsc.cumsum(mi)
            pos_v = c + cs - 1
            plsc.store_scatter(srcb, [pos_v], plsc.bitcast(dx, jnp.int32),
                               mask=keep)
            plsc.store_scatter(dstb, [pos_v], plsc.bitcast(dy, jnp.int32),
                               mask=keep)
            plsc.store_scatter(dzb, [pos_v], plsc.bitcast(dz, jnp.int32),
                               mask=keep)
            plsc.store_scatter(rowsb, [pos_v], rows_v, mask=keep)
            c = c + cs[15]
        return c

    cnt = lax.fori_loop(0, NITER, p1_body, jnp.int32(0))

    lane = lax.iota(jnp.int32, 16)

    def p2_body(j, _):
        f_prev = jnp.minimum(j * 64, cnt)
        f = jnp.minimum(j * 64 + 64, cnt)
        for k in range(4):
            base = j * 64 + k * 16
            idx_v = base + lane
            mask = idx_v < cnt
            dx = plsc.bitcast(srcb[pl.ds(base, 16)], jnp.float32)
            dy = plsc.bitcast(dstb[pl.ds(base, 16)], jnp.float32)
            dz = plsc.bitcast(dzb[pl.ds(base, 16)], jnp.float32)
            rows_v = rowsb[pl.ds(base, 16)]
            d2 = dx * dx + dy * dy + dz * dz + jnp.float32(1e-12)
            yi = jnp.int32(0x5F3759DF) - lax.shift_right_arithmetic(
                plsc.bitcast(d2, jnp.int32), 1)
            ry = plsc.bitcast(yi, jnp.float32)
            ry = ry * (1.5 - 0.5 * d2 * ry * ry)
            ry = ry * (1.5 - 0.5 * d2 * ry * ry)
            ry = ry * (1.5 - 0.5 * d2 * ry * ry)
            d = d2 * ry
            theta = jnp.minimum(d, rmaxf) * pi_over_r
            q = (theta * two_over_pi + 0.5).astype(jnp.int32)
            r = theta - q.astype(jnp.float32) * half_pi
            r2 = r * r
            sr = r + r * r2 * (jnp.float32(-1.6666654611e-1) + r2 *
                               (jnp.float32(8.3321608736e-3) + r2 *
                                jnp.float32(-1.9515295891e-4)))
            cr = 1.0 - 0.5 * r2 + r2 * r2 * (
                jnp.float32(4.166664568298827e-2) + r2 *
                (jnp.float32(-1.388731625493765e-3) + r2 *
                 jnp.float32(2.443315711809948e-5)))
            q1 = q == 1
            q0 = q == 0
            s1 = jnp.where(q0, sr, jnp.where(q1, cr, -sr))
            c1 = jnp.where(q0, cr, jnp.where(q1, -sr, -cr))
            g = (0.5 * (c1 + 1.0)) * ry
            twoc = c1 + c1
            pr = idx_v & ringm
            sk_1 = s1 * g
            sk = twoc * sk_1
            plsc.store_scatter(rbfb, [pr, zero16], sk_1, mask=mask)
            plsc.store_scatter(rbfb, [pr, jnp.full((16,), 1, jnp.int32)],
                               sk, mask=mask)
            for b in range(2, NB):
                sk_1, sk = sk, twoc * sk - sk_1
                plsc.store_scatter(rbfb, [pr, jnp.full((16,), b, jnp.int32)],
                                   sk, mask=mask)
            plsc.store_scatter(rowb,
                               [lax.shift_right_logical(pr, 7), pr & m127],
                               rows_v, mask=mask)

        @pl.when(lax.shift_right_logical(f, 7)
                 > lax.shift_right_logical(f_prev, 7))
        def _():
            slot = lax.shift_right_logical(f_prev, 7) & (RB - 1)
            pltpu.sync_copy(rbfb.at[pl.ds(slot * 128, 128)],
                            racc.at[rowb.at[slot]], add=True)
        return 0

    n2 = lax.shift_right_logical(cnt + 63, 6)
    lax.fori_loop(0, n2, p2_body, 0)

    @pl.when((cnt & 127) != 0)
    def _():
        roundup = (cnt + 127) & jnp.int32(~127)
        for i in range(8):
            p = cnt + lane + i * 16
            prp = p & ringm
            plsc.store_scatter(rowb,
                               [lax.shift_right_logical(prp, 7), prp & m127],
                               trash16, mask=p < roundup)
        slot = lax.shift_right_logical(cnt, 7) & (RB - 1)
        pltpu.sync_copy(rbfb.at[pl.ds(slot * 128, 128)],
                        racc.at[rowb.at[slot]], add=True)

    plsc.subcore_barrier()
    pltpu.sync_copy(racc.at[pl.ds(sid * ROWS_PER_TILE, ROWS_PER_TILE)],
                    out_h.at[cid, pl.ds(sid * ROWS_PER_TILE, ROWS_PER_TILE)])


def _sc_edge_pass(posflat, types, edge_index):
    zeros = jnp.zeros((ROWS_PER_TILE, NB), jnp.float32)
    mesh = plsc.VectorSubcoreMesh(core_axis_name="c", subcore_axis_name="s")
    k = pl.kernel(
        _sc_edge_kernel,
        out_type=jax.ShapeDtypeStruct((2, NROW, NB), jnp.float32),
        mesh=mesh,
        compiler_params=pltpu.CompilerParams(needs_layout_passes=False,
                                             use_tc_tiling_on_sc=False),
        scratch_types=[
            pltpu.VMEM((3 * N,), jnp.float32),
            pltpu.VMEM((N,), jnp.int32),
            pltpu.VMEM((EPW,), jnp.int32),
            pltpu.VMEM((EPW,), jnp.int32),
            pltpu.VMEM((EPW,), jnp.int32),
            pltpu.VMEM((EPW,), jnp.int32),
            pltpu.VMEM((RB * 128, NB), jnp.float32),
            pltpu.VMEM((RB, 128), jnp.int32),
            pltpu.VMEM_SHARED((NROW, NB), jnp.float32),
        ],
    )
    return k(posflat, types, edge_index, zeros)


NBLK = 1000


def _tc_tail_kernel(r2_ref, types_ref, batch_ref, te_ref, we_ref, wm_ref,
                    wu_ref, wo_ref, out_ref):
    hi = lax.Precision.HIGHEST

    @pl.when(pl.program_id(0) == 0)
    def _init():
        out_ref[...] = jnp.zeros((1, NSYS), jnp.float32)

    rsum = r2_ref[0] + r2_ref[1]
    hm4 = jnp.dot(te_ref[...], wm_ref[...],
                  preferred_element_type=jnp.float32, precision=hi)
    we = we_ref[...]
    agg = None
    for t in range(4):
        at = jnp.dot(rsum[t], we,
                     preferred_element_type=jnp.float32, precision=hi)
        at = at * hm4[t:t + 1, :]
        agg = at if agg is None else agg + at
    tv = types_ref[...]
    cols4 = lax.broadcasted_iota(jnp.int32, (NBLK, 4), 1)
    oh = (tv == cols4).astype(jnp.float32)
    h = jnp.dot(oh, te_ref[...],
                preferred_element_type=jnp.float32, precision=hi)
    u = jnp.dot(agg, wu_ref[...],
                preferred_element_type=jnp.float32, precision=hi)
    h2 = u * (1.0 / (1.0 + jnp.exp(-u))) + h
    e_col = jnp.sum(h2 * wo_ref[...], axis=1, keepdims=True)
    bv = batch_ref[...]
    cols8 = lax.broadcasted_iota(jnp.int32, (NBLK, NSYS), 1)
    e_sel = jnp.where(bv == cols8, e_col, 0.0)
    out_ref[...] += jnp.sum(e_sel, axis=0)[None, :]


def _tc_tail(r2, types2, batch2, type_embed, W_edge, W_msg, W_upd, W_outT):
    r4 = r2.reshape(2, 4, NPTC, NB)
    return pl.pallas_call(
        _tc_tail_kernel,
        grid=(N // NBLK,),
        in_specs=[
            pl.BlockSpec((2, 4, NBLK, NB), lambda i: (0, 0, i, 0)),
            pl.BlockSpec((NBLK, 1), lambda i: (i, 0)),
            pl.BlockSpec((NBLK, 1), lambda i: (i, 0)),
            pl.BlockSpec((4, D), lambda i: (0, 0)),
            pl.BlockSpec((NB, D), lambda i: (0, 0)),
            pl.BlockSpec((D, D), lambda i: (0, 0)),
            pl.BlockSpec((D, D), lambda i: (0, 0)),
            pl.BlockSpec((1, D), lambda i: (0, 0)),
        ],
        out_specs=pl.BlockSpec((1, NSYS), lambda i: (0, 0)),
        out_shape=jax.ShapeDtypeStruct((1, NSYS), jnp.float32),
    )(r4, types2, batch2, type_embed, W_edge, W_msg, W_upd, W_outT)


@jax.jit
def kernel(positions, atomic_numbers, edge_index, batch, type_embed, W_edge,
           W_msg, W_upd, W_out):
    z = atomic_numbers
    t = jnp.where(z == 1, 0, jnp.where(z == 6, 1, jnp.where(z == 7, 2, 3)))
    t = t.astype(jnp.int32)

    r2 = _sc_edge_pass(positions.reshape(3 * N), t, edge_index)

    energy = _tc_tail(r2, t.reshape(N, 1), batch.reshape(N, 1), type_embed,
                      W_edge, W_msg, W_upd, W_out.reshape(1, D))
    return energy[0]

# --- scband reference (transcript-rebuilt; emitter-appended) ---
"""Pipeline reference for scband-nequ-ipmodel-85959475462481 (READ-ONLY COPY).

The authoritative reference and input builder live on the scoring server;
editing this copy changes nothing except your own understanding.
"""

import jax, jax.numpy as jnp
import numpy as np

N = 10000        # n_atoms
E = 320000       # n_edges (avg_degree=32)
D = 128          # hidden feature dim
NT = 4           # number of atom types (H, C, N, O)
NB = 8           # number of radial basis functions
NSYS = 8         # number of systems in the batch
RMAX = 5.0       # cutoff radius

# atomic numbers for type_names = ['H','C','N','O']
_Z_OF_TYPE = np.array([1, 6, 7, 8], dtype=np.int32)


def setup_inputs(seed: int = 0) -> dict:
    key = jax.random.key(seed)
    ks = jax.random.split(key, 10)
    positions = jax.random.normal(ks[0], (N, 3), dtype=jnp.float32) * 3.0
    type_idx = jax.random.randint(ks[1], (N,), 0, NT)
    atomic_numbers = jnp.asarray(_Z_OF_TYPE)[type_idx].astype(jnp.int32)
    edge_index = jax.random.randint(ks[2], (2, E), 0, N).astype(jnp.int32)
    batch = jnp.sort(jax.random.randint(ks[3], (N,), 0, NSYS)).astype(jnp.int32)
    # learned parameters of the wrapped NequIP-style model
    type_embed = jax.random.normal(ks[4], (NT, D), dtype=jnp.float32) * 0.1
    W_edge = jax.random.normal(ks[5], (NB, D), dtype=jnp.float32) * 0.1
    W_msg = jax.random.normal(ks[6], (D, D), dtype=jnp.float32) * (1.0 / np.sqrt(D))
    W_upd = jax.random.normal(ks[7], (D, D), dtype=jnp.float32) * (1.0 / np.sqrt(D))
    W_out = jax.random.normal(ks[8], (D, 1), dtype=jnp.float32) * 0.1
    return {
        'positions': positions,
        'atomic_numbers': atomic_numbers,
        'edge_index': edge_index,
        'batch': batch,
        'type_embed': type_embed,
        'W_edge': W_edge,
        'W_msg': W_msg,
        'W_upd': W_upd,
        'W_out': W_out,
    }


def reference(positions, atomic_numbers, edge_index, batch,
              type_embed, W_edge, W_msg, W_upd, W_out):
    # ChemicalSpeciesToAtomTypeMapper: atomic number -> model type index (gather)
    lookup = jnp.full((119,), -1, dtype=jnp.int32)
    lookup = lookup.at[jnp.asarray(_Z_OF_TYPE)].set(jnp.arange(NT, dtype=jnp.int32))
    atom_types = jnp.take(lookup, atomic_numbers, axis=0)
    # type embedding lookup
    h = jnp.take(type_embed, atom_types, axis=0)              # [N, D]
    src = edge_index[0]
    dst = edge_index[1]
    # edge vectors / distances from positions (gathers)
    rij = positions[dst] - positions[src]                     # [E, 3]
    d = jnp.sqrt(jnp.sum(rij * rij, axis=-1) + 1e-12)         # [E]
    # polynomial/cosine cutoff envelope
    fc = 0.5 * (jnp.cos(jnp.pi * jnp.minimum(d, RMAX) / RMAX) + 1.0)
    fc = fc * (d < RMAX).astype(jnp.float32)                  # [E]
    # Bessel-style radial basis
    n = jnp.arange(1, NB + 1, dtype=jnp.float32)
    rbf = jnp.sin(n[None, :] * jnp.pi * d[:, None] / RMAX) / d[:, None]
    rbf = rbf * fc[:, None]                                   # [E, NB]
    # message = (linear of source features) gated by radial filter
    msg = (h[src] @ W_msg) * (rbf @ W_edge)                   # [E, D]
    # aggregate messages at destination nodes (scatter-add)
    agg = jax.ops.segment_sum(msg, dst, num_segments=N)       # [N, D]
    # node update with residual
    h2 = jax.nn.silu(agg @ W_upd) + h                         # [N, D]
    # per-atom energy readout
    e_atom = (h2 @ W_out)[:, 0]                               # [N]
    # per-system energy via segment reduce over batch indices
    energy = jax.ops.segment_sum(e_atom, batch, num_segments=NSYS)  # [NSYS]
    return energy

if __name__ == "__main__":
    import jax
    _d = setup_inputs()
    print(jax.jit(kernel)(*tuple(_d.values())))

</pallas_src>

<mosaic_0001>
#map = affine_map<(d0, d1) -> (0)>
#map1 = affine_map<(d0, d1) -> (0, 0)>
#map2 = affine_map<(d0, d1) -> (0, 0, 0)>
module attributes {stable_mosaic.version = 14 : i64} {
  func.func @_sc_edge_kernel(%arg0: i32, %arg1: i32, %arg2: memref<30000xf32, #tpu.memory_space<hbm>>, %arg3: memref<10000xi32, #tpu.memory_space<hbm>>, %arg4: memref<2x320000xi32, #tpu.memory_space<hbm>>, %arg5: memref<2560x8xf32, #tpu.memory_space<hbm>>, %arg6: memref<2x40960x8xf32, #tpu.memory_space<hbm>>, %arg7: memref<30000xf32, #tpu.memory_space<vmem>>, %arg8: memref<10000xi32, #tpu.memory_space<vmem>>, %arg9: memref<10000xi32, #tpu.memory_space<vmem>>, %arg10: memref<10000xi32, #tpu.memory_space<vmem>>, %arg11: memref<10000xi32, #tpu.memory_space<vmem>>, %arg12: memref<10000xi32, #tpu.memory_space<vmem>>, %arg13: memref<512x8xf32, #tpu.memory_space<vmem>>, %arg14: memref<4x128xi32, #tpu.memory_space<vmem>>, %arg15: memref<40960x8xf32, #tpu.memory_space<vmem_shared>>) attributes {dimension_semantics = [#tpu.dimension_semantics<core_parallel>, #tpu.dimension_semantics<subcore_parallel>], iteration_bounds = array<i64: 2, 16>, scalar_prefetch = 0 : i64, scratch_operands = 9 : i64, tpu.core_type = #tpu.core_type<sc_vector_subcore>, window_params = [{transform_indices = #map}, {transform_indices = #map}, {transform_indices = #map1}, {transform_indices = #map1}, {transform_indices = #map2}]} {
    %mul3A = arith.constant 2 : i32
    %mul3A_0 = arith.muli %arg1, %mul3A : i32
    %add3A = arith.addi %mul3A_0, %arg0 : i32
    %mul3A_1 = arith.constant 2560 : i32
    %mul3A_2 = arith.muli %arg1, %mul3A_1 : i32
    "tpu.region"() ({
      %run_scoped3A_46 = tpu.sem_alloc : memref<!tpu.dma_semaphore, #tpu.memory_space<semaphore_mem>>
      %dma_start3A = arith.constant 0 : i32
      %dma_start3A_47 = tpu.memref_slice %arg15[%mul3A_2, %dma_start3A] : memref<40960x8xf32, #tpu.memory_space<vmem_shared>> -> memref<2560x8xf32, #tpu.memory_space<vmem_shared>>
      tpu.enqueue_dma source(%arg5 : memref<2560x8xf32, #tpu.memory_space<hbm>>) target(%dma_start3A_47 : memref<2560x8xf32, #tpu.memory_space<vmem_shared>>) target_semaphore(%run_scoped3A_46 : memref<!tpu.dma_semaphore, #tpu.memory_space<semaphore_mem>>)
      %dma_wait3A = arith.constant 0 : i32
      %dma_wait3A_48 = tpu.memref_slice %arg15[%mul3A_2, %dma_wait3A] : memref<40960x8xf32, #tpu.memory_space<vmem_shared>> -> memref<2560x8xf32, #tpu.memory_space<vmem_shared>>
      tpu.wait_dma2 semaphore(%run_scoped3A_46 : memref<!tpu.dma_semaphore, #tpu.memory_space<semaphore_mem>>) src(%arg5 : memref<2560x8xf32, #tpu.memory_space<hbm>>) dst(%dma_wait3A_48 : memref<2560x8xf32, #tpu.memory_space<vmem_shared>>)
      tpu.yield
    }) : () -> ()
    "tpu.region"() ({
      %run_scoped3A_46 = tpu.sem_alloc : memref<!tpu.dma_semaphore, #tpu.memory_space<semaphore_mem>>
      tpu.enqueue_dma source(%arg2 : memref<30000xf32, #tpu.memory_space<hbm>>) target(%arg7 : memref<30000xf32, #tpu.memory_space<vmem>>) target_semaphore(%run_scoped3A_46 : memref<!tpu.dma_semaphore, #tpu.memory_space<semaphore_mem>>)
      tpu.wait_dma2 semaphore(%run_scoped3A_46 : memref<!tpu.dma_semaphore, #tpu.memory_space<semaphore_mem>>) src(%arg2 : memref<30000xf32, #tpu.memory_space<hbm>>) dst(%arg7 : memref<30000xf32, #tpu.memory_space<vmem>>)
      tpu.yield
    }) : () -> ()
    "tpu.region"() ({
      %run_scoped3A_46 = tpu.sem_alloc : memref<!tpu.dma_semaphore, #tpu.memory_space<semaphore_mem>>
      tpu.enqueue_dma source(%arg3 : memref<10000xi32, #tpu.memory_space<hbm>>) target(%arg8 : memref<10000xi32, #tpu.memory_space<vmem>>) target_semaphore(%run_scoped3A_46 : memref<!tpu.dma_semaphore, #tpu.memory_space<semaphore_mem>>)
      tpu.wait_dma2 semaphore(%run_scoped3A_46 : memref<!tpu.dma_semaphore, #tpu.memory_space<semaphore_mem>>) src(%arg3 : memref<10000xi32, #tpu.memory_space<hbm>>) dst(%arg8 : memref<10000xi32, #tpu.memory_space<vmem>>)
      tpu.yield
    }) : () -> ()
    %mul3A_3 = arith.constant 10000 : i32
    %mul3A_4 = arith.muli %add3A, %mul3A_3 : i32
    %multiple_of3A = tpu.assume_multiple %mul3A_4, 8 : i32
    %run_scoped3A = arith.constant 0 : i32
    "tpu.region"() ({
      %run_scoped3A_46 = tpu.sem_alloc : memref<!tpu.dma_semaphore, #tpu.memory_space<semaphore_mem>>
      %dma_start3A = tpu.memref_slice %arg4[%run_scoped3A, %multiple_of3A] : memref<2x320000xi32, #tpu.memory_space<hbm>> -> memref<1x10000xi32, #tpu.memory_space<hbm>>
      %dma_start3A_47 = tpu.memref_squeeze %dma_start3A : memref<1x10000xi32, #tpu.memory_space<hbm>> -> memref<10000xi32, #tpu.memory_space<hbm>>
      %dma_start3A_48 = tpu.memref_slice %arg4[%run_scoped3A, %multiple_of3A] : memref<2x320000xi32, #tpu.memory_space<hbm>> -> memref<1x10000xi32, #tpu.memory_space<hbm>>
      %dma_start3A_49 = tpu.memref_squeeze %dma_start3A_48 : memref<1x10000xi32, #tpu.memory_space<hbm>> -> memref<10000xi32, #tpu.memory_space<hbm>>
      tpu.enqueue_dma source(%dma_start3A_49 : memref<10000xi32, #tpu.memory_space<hbm>>) target(%arg9 : memref<10000xi32, #tpu.memory_space<vmem>>) target_semaphore(%run_scoped3A_46 : memref<!tpu.dma_semaphore, #tpu.memory_space<semaphore_mem>>)
      %dma_wait3A = tpu.memref_slice %arg4[%run_scoped3A, %multiple_of3A] : memref<2x320000xi32, #tpu.memory_space<hbm>> -> memref<1x10000xi32, #tpu.memory_space<hbm>>
      %dma_wait3A_50 = tpu.memref_squeeze %dma_wait3A : memref<1x10000xi32, #tpu.memory_space<hbm>> -> memref<10000xi32, #tpu.memory_space<hbm>>
      %dma_wait3A_51 = tpu.memref_slice %arg4[%run_scoped3A, %multiple_of3A] : memref<2x320000xi32, #tpu.memory_space<hbm>> -> memref<1x10000xi32, #tpu.memory_space<hbm>>
      %dma_wait3A_52 = tpu.memref_squeeze %dma_wait3A_51 : memref<1x10000xi32, #tpu.memory_space<hbm>> -> memref<10000xi32, #tpu.memory_space<hbm>>
      tpu.wait_dma2 semaphore(%run_scoped3A_46 : memref<!tpu.dma_semaphore, #tpu.memory_space<semaphore_mem>>) src(%dma_wait3A_52 : memref<10000xi32, #tpu.memory_space<hbm>>) dst(%arg9 : memref<10000xi32, #tpu.memory_space<vmem>>)
      tpu.yield
    }) : () -> ()
    %run_scoped3A_5 = arith.constant 1 : i32
    "tpu.region"() ({
      %run_scoped3A_46 = tpu.sem_alloc : memref<!tpu.dma_semaphore, #tpu.memory_space<semaphore_mem>>
      %dma_start3A = tpu.memref_slice %arg4[%run_scoped3A_5, %multiple_of3A] : memref<2x320000xi32, #tpu.memory_space<hbm>> -> memref<1x10000xi32, #tpu.memory_space<hbm>>
      %dma_start3A_47 = tpu.memref_squeeze %dma_start3A : memref<1x10000xi32, #tpu.memory_space<hbm>> -> memref<10000xi32, #tpu.memory_space<hbm>>
      %dma_start3A_48 = tpu.memref_slice %arg4[%run_scoped3A_5, %multiple_of3A] : memref<2x320000xi32, #tpu.memory_space<hbm>> -> memref<1x10000xi32, #tpu.memory_space<hbm>>
      %dma_start3A_49 = tpu.memref_squeeze %dma_start3A_48 : memref<1x10000xi32, #tpu.memory_space<hbm>> -> memref<10000xi32, #tpu.memory_space<hbm>>
      tpu.enqueue_dma source(%dma_start3A_49 : memref<10000xi32, #tpu.memory_space<hbm>>) target(%arg10 : memref<10000xi32, #tpu.memory_space<vmem>>) target_semaphore(%run_scoped3A_46 : memref<!tpu.dma_semaphore, #tpu.memory_space<semaphore_mem>>)
      %dma_wait3A = tpu.memref_slice %arg4[%run_scoped3A_5, %multiple_of3A] : memref<2x320000xi32, #tpu.memory_space<hbm>> -> memref<1x10000xi32, #tpu.memory_space<hbm>>
      %dma_wait3A_50 = tpu.memref_squeeze %dma_wait3A : memref<1x10000xi32, #tpu.memory_space<hbm>> -> memref<10000xi32, #tpu.memory_space<hbm>>
      %dma_wait3A_51 = tpu.memref_slice %arg4[%run_scoped3A_5, %multiple_of3A] : memref<2x320000xi32, #tpu.memory_space<hbm>> -> memref<1x10000xi32, #tpu.memory_space<hbm>>
      %dma_wait3A_52 = tpu.memref_squeeze %dma_wait3A_51 : memref<1x10000xi32, #tpu.memory_space<hbm>> -> memref<10000xi32, #tpu.memory_space<hbm>>
      tpu.wait_dma2 semaphore(%run_scoped3A_46 : memref<!tpu.dma_semaphore, #tpu.memory_space<semaphore_mem>>) src(%dma_wait3A_52 : memref<10000xi32, #tpu.memory_space<hbm>>) dst(%arg10 : memref<10000xi32, #tpu.memory_space<vmem>>)
      tpu.yield
    }) : () -> ()
    %barrier3A = arith.constant 0 : index
    tpu.barrier barrier_id(%barrier3A)
    %broadcast_in_dim3A = arith.constant 0 : i32
    %broadcast_in_dim3A_6 = vector.broadcast %broadcast_in_dim3A : i32 to vector<16xi32>
    %broadcast_in_dim3A_7 = arith.constant 10000 : i32
    %broadcast_in_dim3A_8 = vector.broadcast %broadcast_in_dim3A_7 : i32 to vector<16xi32>
    %broadcast_in_dim3A_9 = arith.constant 511 : i32
    %broadcast_in_dim3A_10 = vector.broadcast %broadcast_in_dim3A_9 : i32 to vector<16xi32>
    %broadcast_in_dim3A_11 = arith.constant 127 : i32
    %broadcast_in_dim3A_12 = vector.broadcast %broadcast_in_dim3A_11 : i32 to vector<16xi32>
    %scan3A = arith.constant 2.500000e+01 : f32
    %scan3A_13 = arith.constant 0 : i32
    %scan3A_14 = arith.constant 0 : i32
    %scan3A_15 = arith.constant 125 : i32
    %scan3A_16 = arith.addi %scan3A_14, %scan3A_15 : i32
    %scan3A_17 = arith.constant 1 : i32
    %scan3A_18 = scf.for %scan3A_46 = %scan3A_14 to %scan3A_16 step %scan3A_17 iter_args(%scan3A_47 = %scan3A_13) -> (i32)  : i32 {
      %mul3A_48 = arith.constant 80 : i32
      %mul3A_49 = arith.muli %scan3A_46, %mul3A_48 : i32
      %add3A_50 = arith.constant 0 : i32
      %add3A_51 = arith.addi %mul3A_49, %add3A_50 : i32
      %get3A = arith.index_cast %add3A_51 : i32 to index
      %get3A_52 = tpu.vector_load %arg9[%get3A] {strides = array<i32>} : memref<10000xi32, #tpu.memory_space<vmem>>, vector<16xi32>,
      %get3A_53 = arith.index_cast %add3A_51 : i32 to index
      %get3A_54 = tpu.vector_load %arg10[%get3A_53] {strides = array<i32>} : memref<10000xi32, #tpu.memory_space<vmem>>, vector<16xi32>,
      %add3A_55 = arith.addi %get3A_52, %get3A_52 : vector<16xi32>
      %add3A_56 = arith.addi %add3A_55, %get3A_52 : vector<16xi32>
      %add3A_57 = arith.addi %get3A_54, %get3A_54 : vector<16xi32>
      %add3A_58 = arith.addi %add3A_57, %get3A_54 : vector<16xi32>
      %gather3A = tpu.vector_load_idx %arg7[%add3A_56] : memref<30000xf32, #tpu.memory_space<vmem>>[vector<16xi32>], vector<16xf32>,
      %add3A_59 = arith.constant 1 : i32
      %add3A_60 = vector.broadcast %add3A_59 : i32 to vector<16xi32>
      %add3A_61 = arith.addi %add3A_56, %add3A_60 : vector<16xi32>
      %gather3A_62 = tpu.vector_load_idx %arg7[%add3A_61] : memref<30000xf32, #tpu.memory_space<vmem>>[vector<16xi32>], vector<16xf32>,
      %add3A_63 = arith.constant 2 : i32
      %add3A_64 = vector.broadcast %add3A_63 : i32 to vector<16xi32>
      %add3A_65 = arith.addi %add3A_56, %add3A_64 : vector<16xi32>
      %gather3A_66 = tpu.vector_load_idx %arg7[%add3A_65] : memref<30000xf32, #tpu.memory_space<vmem>>[vector<16xi32>], vector<16xf32>,
      %gather3A_67 = tpu.vector_load_idx %arg7[%add3A_58] : memref<30000xf32, #tpu.memory_space<vmem>>[vector<16xi32>], vector<16xf32>,
      %add3A_68 = arith.constant 1 : i32
      %add3A_69 = vector.broadcast %add3A_68 : i32 to vector<16xi32>
      %add3A_70 = arith.addi %add3A_58, %add3A_69 : vector<16xi32>
      %gather3A_71 = tpu.vector_load_idx %arg7[%add3A_70] : memref<30000xf32, #tpu.memory_space<vmem>>[vector<16xi32>], vector<16xf32>,
      %add3A_72 = arith.constant 2 : i32
      %add3A_73 = vector.broadcast %add3A_72 : i32 to vector<16xi32>
      %add3A_74 = arith.addi %add3A_58, %add3A_73 : vector<16xi32>
      %gather3A_75 = tpu.vector_load_idx %arg7[%add3A_74] : memref<30000xf32, #tpu.memory_space<vmem>>[vector<16xi32>], vector<16xf32>,
      %gather3A_76 = tpu.vector_load_idx %arg8[%get3A_52] : memref<10000xi32, #tpu.memory_space<vmem>>[vector<16xi32>], vector<16xi32>,
      %sub3A = arith.subf %gather3A_67, %gather3A : vector<16xf32>
      %sub3A_77 = arith.subf %gather3A_71, %gather3A_62 : vector<16xf32>
      %sub3A_78 = arith.subf %gather3A_75, %gather3A_66 : vector<16xf32>
      %mul3A_79 = arith.mulf %sub3A, %sub3A : vector<16xf32>
      %mul3A_80 = arith.mulf %sub3A_77, %sub3A_77 : vector<16xf32>
      %add3A_81 = arith.addf %mul3A_79, %mul3A_80 : vector<16xf32>
      %mul3A_82 = arith.mulf %sub3A_78, %sub3A_78 : vector<16xf32>
      %add3A_83 = arith.addf %add3A_81, %mul3A_82 : vector<16xf32>
      %lt3A = vector.broadcast %scan3A : f32 to vector<16xf32>
      %lt3A_84 = arith.cmpf olt, %add3A_83, %lt3A : vector<16xf32>
      %mul3A_85 = arith.constant 10240 : i32
      %mul3A_86 = vector.broadcast %mul3A_85 : i32 to vector<16xi32>
      %mul3A_87 = arith.muli %gather3A_76, %mul3A_86 : vector<16xi32>
      %add3A_88 = arith.addi %mul3A_87, %get3A_54 : vector<16xi32>
      %mul3A_89 = arith.constant 80 : i32
      %mul3A_90 = arith.muli %scan3A_46, %mul3A_89 : i32
      %add3A_91 = arith.constant 16 : i32
      %add3A_92 = arith.addi %mul3A_90, %add3A_91 : i32
      %get3A_93 = arith.index_cast %add3A_92 : i32 to index
      %get3A_94 = tpu.vector_load %arg9[%get3A_93] {strides = array<i32>} : memref<10000xi32, #tpu.memory_space<vmem>>, vector<16xi32>,
      %get3A_95 = arith.index_cast %add3A_92 : i32 to index
      %get3A_96 = tpu.vector_load %arg10[%get3A_95] {strides = array<i32>} : memref<10000xi32, #tpu.memory_space<vmem>>, vector<16xi32>,
      %add3A_97 = arith.addi %get3A_94, %get3A_94 : vector<16xi32>
      %add3A_98 = arith.addi %add3A_97, %get3A_94 : vector<16xi32>
      %add3A_99 = arith.addi %get3A_96, %get3A_96 : vector<16xi32>
      %add3A_100 = arith.addi %add3A_99, %get3A_96 : vector<16xi32>
      %gather3A_101 = tpu.vector_load_idx %arg7[%add3A_98] : memref<30000xf32, #tpu.memory_space<vmem>>[vector<16xi32>], vector<16xf32>,
      %add3A_102 = arith.constant 1 : i32
      %add3A_103 = vector.broadcast %add3A_102 : i32 to vector<16xi32>
      %add3A_104 = arith.addi %add3A_98, %add3A_103 : vector<16xi32>
      %gather3A_105 = tpu.vector_load_idx %arg7[%add3A_104] : memref<30000xf32, #tpu.memory_space<vmem>>[vector<16xi32>], vector<16xf32>,
      %add3A_106 = arith.constant 2 : i32
      %add3A_107 = vector.broadcast %add3A_106 : i32 to vector<16xi32>
      %add3A_108 = arith.addi %add3A_98, %add3A_107 : vector<16xi32>
      %gather3A_109 = tpu.vector_load_idx %arg7[%add3A_108] : memref<30000xf32, #tpu.memory_space<vmem>>[vector<16xi32>], vector<16xf32>,
      %gather3A_110 = tpu.vector_load_idx %arg7[%add3A_100] : memref<30000xf32, #tpu.memory_space<vmem>>[vector<16xi32>], vector<16xf32>,
      %add3A_111 = arith.constant 1 : i32
      %add3A_112 = vector.broadcast %add3A_111 : i32 to vector<16xi32>
      %add3A_113 = arith.addi %add3A_100, %add3A_112 : vector<16xi32>
      %gather3A_114 = tpu.vector_load_idx %arg7[%add3A_113] : memref<30000xf32, #tpu.memory_space<vmem>>[vector<16xi32>], vector<16xf32>,
      %add3A_115 = arith.constant 2 : i32
      %add3A_116 = vector.broadcast %add3A_115 : i32 to vector<16xi32>
      %add3A_117 = arith.addi %add3A_100, %add3A_116 : vector<16xi32>
      %gather3A_118 = tpu.vector_load_idx %arg7[%add3A_117] : memref<30000xf32, #tpu.memory_space<vmem>>[vector<16xi32>], vector<16xf32>,
      %gather3A_119 = tpu.vector_load_idx %arg8[%get3A_94] : memref<10000xi32, #tpu.memory_space<vmem>>[vector<16xi32>], vector<16xi32>,
      %sub3A_120 = arith.subf %gather3A_110, %gather3A_101 : vector<16xf32>
      %sub3A_121 = arith.subf %gather3A_114, %gather3A_105 : vector<16xf32>
      %sub3A_122 = arith.subf %gather3A_118, %gather3A_109 : vector<16xf32>
      %mul3A_123 = arith.mulf %sub3A_120, %sub3A_120 : vector<16xf32>
      %mul3A_124 = arith.mulf %sub3A_121, %sub3A_121 : vector<16xf32>
      %add3A_125 = arith.addf %mul3A_123, %mul3A_124 : vector<16xf32>
      %mul3A_126 = arith.mulf %sub3A_122, %sub3A_122 : vector<16xf32>
      %add3A_127 = arith.addf %add3A_125, %mul3A_126 : vector<16xf32>
      %lt3A_128 = vector.broadcast %scan3A : f32 to vector<16xf32>
      %lt3A_129 = arith.cmpf olt, %add3A_127, %lt3A_128 : vector<16xf32>
      %mul3A_130 = arith.constant 10240 : i32
      %mul3A_131 = vector.broadcast %mul3A_130 : i32 to vector<16xi32>
      %mul3A_132 = arith.muli %gather3A_119, %mul3A_131 : vector<16xi32>
      %add3A_133 = arith.addi %mul3A_132, %get3A_96 : vector<16xi32>
      %mul3A_134 = arith.constant 80 : i32
      %mul3A_135 = arith.muli %scan3A_46, %mul3A_134 : i32
      %add3A_136 = arith.constant 32 : i32
      %add3A_137 = arith.addi %mul3A_135, %add3A_136 : i32
      %get3A_138 = arith.index_cast %add3A_137 : i32 to index
      %get3A_139 = tpu.vector_load %arg9[%get3A_138] {strides = array<i32>} : memref<10000xi32, #tpu.memory_space<vmem>>, vector<16xi32>,
      %get3A_140 = arith.index_cast %add3A_137 : i32 to index
      %get3A_141 = tpu.vector_load %arg10[%get3A_140] {strides = array<i32>} : memref<10000xi32, #tpu.memory_space<vmem>>, vector<16xi32>,
      %add3A_142 = arith.addi %get3A_139, %get3A_139 : vector<16xi32>
      %add3A_143 = arith.addi %add3A_142, %get3A_139 : vector<16xi32>
      %add3A_144 = arith.addi %get3A_141, %get3A_141 : vector<16xi32>
      %add3A_145 = arith.addi %add3A_144, %get3A_141 : vector<16xi32>
      %gather3A_146 = tpu.vector_load_idx %arg7[%add3A_143] : memref<30000xf32, #tpu.memory_space<vmem>>[vector<16xi32>], vector<16xf32>,
      %add3A_147 = arith.constant 1 : i32
      %add3A_148 = vector.broadcast %add3A_147 : i32 to vector<16xi32>
      %add3A_149 = arith.addi %add3A_143, %add3A_148 : vector<16xi32>
      %gather3A_150 = tpu.vector_load_idx %arg7[%add3A_149] : memref<30000xf32, #tpu.memory_space<vmem>>[vector<16xi32>], vector<16xf32>,
      %add3A_151 = arith.constant 2 : i32
      %add3A_152 = vector.broadcast %add3A_151 : i32 to vector<16xi32>
      %add3A_153 = arith.addi %add3A_143, %add3A_152 : vector<16xi32>
      %gather3A_154 = tpu.vector_load_idx %arg7[%add3A_153] : memref<30000xf32, #tpu.memory_space<vmem>>[vector<16xi32>], vector<16xf32>,
      %gather3A_155 = tpu.vector_load_idx %arg7[%add3A_145] : memref<30000xf32, #tpu.memory_space<vmem>>[vector<16xi32>], vector<16xf32>,
      %add3A_156 = arith.constant 1 : i32
      %add3A_157 = vector.broadcast %add3A_156 : i32 to vector<16xi32>
      %add3A_158 = arith.addi %add3A_145, %add3A_157 : vector<16xi32>
      %gather3A_159 = tpu.vector_load_idx %arg7[%add3A_158] : memref<30000xf32, #tpu.memory_space<vmem>>[vector<16xi32>], vector<16xf32>,
      %add3A_160 = arith.constant 2 : i32
      %add3A_161 = vector.broadcast %add3A_160 : i32 to vector<16xi32>
      %add3A_162 = arith.addi %add3A_145, %add3A_161 : vector<16xi32>
      %gather3A_163 = tpu.vector_load_idx %arg7[%add3A_162] : memref<30000xf32, #tpu.memory_space<vmem>>[vector<16xi32>], vector<16xf32>,
      %gather3A_164 = tpu.vector_load_idx %arg8[%get3A_139] : memref<10000xi32, #tpu.memory_space<vmem>>[vector<16xi32>], vector<16xi32>,
      %sub3A_165 = arith.subf %gather3A_155, %gather3A_146 : vector<16xf32>
      %sub3A_166 = arith.subf %gather3A_159, %gather3A_150 : vector<16xf32>
      %sub3A_167 = arith.subf %gather3A_163, %gather3A_154 : vector<16xf32>
      %mul3A_168 = arith.mulf %sub3A_165, %sub3A_165 : vector<16xf32>
      %mul3A_169 = arith.mulf %sub3A_166, %sub3A_166 : vector<16xf32>
      %add3A_170 = arith.addf %mul3A_168, %mul3A_169 : vector<16xf32>
      %mul3A_171 = arith.mulf %sub3A_167, %sub3A_167 : vector<16xf32>
      %add3A_172 = arith.addf %add3A_170, %mul3A_171 : vector<16xf32>
      %lt3A_173 = vector.broadcast %scan3A : f32 to vector<16xf32>
      %lt3A_174 = arith.cmpf olt, %add3A_172, %lt3A_173 : vector<16xf32>
      %mul3A_175 = arith.constant 10240 : i32
      %mul3A_176 = vector.broadcast %mul3A_175 : i32 to vector<16xi32>
      %mul3A_177 = arith.muli %gather3A_164, %mul3A_176 : vector<16xi32>
      %add3A_178 = arith.addi %mul3A_177, %get3A_141 : vector<16xi32>
      %mul3A_179 = arith.constant 80 : i32
      %mul3A_180 = arith.muli %scan3A_46, %mul3A_179 : i32
      %add3A_181 = arith.constant 48 : i32
      %add3A_182 = arith.addi %mul3A_180, %add3A_181 : i32
      %get3A_183 = arith.index_cast %add3A_182 : i32 to index
      %get3A_184 = tpu.vector_load %arg9[%get3A_183] {strides = array<i32>} : memref<10000xi32, #tpu.memory_space<vmem>>, vector<16xi32>,
      %get3A_185 = arith.index_cast %add3A_182 : i32 to index
      %get3A_186 = tpu.vector_load %arg10[%get3A_185] {strides = array<i32>} : memref<10000xi32, #tpu.memory_space<vmem>>, vector<16xi32>,
      %add3A_187 = arith.addi %get3A_184, %get3A_184 : vector<16xi32>
      %add3A_188 = arith.addi %add3A_187, %get3A_184 : vector<16xi32>
      %add3A_189 = arith.addi %get3A_186, %get3A_186 : vector<16xi32>
      %add3A_190 = arith.addi %add3A_189, %get3A_186 : vector<16xi32>
      %gather3A_191 = tpu.vector_load_idx %arg7[%add3A_188] : memref<30000xf32, #tpu.memory_space<vmem>>[vector<16xi32>], vector<16xf32>,
      %add3A_192 = arith.constant 1 : i32
      %add3A_193 = vector.broadcast %add3A_192 : i32 to vector<16xi32>
      %add3A_194 = arith.addi %add3A_188, %add3A_193 : vector<16xi32>
      %gather3A_195 = tpu.vector_load_idx %arg7[%add3A_194] : memref<30000xf32, #tpu.memory_space<vmem>>[vector<16xi32>], vector<16xf32>,
      %add3A_196 = arith.constant 2 : i32
      %add3A_197 = vector.broadcast %add3A_196 : i32 to vector<16xi32>
      %add3A_198 = arith.addi %add3A_188, %add3A_197 : vector<16xi32>
      %gather3A_199 = tpu.vector_load_idx %arg7[%add3A_198] : memref<30000xf32, #tpu.memory_space<vmem>>[vector<16xi32>], vector<16xf32>,
      %gather3A_200 = tpu.vector_load_idx %arg7[%add3A_190] : memref<30000xf32, #tpu.memory_space<vmem>>[vector<16xi32>], vector<16xf32>,
      %add3A_201 = arith.constant 1 : i32
      %add3A_202 = vector.broadcast %add3A_201 : i32 to vector<16xi32>
      %add3A_203 = arith.addi %add3A_190, %add3A_202 : vector<16xi32>
      %gather3A_204 = tpu.vector_load_idx %arg7[%add3A_203] : memref<30000xf32, #tpu.memory_space<vmem>>[vector<16xi32>], vector<16xf32>,
      %add3A_205 = arith.constant 2 : i32
      %add3A_206 = vector.broadcast %add3A_205 : i32 to vector<16xi32>
      %add3A_207 = arith.addi %add3A_190, %add3A_206 : vector<16xi32>
      %gather3A_208 = tpu.vector_load_idx %arg7[%add3A_207] : memref<30000xf32, #tpu.memory_space<vmem>>[vector<16xi32>], vector<16xf32>,
      %gather3A_209 = tpu.vector_load_idx %arg8[%get3A_184] : memref<10000xi32, #tpu.memory_space<vmem>>[vector<16xi32>], vector<16xi32>,
      %sub3A_210 = arith.subf %gather3A_200, %gather3A_191 : vector<16xf32>
      %sub3A_211 = arith.subf %gather3A_204, %gather3A_195 : vector<16xf32>
      %sub3A_212 = arith.subf %gather3A_208, %gather3A_199 : vector<16xf32>
      %mul3A_213 = arith.mulf %sub3A_210, %sub3A_210 : vector<16xf32>
      %mul3A_214 = arith.mulf %sub3A_211, %sub3A_211 : vector<16xf32>
      %add3A_215 = arith.addf %mul3A_213, %mul3A_214 : vector<16xf32>
      %mul3A_216 = arith.mulf %sub3A_212, %sub3A_212 : vector<16xf32>
      %add3A_217 = arith.addf %add3A_215, %mul3A_216 : vector<16xf32>
      %lt3A_218 = vector.broadcast %scan3A : f32 to vector<16xf32>
      %lt3A_219 = arith.cmpf olt, %add3A_217, %lt3A_218 : vector<16xf32>
      %mul3A_220 = arith.constant 10240 : i32
      %mul3A_221 = vector.broadcast %mul3A_220 : i32 to vector<16xi32>
      %mul3A_222 = arith.muli %gather3A_209, %mul3A_221 : vector<16xi32>
      %add3A_223 = arith.addi %mul3A_222, %get3A_186 : vector<16xi32>
      %mul3A_224 = arith.constant 80 : i32
      %mul3A_225 = arith.muli %scan3A_46, %mul3A_224 : i32
      %add3A_226 = arith.constant 64 : i32
      %add3A_227 = arith.addi %mul3A_225, %add3A_226 : i32
      %get3A_228 = arith.index_cast %add3A_227 : i32 to index
      %get3A_229 = tpu.vector_load %arg9[%get3A_228] {strides = array<i32>} : memref<10000xi32, #tpu.memory_space<vmem>>, vector<16xi32>,
      %get3A_230 = arith.index_cast %add3A_227 : i32 to index
      %get3A_231 = tpu.vector_load %arg10[%get3A_230] {strides = array<i32>} : memref<10000xi32, #tpu.memory_space<vmem>>, vector<16xi32>,
      %add3A_232 = arith.addi %get3A_229, %get3A_229 : vector<16xi32>
      %add3A_233 = arith.addi %add3A_232, %get3A_229 : vector<16xi32>
      %add3A_234 = arith.addi %get3A_231, %get3A_231 : vector<16xi32>
      %add3A_235 = arith.addi %add3A_234, %get3A_231 : vector<16xi32>
      %gather3A_236 = tpu.vector_load_idx %arg7[%add3A_233] : memref<30000xf32, #tpu.memory_space<vmem>>[vector<16xi32>], vector<16xf32>,
      %add3A_237 = arith.constant 1 : i32
      %add3A_238 = vector.broadcast %add3A_237 : i32 to vector<16xi32>
      %add3A_239 = arith.addi %add3A_233, %add3A_238 : vector<16xi32>
      %gather3A_240 = tpu.vector_load_idx %arg7[%add3A_239] : memref<30000xf32, #tpu.memory_space<vmem>>[vector<16xi32>], vector<16xf32>,
      %add3A_241 = arith.constant 2 : i32
      %add3A_242 = vector.broadcast %add3A_241 : i32 to vector<16xi32>
      %add3A_243 = arith.addi %add3A_233, %add3A_242 : vector<16xi32>
      %gather3A_244 = tpu.vector_load_idx %arg7[%add3A_243] : memref<30000xf32, #tpu.memory_space<vmem>>[vector<16xi32>], vector<16xf32>,
      %gather3A_245 = tpu.vector_load_idx %arg7[%add3A_235] : memref<30000xf32, #tpu.memory_space<vmem>>[vector<16xi32>], vector<16xf32>,
      %add3A_246 = arith.constant 1 : i32
      %add3A_247 = vector.broadcast %add3A_246 : i32 to vector<16xi32>
      %add3A_248 = arith.addi %add3A_235, %add3A_247 : vector<16xi32>
      %gather3A_249 = tpu.vector_load_idx %arg7[%add3A_248] : memref<30000xf32, #tpu.memory_space<vmem>>[vector<16xi32>], vector<16xf32>,
      %add3A_250 = arith.constant 2 : i32
      %add3A_251 = vector.broadcast %add3A_250 : i32 to vector<16xi32>
      %add3A_252 = arith.addi %add3A_235, %add3A_251 : vector<16xi32>
      %gather3A_253 = tpu.vector_load_idx %arg7[%add3A_252] : memref<30000xf32, #tpu.memory_space<vmem>>[vector<16xi32>], vector<16xf32>,
      %gather3A_254 = tpu.vector_load_idx %arg8[%get3A_229] : memref<10000xi32, #tpu.memory_space<vmem>>[vector<16xi32>], vector<16xi32>,
      %sub3A_255 = arith.subf %gather3A_245, %gather3A_236 : vector<16xf32>
      %sub3A_256 = arith.subf %gather3A_249, %gather3A_240 : vector<16xf32>
      %sub3A_257 = arith.subf %gather3A_253, %gather3A_244 : vector<16xf32>
      %mul3A_258 = arith.mulf %sub3A_255, %sub3A_255 : vector<16xf32>
      %mul3A_259 = arith.mulf %sub3A_256, %sub3A_256 : vector<16xf32>
      %add3A_260 = arith.addf %mul3A_258, %mul3A_259 : vector<16xf32>
      %mul3A_261 = arith.mulf %sub3A_257, %sub3A_257 : vector<16xf32>
      %add3A_262 = arith.addf %add3A_260, %mul3A_261 : vector<16xf32>
      %lt3A_263 = vector.broadcast %scan3A : f32 to vector<16xf32>
      %lt3A_264 = arith.cmpf olt, %add3A_262, %lt3A_263 : vector<16xf32>
      %mul3A_265 = arith.constant 10240 : i32
      %mul3A_266 = vector.broadcast %mul3A_265 : i32 to vector<16xi32>
      %mul3A_267 = arith.muli %gather3A_254, %mul3A_266 : vector<16xi32>
      %add3A_268 = arith.addi %mul3A_267, %get3A_231 : vector<16xi32>
      %convert_element_type3A_269 = arith.extui %lt3A_84 : vector<16xi1> to vector<16xi32>
      %broadcast_in_dim3A_270 = arith.constant true
      %broadcast_in_dim3A_271 = vector.broadcast %broadcast_in_dim3A_270 : i1 to vector<16xi1>
      %masked_cumsum3A = tpu.scan <sum>, %convert_element_type3A_269 masked %broadcast_in_dim3A_271 : vector<16xi32>, vector<16xi1> -> vector<16xi32>
      %add3A_272 = vector.broadcast %scan3A_47 : i32 to vector<16xi32>
      %add3A_273 = arith.addi %add3A_272, %masked_cumsum3A : vector<16xi32>
      %sub3A_274 = arith.constant 1 : i32
      %sub3A_275 = vector.broadcast %sub3A_274 : i32 to vector<16xi32>
      %sub3A_276 = arith.subi %add3A_273, %sub3A_275 : vector<16xi32>
      %bitcast3A = vector.bitcast %sub3A : vector<16xf32> to vector<16xi32>
      tpu.vector_store_idx %arg9[%sub3A_276], %bitcast3A masked %lt3A_84 : memref<10000xi32, #tpu.memory_space<vmem>>[vector<16xi32>], vector<16xi32>, vector<16xi1>
      %bitcast3A_277 = vector.bitcast %sub3A_77 : vector<16xf32> to vector<16xi32>
      tpu.vector_store_idx %arg10[%sub3A_276], %bitcast3A_277 masked %lt3A_84 : memref<10000xi32, #tpu.memory_space<vmem>>[vector<16xi32>], vector<16xi32>, vector<16xi1>
      %bitcast3A_278 = vector.bitcast %sub3A_78 : vector<16xf32> to vector<16xi32>
      tpu.vector_store_idx %arg11[%sub3A_276], %bitcast3A_278 masked %lt3A_84 : memref<10000xi32, #tpu.memory_space<vmem>>[vector<16xi32>], vector<16xi32>, vector<16xi1>
      tpu.vector_store_idx %arg12[%sub3A_276], %add3A_88 masked %lt3A_84 : memref<10000xi32, #tpu.memory_space<vmem>>[vector<16xi32>], vector<16xi32>, vector<16xi1>
      %slice3A = vector.extract_strided_slice %masked_cumsum3A {offsets = [15], sizes = [1], strides = [1]} : vector<16xi32> to vector<1xi32>
      %squeeze3A = vector.extract %slice3A[0] : i32 from vector<1xi32>
      %add3A_279 = arith.addi %scan3A_47, %squeeze3A : i32
      %convert_element_type3A_280 = arith.extui %lt3A_129 : vector<16xi1> to vector<16xi32>
      %broadcast_in_dim3A_281 = arith.constant true
      %broadcast_in_dim3A_282 = vector.broadcast %broadcast_in_dim3A_281 : i1 to vector<16xi1>
      %masked_cumsum3A_283 = tpu.scan <sum>, %convert_element_type3A_280 masked %broadcast_in_dim3A_282 : vector<16xi32>, vector<16xi1> -> vector<16xi32>
      %add3A_284 = vector.broadcast %add3A_279 : i32 to vector<16xi32>
      %add3A_285 = arith.addi %add3A_284, %masked_cumsum3A_283 : vector<16xi32>
      %sub3A_286 = arith.constant 1 : i32
      %sub3A_287 = vector.broadcast %sub3A_286 : i32 to vector<16xi32>
      %sub3A_288 = arith.subi %add3A_285, %sub3A_287 : vector<16xi32>
      %bitcast3A_289 = vector.bitcast %sub3A_120 : vector<16xf32> to vector<16xi32>
      tpu.vector_store_idx %arg9[%sub3A_288], %bitcast3A_289 masked %lt3A_129 : memref<10000xi32, #tpu.memory_space<vmem>>[vector<16xi32>], vector<16xi32>, vector<16xi1>
      %bitcast3A_290 = vector.bitcast %sub3A_121 : vector<16xf32> to vector<16xi32>
      tpu.vector_store_idx %arg10[%sub3A_288], %bitcast3A_290 masked %lt3A_129 : memref<10000xi32, #tpu.memory_space<vmem>>[vector<16xi32>], vector<16xi32>, vector<16xi1>
      %bitcast3A_291 = vector.bitcast %sub3A_122 : vector<16xf32> to vector<16xi32>
      tpu.vector_store_idx %arg11[%sub3A_288], %bitcast3A_291 masked %lt3A_129 : memref<10000xi32, #tpu.memory_space<vmem>>[vector<16xi32>], vector<16xi32>, vector<16xi1>
      tpu.vector_store_idx %arg12[%sub3A_288], %add3A_133 masked %lt3A_129 : memref<10000xi32, #tpu.memory_space<vmem>>[vector<16xi32>], vector<16xi32>, vector<16xi1>
      %slice3A_292 = vector.extract_strided_slice %masked_cumsum3A_283 {offsets = [15], sizes = [1], strides = [1]} : vector<16xi32> to vector<1xi32>
      %squeeze3A_293 = vector.extract %slice3A_292[0] : i32 from vector<1xi32>
      %add3A_294 = arith.addi %add3A_279, %squeeze3A_293 : i32
      %convert_element_type3A_295 = arith.extui %lt3A_174 : vector<16xi1> to vector<16xi32>
      %broadcast_in_dim3A_296 = arith.constant true
      %broadcast_in_dim3A_297 = vector.broadcast %broadcast_in_dim3A_296 : i1 to vector<16xi1>
      %masked_cumsum3A_298 = tpu.scan <sum>, %convert_element_type3A_295 masked %broadcast_in_dim3A_297 : vector<16xi32>, vector<16xi1> -> vector<16xi32>
      %add3A_299 = vector.broadcast %add3A_294 : i32 to vector<16xi32>
      %add3A_300 = arith.addi %add3A_299, %masked_cumsum3A_298 : vector<16xi32>
      %sub3A_301 = arith.constant 1 : i32
      %sub3A_302 = vector.broadcast %sub3A_301 : i32 to vector<16xi32>
      %sub3A_303 = arith.subi %add3A_300, %sub3A_302 : vector<16xi32>
      %bitcast3A_304 = vector.bitcast %sub3A_165 : vector<16xf32> to vector<16xi32>
      tpu.vector_store_idx %arg9[%sub3A_303], %bitcast3A_304 masked %lt3A_174 : memref<10000xi32, #tpu.memory_space<vmem>>[vector<16xi32>], vector<16xi32>, vector<16xi1>
      %bitcast3A_305 = vector.bitcast %sub3A_166 : vector<16xf32> to vector<16xi32>
      tpu.vector_store_idx %arg10[%sub3A_303], %bitcast3A_305 masked %lt3A_174 : memref<10000xi32, #tpu.memory_space<vmem>>[vector<16xi32>], vector<16xi32>, vector<16xi1>
      %bitcast3A_306 = vector.bitcast %sub3A_167 : vector<16xf32> to vector<16xi32>
      tpu.vector_store_idx %arg11[%sub3A_303], %bitcast3A_306 masked %lt3A_174 : memref<10000xi32, #tpu.memory_space<vmem>>[vector<16xi32>], vector<16xi32>, vector<16xi1>
      tpu.vector_store_idx %arg12[%sub3A_303], %add3A_178 masked %lt3A_174 : memref<10000xi32, #tpu.memory_space<vmem>>[vector<16xi32>], vector<16xi32>, vector<16xi1>
      %slice3A_307 = vector.extract_strided_slice %masked_cumsum3A_298 {offsets = [15], sizes = [1], strides = [1]} : vector<16xi32> to vector<1xi32>
      %squeeze3A_308 = vector.extract %slice3A_307[0] : i32 from vector<1xi32>
      %add3A_309 = arith.addi %add3A_294, %squeeze3A_308 : i32
      %convert_element_type3A_310 = arith.extui %lt3A_219 : vector<16xi1> to vector<16xi32>
      %broadcast_in_dim3A_311 = arith.constant true
      %broadcast_in_dim3A_312 = vector.broadcast %broadcast_in_dim3A_311 : i1 to vector<16xi1>
      %masked_cumsum3A_313 = tpu.scan <sum>, %convert_element_type3A_310 masked %broadcast_in_dim3A_312 : vector<16xi32>, vector<16xi1> -> vector<16xi32>
      %add3A_314 = vector.broadcast %add3A_309 : i32 to vector<16xi32>
      %add3A_315 = arith.addi %add3A_314, %masked_cumsum3A_313 : vector<16xi32>
      %sub3A_316 = arith.constant 1 : i32
      %sub3A_317 = vector.broadcast %sub3A_316 : i32 to vector<16xi32>
      %sub3A_318 = arith.subi %add3A_315, %sub3A_317 : vector<16xi32>
      %bitcast3A_319 = vector.bitcast %sub3A_210 : vector<16xf32> to vector<16xi32>
      tpu.vector_store_idx %arg9[%sub3A_318], %bitcast3A_319 masked %lt3A_219 : memref<10000xi32, #tpu.memory_space<vmem>>[vector<16xi32>], vector<16xi32>, vector<16xi1>
      %bitcast3A_320 = vector.bitcast %sub3A_211 : vector<16xf32> to vector<16xi32>
      tpu.vector_store_idx %arg10[%sub3A_318], %bitcast3A_320 masked %lt3A_219 : memref<10000xi32, #tpu.memory_space<vmem>>[vector<16xi32>], vector<16xi32>, vector<16xi1>
      %bitcast3A_321 = vector.bitcast %sub3A_212 : vector<16xf32> to vector<16xi32>
      tpu.vector_store_idx %arg11[%sub3A_318], %bitcast3A_321 masked %lt3A_219 : memref<10000xi32, #tpu.memory_space<vmem>>[vector<16xi32>], vector<16xi32>, vector<16xi1>
      tpu.vector_store_idx %arg12[%sub3A_318], %add3A_223 masked %lt3A_219 : memref<10000xi32, #tpu.memory_space<vmem>>[vector<16xi32>], vector<16xi32>, vector<16xi1>
      %slice3A_322 = vector.extract_strided_slice %masked_cumsum3A_313 {offsets = [15], sizes = [1], strides = [1]} : vector<16xi32> to vector<1xi32>
      %squeeze3A_323 = vector.extract %slice3A_322[0] : i32 from vector<1xi32>
      %add3A_324 = arith.addi %add3A_309, %squeeze3A_323 : i32
      %convert_element_type3A_325 = arith.extui %lt3A_264 : vector<16xi1> to vector<16xi32>
      %broadcast_in_dim3A_326 = arith.constant true
      %broadcast_in_dim3A_327 = vector.broadcast %broadcast_in_dim3A_326 : i1 to vector<16xi1>
      %masked_cumsum3A_328 = tpu.scan <sum>, %convert_element_type3A_325 masked %broadcast_in_dim3A_327 : vector<16xi32>, vector<16xi1> -> vector<16xi32>
      %add3A_329 = vector.broadcast %add3A_324 : i32 to vector<16xi32>
      %add3A_330 = arith.addi %add3A_329, %masked_cumsum3A_328 : vector<16xi32>
      %sub3A_331 = arith.constant 1 : i32
      %sub3A_332 = vector.broadcast %sub3A_331 : i32 to vector<16xi32>
      %sub3A_333 = arith.subi %add3A_330, %sub3A_332 : vector<16xi32>
      %bitcast3A_334 = vector.bitcast %sub3A_255 : vector<16xf32> to vector<16xi32>
      tpu.vector_store_idx %arg9[%sub3A_333], %bitcast3A_334 masked %lt3A_264 : memref<10000xi32, #tpu.memory_space<vmem>>[vector<16xi32>], vector<16xi32>, vector<16xi1>
      %bitcast3A_335 = vector.bitcast %sub3A_256 : vector<16xf32> to vector<16xi32>
      tpu.vector_store_idx %arg10[%sub3A_333], %bitcast3A_335 masked %lt3A_264 : memref<10000xi32, #tpu.memory_space<vmem>>[vector<16xi32>], vector<16xi32>, vector<16xi1>
      %bitcast3A_336 = vector.bitcast %sub3A_257 : vector<16xf32> to vector<16xi32>
      tpu.vector_store_idx %arg11[%sub3A_333], %bitcast3A_336 masked %lt3A_264 : memref<10000xi32, #tpu.memory_space<vmem>>[vector<16xi32>], vector<16xi32>, vector<16xi1>
      tpu.vector_store_idx %arg12[%sub3A_333], %add3A_268 masked %lt3A_264 : memref<10000xi32, #tpu.memory_space<vmem>>[vector<16xi32>], vector<16xi32>, vector<16xi1>
      %slice3A_337 = vector.extract_strided_slice %masked_cumsum3A_328 {offsets = [15], sizes = [1], strides = [1]} : vector<16xi32> to vector<1xi32>
      %squeeze3A_338 = vector.extract %slice3A_337[0] : i32 from vector<1xi32>
      %add3A_339 = arith.addi %add3A_324, %squeeze3A_338 : i32
      scf.yield %add3A_339 : i32
    }
    %scan3A_19 = arith.constant 125 : i32
    %iota3A = tpu.iota {dimensions = array<i32: 0>} : vector<16xi32>
    %add3A_20 = arith.constant 63 : i32
    %add3A_21 = arith.addi %scan3A_18, %add3A_20 : i32
    %shift_right_logical3A = arith.constant 6 : i32
    %shift_right_logical3A_22 = arith.shrui %add3A_21, %shift_right_logical3A : i32
    %while3A = arith.constant 5.000000e+00 : f32
    %while3A_23 = arith.constant 0.628318548 : f32
    %while3A_24 = arith.constant 0.636619746 : f32
    %while3A_25 = arith.constant 1.57079637 : f32
    %while3A_26 = arith.constant 0 : i32
    %while3A_27 = arith.constant 0 : i32
    %while3A_28 = arith.subi %shift_right_logical3A_22, %while3A_26 : i32
    %while3A_29 = arith.addi %while3A_26, %while3A_28 : i32
    %while3A_30 = arith.constant 1 : i32
    %while3A_31 = arith.divsi %while3A_28, %while3A_30 : i32
    %while3A_32 = arith.muli %while3A_31, %while3A_30 : i32
    %while3A_33 = arith.addi %while3A_26, %while3A_32 : i32
    %while3A_34 = arith.constant 1 : i32
    %while3A_35 = scf.for %while3A_46 = %while3A_26 to %while3A_33 step %while3A_34 iter_args(%while3A_47 = %while3A_27) -> (i32)  : i32 {
      %mul3A_48 = arith.constant 64 : i32
      %mul3A_49 = arith.muli %while3A_46, %mul3A_48 : i32
      %min3A = arith.minsi %mul3A_49, %scan3A_18 : i32
      %mul3A_50 = arith.constant 64 : i32
      %mul3A_51 = arith.muli %while3A_46, %mul3A_50 : i32
      %add3A_52 = arith.constant 64 : i32
      %add3A_53 = arith.addi %mul3A_51, %add3A_52 : i32
      %min3A_54 = arith.minsi %add3A_53, %scan3A_18 : i32
      %mul3A_55 = arith.constant 64 : i32
      %mul3A_56 = arith.muli %while3A_46, %mul3A_55 : i32
      %add3A_57 = arith.constant 0 : i32
      %add3A_58 = arith.addi %mul3A_56, %add3A_57 : i32
      %add3A_59 = vector.broadcast %add3A_58 : i32 to vector<16xi32>
      %add3A_60 = arith.addi %add3A_59, %iota3A : vector<16xi32>
      %lt3A = vector.broadcast %scan3A_18 : i32 to vector<16xi32>
      %lt3A_61 = arith.cmpi slt, %add3A_60, %lt3A : vector<16xi32>
      %get3A = arith.index_cast %add3A_58 : i32 to index
      %get3A_62 = tpu.vector_load %arg9[%get3A] {strides = array<i32>} : memref<10000xi32, #tpu.memory_space<vmem>>, vector<16xi32>,
      %bitcast3A = vector.bitcast %get3A_62 : vector<16xi32> to vector<16xf32>
      %get3A_63 = arith.index_cast %add3A_58 : i32 to index
      %get3A_64 = tpu.vector_load %arg10[%get3A_63] {strides = array<i32>} : memref<10000xi32, #tpu.memory_space<vmem>>, vector<16xi32>,
      %bitcast3A_65 = vector.bitcast %get3A_64 : vector<16xi32> to vector<16xf32>
      %get3A_66 = arith.index_cast %add3A_58 : i32 to index
      %get3A_67 = tpu.vector_load %arg11[%get3A_66] {strides = array<i32>} : memref<10000xi32, #tpu.memory_space<vmem>>, vector<16xi32>,
      %bitcast3A_68 = vector.bitcast %get3A_67 : vector<16xi32> to vector<16xf32>
      %get3A_69 = arith.index_cast %add3A_58 : i32 to index
      %get3A_70 = tpu.vector_load %arg12[%get3A_69] {strides = array<i32>} : memref<10000xi32, #tpu.memory_space<vmem>>, vector<16xi32>,
      %mul3A_71 = arith.mulf %bitcast3A, %bitcast3A : vector<16xf32>
      %mul3A_72 = arith.mulf %bitcast3A_65, %bitcast3A_65 : vector<16xf32>
      %add3A_73 = arith.addf %mul3A_71, %mul3A_72 : vector<16xf32>
      %mul3A_74 = arith.mulf %bitcast3A_68, %bitcast3A_68 : vector<16xf32>
      %add3A_75 = arith.addf %add3A_73, %mul3A_74 : vector<16xf32>
      %add3A_76 = arith.constant 9.99999996E-13 : f32
      %add3A_77 = vector.broadcast %add3A_76 : f32 to vector<16xf32>
      %add3A_78 = arith.addf %add3A_75, %add3A_77 : vector<16xf32>
      %bitcast3A_79 = vector.bitcast %add3A_78 : vector<16xf32> to vector<16xi32>
      %shift_right_arithmetic3A = arith.constant 1 : i32
      %shift_right_arithmetic3A_80 = vector.broadcast %shift_right_arithmetic3A : i32 to vector<16xi32>
      %shift_right_arithmetic3A_81 = arith.shrsi %bitcast3A_79, %shift_right_arithmetic3A_80 : vector<16xi32>
      %sub3A = arith.constant 1597463007 : i32
      %sub3A_82 = vector.broadcast %sub3A : i32 to vector<16xi32>
      %sub3A_83 = arith.subi %sub3A_82, %shift_right_arithmetic3A_81 : vector<16xi32>
      %bitcast3A_84 = vector.bitcast %sub3A_83 : vector<16xi32> to vector<16xf32>
      %mul3A_85 = arith.constant 5.000000e-01 : f32
      %mul3A_86 = vector.broadcast %mul3A_85 : f32 to vector<16xf32>
      %mul3A_87 = arith.mulf %mul3A_86, %add3A_78 : vector<16xf32>
      %mul3A_88 = arith.mulf %mul3A_87, %bitcast3A_84 : vector<16xf32>
      %mul3A_89 = arith.mulf %mul3A_88, %bitcast3A_84 : vector<16xf32>
      %sub3A_90 = arith.constant 1.500000e+00 : f32
      %sub3A_91 = vector.broadcast %sub3A_90 : f32 to vector<16xf32>
      %sub3A_92 = arith.subf %sub3A_91, %mul3A_89 : vector<16xf32>
      %mul3A_93 = arith.mulf %bitcast3A_84, %sub3A_92 : vector<16xf32>
      %mul3A_94 = arith.constant 5.000000e-01 : f32
      %mul3A_95 = vector.broadcast %mul3A_94 : f32 to vector<16xf32>
      %mul3A_96 = arith.mulf %mul3A_95, %add3A_78 : vector<16xf32>
      %mul3A_97 = arith.mulf %mul3A_96, %mul3A_93 : vector<16xf32>
      %mul3A_98 = arith.mulf %mul3A_97, %mul3A_93 : vector<16xf32>
      %sub3A_99 = arith.constant 1.500000e+00 : f32
      %sub3A_100 = vector.broadcast %sub3A_99 : f32 to vector<16xf32>
      %sub3A_101 = arith.subf %sub3A_100, %mul3A_98 : vector<16xf32>
      %mul3A_102 = arith.mulf %mul3A_93, %sub3A_101 : vector<16xf32>
      %mul3A_103 = arith.constant 5.000000e-01 : f32
      %mul3A_104 = vector.broadcast %mul3A_103 : f32 to vector<16xf32>
      %mul3A_105 = arith.mulf %mul3A_104, %add3A_78 : vector<16xf32>
      %mul3A_106 = arith.mulf %mul3A_105, %mul3A_102 : vector<16xf32>
      %mul3A_107 = arith.mulf %mul3A_106, %mul3A_102 : vector<16xf32>
      %sub3A_108 = arith.constant 1.500000e+00 : f32
      %sub3A_109 = vector.broadcast %sub3A_108 : f32 to vector<16xf32>
      %sub3A_110 = arith.subf %sub3A_109, %mul3A_107 : vector<16xf32>
      %mul3A_111 = arith.mulf %mul3A_102, %sub3A_110 : vector<16xf32>
      %mul3A_112 = arith.mulf %add3A_78, %mul3A_111 : vector<16xf32>
      %min3A_113 = vector.broadcast %while3A : f32 to vector<16xf32>
      %min3A_114 = arith.minimumf %mul3A_112, %min3A_113 : vector<16xf32>
      %mul3A_115 = vector.broadcast %while3A_23 : f32 to vector<16xf32>
      %mul3A_116 = arith.mulf %min3A_114, %mul3A_115 : vector<16xf32>
      %mul3A_117 = vector.broadcast %while3A_24 : f32 to vector<16xf32>
      %mul3A_118 = arith.mulf %mul3A_116, %mul3A_117 : vector<16xf32>
      %add3A_119 = arith.constant 5.000000e-01 : f32
      %add3A_120 = vector.broadcast %add3A_119 : f32 to vector<16xf32>
      %add3A_121 = arith.addf %mul3A_118, %add3A_120 : vector<16xf32>
      %convert_element_type3A_122 = arith.fptosi %add3A_121 : vector<16xf32> to vector<16xi32>
      %convert_element_type3A_123 = arith.sitofp %convert_element_type3A_122 : vector<16xi32> to vector<16xf32>
      %mul3A_124 = vector.broadcast %while3A_25 : f32 to vector<16xf32>
      %mul3A_125 = arith.mulf %convert_element_type3A_123, %mul3A_124 : vector<16xf32>
      %sub3A_126 = arith.subf %mul3A_116, %mul3A_125 : vector<16xf32>
      %mul3A_127 = arith.mulf %sub3A_126, %sub3A_126 : vector<16xf32>
      %mul3A_128 = arith.mulf %sub3A_126, %mul3A_127 : vector<16xf32>
      %mul3A_129 = arith.constant -1.95152956E-4 : f32
      %mul3A_130 = vector.broadcast %mul3A_129 : f32 to vector<16xf32>
      %mul3A_131 = arith.mulf %mul3A_127, %mul3A_130 : vector<16xf32>
      %add3A_132 = arith.constant 0.00833216123 : f32
      %add3A_133 = vector.broadcast %add3A_132 : f32 to vector<16xf32>
      %add3A_134 = arith.addf %add3A_133, %mul3A_131 : vector<16xf32>
      %mul3A_135 = arith.mulf %mul3A_127, %add3A_134 : vector<16xf32>
      %add3A_136 = arith.constant -0.166666552 : f32
      %add3A_137 = vector.broadcast %add3A_136 : f32 to vector<16xf32>
      %add3A_138 = arith.addf %add3A_137, %mul3A_135 : vector<16xf32>
      %mul3A_139 = arith.mulf %mul3A_128, %add3A_138 : vector<16xf32>
      %add3A_140 = arith.addf %sub3A_126, %mul3A_139 : vector<16xf32>
      %mul3A_141 = arith.constant 5.000000e-01 : f32
      %mul3A_142 = vector.broadcast %mul3A_141 : f32 to vector<16xf32>
      %mul3A_143 = arith.mulf %mul3A_142, %mul3A_127 : vector<16xf32>
      %sub3A_144 = arith.constant 1.000000e+00 : f32
      %sub3A_145 = vector.broadcast %sub3A_144 : f32 to vector<16xf32>
      %sub3A_146 = arith.subf %sub3A_145, %mul3A_143 : vector<16xf32>
      %mul3A_147 = arith.mulf %mul3A_127, %mul3A_127 : vector<16xf32>
      %mul3A_148 = arith.constant 2.44331568E-5 : f32
      %mul3A_149 = vector.broadcast %mul3A_148 : f32 to vector<16xf32>
      %mul3A_150 = arith.mulf %mul3A_127, %mul3A_149 : vector<16xf32>
      %add3A_151 = arith.constant -0.00138873165 : f32
      %add3A_152 = vector.broadcast %add3A_151 : f32 to vector<16xf32>
      %add3A_153 = arith.addf %add3A_152, %mul3A_150 : vector<16xf32>
      %mul3A_154 = arith.mulf %mul3A_127, %add3A_153 : vector<16xf32>
      %add3A_155 = arith.constant 0.0416666456 : f32
      %add3A_156 = vector.broadcast %add3A_155 : f32 to vector<16xf32>
      %add3A_157 = arith.addf %add3A_156, %mul3A_154 : vector<16xf32>
      %mul3A_158 = arith.mulf %mul3A_147, %add3A_157 : vector<16xf32>
      %add3A_159 = arith.addf %sub3A_146, %mul3A_158 : vector<16xf32>
      %eq3A = arith.constant 1 : i32
      %eq3A_160 = vector.broadcast %eq3A : i32 to vector<16xi32>
      %eq3A_161 = arith.cmpi eq, %convert_element_type3A_122, %eq3A_160 : vector<16xi32>
      %eq3A_162 = arith.constant 0 : i32
      %eq3A_163 = vector.broadcast %eq3A_162 : i32 to vector<16xi32>
      %eq3A_164 = arith.cmpi eq, %convert_element_type3A_122, %eq3A_163 : vector<16xi32>
      %neg3A = arith.constant 0.000000e+00 : f32
      %neg3A_165 = vector.broadcast %neg3A : f32 to vector<16xf32>
      %neg3A_166 = arith.subf %neg3A_165, %add3A_140 : vector<16xf32>
      %select_n3A = arith.select %eq3A_161, %add3A_159, %neg3A_166 : vector<16xi1>, vector<16xf32>
      %select_n3A_167 = arith.select %eq3A_164, %add3A_140, %select_n3A : vector<16xi1>, vector<16xf32>
      %neg3A_168 = arith.constant 0.000000e+00 : f32
      %neg3A_169 = vector.broadcast %neg3A_168 : f32 to vector<16xf32>
      %neg3A_170 = arith.subf %neg3A_169, %add3A_140 : vector<16xf32>
      %neg3A_171 = arith.constant 0.000000e+00 : f32
      %neg3A_172 = vector.broadcast %neg3A_171 : f32 to vector<16xf32>
      %neg3A_173 = arith.subf %neg3A_172, %add3A_159 : vector<16xf32>
      %select_n3A_174 = arith.select %eq3A_161, %neg3A_170, %neg3A_173 : vector<16xi1>, vector<16xf32>
      %select_n3A_175 = arith.select %eq3A_164, %add3A_159, %select_n3A_174 : vector<16xi1>, vector<16xf32>
      %add3A_176 = arith.constant 1.000000e+00 : f32
      %add3A_177 = vector.broadcast %add3A_176 : f32 to vector<16xf32>
      %add3A_178 = arith.addf %select_n3A_175, %add3A_177 : vector<16xf32>
      %mul3A_179 = arith.constant 5.000000e-01 : f32
      %mul3A_180 = vector.broadcast %mul3A_179 : f32 to vector<16xf32>
      %mul3A_181 = arith.mulf %mul3A_180, %add3A_178 : vector<16xf32>
      %mul3A_182 = arith.mulf %mul3A_181, %mul3A_111 : vector<16xf32>
      %add3A_183 = arith.addf %select_n3A_175, %select_n3A_175 : vector<16xf32>
      %and3A_184 = arith.andi %add3A_60, %broadcast_in_dim3A_10 : vector<16xi32>
      %mul3A_185 = arith.mulf %select_n3A_167, %mul3A_182 : vector<16xf32>
      %mul3A_186 = arith.mulf %add3A_183, %mul3A_185 : vector<16xf32>
      tpu.vector_store_idx %arg13[%and3A_184, %broadcast_in_dim3A_6], %mul3A_185 masked %lt3A_61 : memref<512x8xf32, #tpu.memory_space<vmem>>[vector<16xi32>, vector<16xi32>], vector<16xf32>, vector<16xi1>
      %broadcast_in_dim3A_187 = arith.constant 1 : i32
      %broadcast_in_dim3A_188 = vector.broadcast %broadcast_in_dim3A_187 : i32 to vector<16xi32>
      tpu.vector_store_idx %arg13[%and3A_184, %broadcast_in_dim3A_188], %mul3A_186 masked %lt3A_61 : memref<512x8xf32, #tpu.memory_space<vmem>>[vector<16xi32>, vector<16xi32>], vector<16xf32>, vector<16xi1>
      %mul3A_189 = arith.mulf %add3A_183, %mul3A_186 : vector<16xf32>
      %sub3A_190 = arith.subf %mul3A_189, %mul3A_185 : vector<16xf32>
      %broadcast_in_dim3A_191 = arith.constant 2 : i32
      %broadcast_in_dim3A_192 = vector.broadcast %broadcast_in_dim3A_191 : i32 to vector<16xi32>
      tpu.vector_store_idx %arg13[%and3A_184, %broadcast_in_dim3A_192], %sub3A_190 masked %lt3A_61 : memref<512x8xf32, #tpu.memory_space<vmem>>[vector<16xi32>, vector<16xi32>], vector<16xf32>, vector<16xi1>
      %mul3A_193 = arith.mulf %add3A_183, %sub3A_190 : vector<16xf32>
      %sub3A_194 = arith.subf %mul3A_193, %mul3A_186 : vector<16xf32>
      %broadcast_in_dim3A_195 = arith.constant 3 : i32
      %broadcast_in_dim3A_196 = vector.broadcast %broadcast_in_dim3A_195 : i32 to vector<16xi32>
      tpu.vector_store_idx %arg13[%and3A_184, %broadcast_in_dim3A_196], %sub3A_194 masked %lt3A_61 : memref<512x8xf32, #tpu.memory_space<vmem>>[vector<16xi32>, vector<16xi32>], vector<16xf32>, vector<16xi1>
      %mul3A_197 = arith.mulf %add3A_183, %sub3A_194 : vector<16xf32>
      %sub3A_198 = arith.subf %mul3A_197, %sub3A_190 : vector<16xf32>
      %broadcast_in_dim3A_199 = arith.constant 4 : i32
      %broadcast_in_dim3A_200 = vector.broadcast %broadcast_in_dim3A_199 : i32 to vector<16xi32>
      tpu.vector_store_idx %arg13[%and3A_184, %broadcast_in_dim3A_200], %sub3A_198 masked %lt3A_61 : memref<512x8xf32, #tpu.memory_space<vmem>>[vector<16xi32>, vector<16xi32>], vector<16xf32>, vector<16xi1>
      %mul3A_201 = arith.mulf %add3A_183, %sub3A_198 : vector<16xf32>
      %sub3A_202 = arith.subf %mul3A_201, %sub3A_194 : vector<16xf32>
      %broadcast_in_dim3A_203 = arith.constant 5 : i32
      %broadcast_in_dim3A_204 = vector.broadcast %broadcast_in_dim3A_203 : i32 to vector<16xi32>
      tpu.vector_store_idx %arg13[%and3A_184, %broadcast_in_dim3A_204], %sub3A_202 masked %lt3A_61 : memref<512x8xf32, #tpu.memory_space<vmem>>[vector<16xi32>, vector<16xi32>], vector<16xf32>, vector<16xi1>
      %mul3A_205 = arith.mulf %add3A_183, %sub3A_202 : vector<16xf32>
      %sub3A_206 = arith.subf %mul3A_205, %sub3A_198 : vector<16xf32>
      %broadcast_in_dim3A_207 = arith.constant 6 : i32
      %broadcast_in_dim3A_208 = vector.broadcast %broadcast_in_dim3A_207 : i32 to vector<16xi32>
      tpu.vector_store_idx %arg13[%and3A_184, %broadcast_in_dim3A_208], %sub3A_206 masked %lt3A_61 : memref<512x8xf32, #tpu.memory_space<vmem>>[vector<16xi32>, vector<16xi32>], vector<16xf32>, vector<16xi1>
      %mul3A_209 = arith.mulf %add3A_183, %sub3A_206 : vector<16xf32>
      %sub3A_210 = arith.subf %mul3A_209, %sub3A_202 : vector<16xf32>
      %broadcast_in_dim3A_211 = arith.constant 7 : i32
      %broadcast_in_dim3A_212 = vector.broadcast %broadcast_in_dim3A_211 : i32 to vector<16xi32>
      tpu.vector_store_idx %arg13[%and3A_184, %broadcast_in_dim3A_212], %sub3A_210 masked %lt3A_61 : memref<512x8xf32, #tpu.memory_space<vmem>>[vector<16xi32>, vector<16xi32>], vector<16xf32>, vector<16xi1>
      %shift_right_logical3A_213 = arith.constant 7 : i32
      %shift_right_logical3A_214 = vector.broadcast %shift_right_logical3A_213 : i32 to vector<16xi32>
      %shift_right_logical3A_215 = arith.shrui %and3A_184, %shift_right_logical3A_214 : vector<16xi32>
      %and3A_216 = arith.andi %and3A_184, %broadcast_in_dim3A_12 : vector<16xi32>
      tpu.vector_store_idx %arg14[%shift_right_logical3A_215, %and3A_216], %get3A_70 masked %lt3A_61 : memref<4x128xi32, #tpu.memory_space<vmem>>[vector<16xi32>, vector<16xi32>], vector<16xi32>, vector<16xi1>
      %mul3A_217 = arith.constant 64 : i32
      %mul3A_218 = arith.muli %while3A_46, %mul3A_217 : i32
      %add3A_219 = arith.constant 16 : i32
      %add3A_220 = arith.addi %mul3A_218, %add3A_219 : i32
      %add3A_221 = vector.broadcast %add3A_220 : i32 to vector<16xi32>
      %add3A_222 = arith.addi %add3A_221, %iota3A : vector<16xi32>
      %lt3A_223 = vector.broadcast %scan3A_18 : i32 to vector<16xi32>
      %lt3A_224 = arith.cmpi slt, %add3A_222, %lt3A_223 : vector<16xi32>
      %get3A_225 = arith.index_cast %add3A_220 : i32 to index
      %get3A_226 = tpu.vector_load %arg9[%get3A_225] {strides = array<i32>} : memref<10000xi32, #tpu.memory_space<vmem>>, vector<16xi32>,
      %bitcast3A_227 = vector.bitcast %get3A_226 : vector<16xi32> to vector<16xf32>
      %get3A_228 = arith.index_cast %add3A_220 : i32 to index
      %get3A_229 = tpu.vector_load %arg10[%get3A_228] {strides = array<i32>} : memref<10000xi32, #tpu.memory_space<vmem>>, vector<16xi32>,
      %bitcast3A_230 = vector.bitcast %get3A_229 : vector<16xi32> to vector<16xf32>
      %get3A_231 = arith.index_cast %add3A_220 : i32 to index
      %get3A_232 = tpu.vector_load %arg11[%get3A_231] {strides = array<i32>} : memref<10000xi32, #tpu.memory_space<vmem>>, vector<16xi32>,
      %bitcast3A_233 = vector.bitcast %get3A_232 : vector<16xi32> to vector<16xf32>
      %get3A_234 = arith.index_cast %add3A_220 : i32 to index
      %get3A_235 = tpu.vector_load %arg12[%get3A_234] {strides = array<i32>} : memref<10000xi32, #tpu.memory_space<vmem>>, vector<16xi32>,
      %mul3A_236 = arith.mulf %bitcast3A_227, %bitcast3A_227 : vector<16xf32>
      %mul3A_237 = arith.mulf %bitcast3A_230, %bitcast3A_230 : vector<16xf32>
      %add3A_238 = arith.addf %mul3A_236, %mul3A_237 : vector<16xf32>
      %mul3A_239 = arith.mulf %bitcast3A_233, %bitcast3A_233 : vector<16xf32>
      %add3A_240 = arith.addf %add3A_238, %mul3A_239 : vector<16xf32>
      %add3A_241 = arith.constant 9.99999996E-13 : f32
      %add3A_242 = vector.broadcast %add3A_241 : f32 to vector<16xf32>
      %add3A_243 = arith.addf %add3A_240, %add3A_242 : vector<16xf32>
      %bitcast3A_244 = vector.bitcast %add3A_243 : vector<16xf32> to vector<16xi32>
      %shift_right_arithmetic3A_245 = arith.constant 1 : i32
      %shift_right_arithmetic3A_246 = vector.broadcast %shift_right_arithmetic3A_245 : i32 to vector<16xi32>
      %shift_right_arithmetic3A_247 = arith.shrsi %bitcast3A_244, %shift_right_arithmetic3A_246 : vector<16xi32>
      %sub3A_248 = arith.constant 1597463007 : i32
      %sub3A_249 = vector.broadcast %sub3A_248 : i32 to vector<16xi32>
      %sub3A_250 = arith.subi %sub3A_249, %shift_right_arithmetic3A_247 : vector<16xi32>
      %bitcast3A_251 = vector.bitcast %sub3A_250 : vector<16xi32> to vector<16xf32>
      %mul3A_252 = arith.constant 5.000000e-01 : f32
      %mul3A_253 = vector.broadcast %mul3A_252 : f32 to vector<16xf32>
      %mul3A_254 = arith.mulf %mul3A_253, %add3A_243 : vector<16xf32>
      %mul3A_255 = arith.mulf %mul3A_254, %bitcast3A_251 : vector<16xf32>
      %mul3A_256 = arith.mulf %mul3A_255, %bitcast3A_251 : vector<16xf32>
      %sub3A_257 = arith.constant 1.500000e+00 : f32
      %sub3A_258 = vector.broadcast %sub3A_257 : f32 to vector<16xf32>
      %sub3A_259 = arith.subf %sub3A_258, %mul3A_256 : vector<16xf32>
      %mul3A_260 = arith.mulf %bitcast3A_251, %sub3A_259 : vector<16xf32>
      %mul3A_261 = arith.constant 5.000000e-01 : f32
      %mul3A_262 = vector.broadcast %mul3A_261 : f32 to vector<16xf32>
      %mul3A_263 = arith.mulf %mul3A_262, %add3A_243 : vector<16xf32>
      %mul3A_264 = arith.mulf %mul3A_263, %mul3A_260 : vector<16xf32>
      %mul3A_265 = arith.mulf %mul3A_264, %mul3A_260 : vector<16xf32>
      %sub3A_266 = arith.constant 1.500000e+00 : f32
      %sub3A_267 = vector.broadcast %sub3A_266 : f32 to vector<16xf32>
      %sub3A_268 = arith.subf %sub3A_267, %mul3A_265 : vector<16xf32>
      %mul3A_269 = arith.mulf %mul3A_260, %sub3A_268 : vector<16xf32>
      %mul3A_270 = arith.constant 5.000000e-01 : f32
      %mul3A_271 = vector.broadcast %mul3A_270 : f32 to vector<16xf32>
      %mul3A_272 = arith.mulf %mul3A_271, %add3A_243 : vector<16xf32>
      %mul3A_273 = arith.mulf %mul3A_272, %mul3A_269 : vector<16xf32>
      %mul3A_274 = arith.mulf %mul3A_273, %mul3A_269 : vector<16xf32>
      %sub3A_275 = arith.constant 1.500000e+00 : f32
      %sub3A_276 = vector.broadcast %sub3A_275 : f32 to vector<16xf32>
      %sub3A_277 = arith.subf %sub3A_276, %mul3A_274 : vector<16xf32>
      %mul3A_278 = arith.mulf %mul3A_269, %sub3A_277 : vector<16xf32>
      %mul3A_279 = arith.mulf %add3A_243, %mul3A_278 : vector<16xf32>
      %min3A_280 = vector.broadcast %while3A : f32 to vector<16xf32>
      %min3A_281 = arith.minimumf %mul3A_279, %min3A_280 : vector<16xf32>
      %mul3A_282 = vector.broadcast %while3A_23 : f32 to vector<16xf32>
      %mul3A_283 = arith.mulf %min3A_281, %mul3A_282 : vector<16xf32>
      %mul3A_284 = vector.broadcast %while3A_24 : f32 to vector<16xf32>
      %mul3A_285 = arith.mulf %mul3A_283, %mul3A_284 : vector<16xf32>
      %add3A_286 = arith.constant 5.000000e-01 : f32
      %add3A_287 = vector.broadcast %add3A_286 : f32 to vector<16xf32>
      %add3A_288 = arith.addf %mul3A_285, %add3A_287 : vector<16xf32>
      %convert_element_type3A_289 = arith.fptosi %add3A_288 : vector<16xf32> to vector<16xi32>
      %convert_element_type3A_290 = arith.sitofp %convert_element_type3A_289 : vector<16xi32> to vector<16xf32>
      %mul3A_291 = vector.broadcast %while3A_25 : f32 to vector<16xf32>
      %mul3A_292 = arith.mulf %convert_element_type3A_290, %mul3A_291 : vector<16xf32>
      %sub3A_293 = arith.subf %mul3A_283, %mul3A_292 : vector<16xf32>
      %mul3A_294 = arith.mulf %sub3A_293, %sub3A_293 : vector<16xf32>
      %mul3A_295 = arith.mulf %sub3A_293, %mul3A_294 : vector<16xf32>
      %mul3A_296 = arith.constant -1.95152956E-4 : f32
      %mul3A_297 = vector.broadcast %mul3A_296 : f32 to vector<16xf32>
      %mul3A_298 = arith.mulf %mul3A_294, %mul3A_297 : vector<16xf32>
      %add3A_299 = arith.constant 0.00833216123 : f32
      %add3A_300 = vector.broadcast %add3A_299 : f32 to vector<16xf32>
      %add3A_301 = arith.addf %add3A_300, %mul3A_298 : vector<16xf32>
      %mul3A_302 = arith.mulf %mul3A_294, %add3A_301 : vector<16xf32>
      %add3A_303 = arith.constant -0.166666552 : f32
      %add3A_304 = vector.broadcast %add3A_303 : f32 to vector<16xf32>
      %add3A_305 = arith.addf %add3A_304, %mul3A_302 : vector<16xf32>
      %mul3A_306 = arith.mulf %mul3A_295, %add3A_305 : vector<16xf32>
      %add3A_307 = arith.addf %sub3A_293, %mul3A_306 : vector<16xf32>
      %mul3A_308 = arith.constant 5.000000e-01 : f32
      %mul3A_309 = vector.broadcast %mul3A_308 : f32 to vector<16xf32>
      %mul3A_310 = arith.mulf %mul3A_309, %mul3A_294 : vector<16xf32>
      %sub3A_311 = arith.constant 1.000000e+00 : f32
      %sub3A_312 = vector.broadcast %sub3A_311 : f32 to vector<16xf32>
      %sub3A_313 = arith.subf %sub3A_312, %mul3A_310 : vector<16xf32>
      %mul3A_314 = arith.mulf %mul3A_294, %mul3A_294 : vector<16xf32>
      %mul3A_315 = arith.constant 2.44331568E-5 : f32
      %mul3A_316 = vector.broadcast %mul3A_315 : f32 to vector<16xf32>
      %mul3A_317 = arith.mulf %mul3A_294, %mul3A_316 : vector<16xf32>
      %add3A_318 = arith.constant -0.00138873165 : f32
      %add3A_319 = vector.broadcast %add3A_318 : f32 to vector<16xf32>
      %add3A_320 = arith.addf %add3A_319, %mul3A_317 : vector<16xf32>
      %mul3A_321 = arith.mulf %mul3A_294, %add3A_320 : vector<16xf32>
      %add3A_322 = arith.constant 0.0416666456 : f32
      %add3A_323 = vector.broadcast %add3A_322 : f32 to vector<16xf32>
      %add3A_324 = arith.addf %add3A_323, %mul3A_321 : vector<16xf32>
      %mul3A_325 = arith.mulf %mul3A_314, %add3A_324 : vector<16xf32>
      %add3A_326 = arith.addf %sub3A_313, %mul3A_325 : vector<16xf32>
      %eq3A_327 = arith.constant 1 : i32
      %eq3A_328 = vector.broadcast %eq3A_327 : i32 to vector<16xi32>
      %eq3A_329 = arith.cmpi eq, %convert_element_type3A_289, %eq3A_328 : vector<16xi32>
      %eq3A_330 = arith.constant 0 : i32
      %eq3A_331 = vector.broadcast %eq3A_330 : i32 to vector<16xi32>
      %eq3A_332 = arith.cmpi eq, %convert_element_type3A_289, %eq3A_331 : vector<16xi32>
      %neg3A_333 = arith.constant 0.000000e+00 : f32
      %neg3A_334 = vector.broadcast %neg3A_333 : f32 to vector<16xf32>
      %neg3A_335 = arith.subf %neg3A_334, %add3A_307 : vector<16xf32>
      %select_n3A_336 = arith.select %eq3A_329, %add3A_326, %neg3A_335 : vector<16xi1>, vector<16xf32>
      %select_n3A_337 = arith.select %eq3A_332, %add3A_307, %select_n3A_336 : vector<16xi1>, vector<16xf32>
      %neg3A_338 = arith.constant 0.000000e+00 : f32
      %neg3A_339 = vector.broadcast %neg3A_338 : f32 to vector<16xf32>
      %neg3A_340 = arith.subf %neg3A_339, %add3A_307 : vector<16xf32>
      %neg3A_341 = arith.constant 0.000000e+00 : f32
      %neg3A_342 = vector.broadcast %neg3A_341 : f32 to vector<16xf32>
      %neg3A_343 = arith.subf %neg3A_342, %add3A_326 : vector<16xf32>
      %select_n3A_344 = arith.select %eq3A_329, %neg3A_340, %neg3A_343 : vector<16xi1>, vector<16xf32>
      %select_n3A_345 = arith.select %eq3A_332, %add3A_326, %select_n3A_344 : vector<16xi1>, vector<16xf32>
      %add3A_346 = arith.constant 1.000000e+00 : f32
      %add3A_347 = vector.broadcast %add3A_346 : f32 to vector<16xf32>
      %add3A_348 = arith.addf %select_n3A_345, %add3A_347 : vector<16xf32>
      %mul3A_349 = arith.constant 5.000000e-01 : f32
      %mul3A_350 = vector.broadcast %mul3A_349 : f32 to vector<16xf32>
      %mul3A_351 = arith.mulf %mul3A_350, %add3A_348 : vector<16xf32>
      %mul3A_352 = arith.mulf %mul3A_351, %mul3A_278 : vector<16xf32>
      %add3A_353 = arith.addf %select_n3A_345, %select_n3A_345 : vector<16xf32>
      %and3A_354 = arith.andi %add3A_222, %broadcast_in_dim3A_10 : vector<16xi32>
      %mul3A_355 = arith.mulf %select_n3A_337, %mul3A_352 : vector<16xf32>
      %mul3A_356 = arith.mulf %add3A_353, %mul3A_355 : vector<16xf32>
      tpu.vector_store_idx %arg13[%and3A_354, %broadcast_in_dim3A_6], %mul3A_355 masked %lt3A_224 : memref<512x8xf32, #tpu.memory_space<vmem>>[vector<16xi32>, vector<16xi32>], vector<16xf32>, vector<16xi1>
      %broadcast_in_dim3A_357 = arith.constant 1 : i32
      %broadcast_in_dim3A_358 = vector.broadcast %broadcast_in_dim3A_357 : i32 to vector<16xi32>
      tpu.vector_store_idx %arg13[%and3A_354, %broadcast_in_dim3A_358], %mul3A_356 masked %lt3A_224 : memref<512x8xf32, #tpu.memory_space<vmem>>[vector<16xi32>, vector<16xi32>], vector<16xf32>, vector<16xi1>
      %mul3A_359 = arith.mulf %add3A_353, %mul3A_356 : vector<16xf32>
      %sub3A_360 = arith.subf %mul3A_359, %mul3A_355 : vector<16xf32>
      %broadcast_in_dim3A_361 = arith.constant 2 : i32
      %broadcast_in_dim3A_362 = vector.broadcast %broadcast_in_dim3A_361 : i32 to vector<16xi32>
      tpu.vector_store_idx %arg13[%and3A_354, %broadcast_in_dim3A_362], %sub3A_360 masked %lt3A_224 : memref<512x8xf32, #tpu.memory_space<vmem>>[vector<16xi32>, vector<16xi32>], vector<16xf32>, vector<16xi1>
      %mul3A_363 = arith.mulf %add3A_353, %sub3A_360 : vector<16xf32>
      %sub3A_364 = arith.subf %mul3A_363, %mul3A_356 : vector<16xf32>
      %broadcast_in_dim3A_365 = arith.constant 3 : i32
      %broadcast_in_dim3A_366 = vector.broadcast %broadcast_in_dim3A_365 : i32 to vector<16xi32>
      tpu.vector_store_idx %arg13[%and3A_354, %broadcast_in_dim3A_366], %sub3A_364 masked %lt3A_224 : memref<512x8xf32, #tpu.memory_space<vmem>>[vector<16xi32>, vector<16xi32>], vector<16xf32>, vector<16xi1>
      %mul3A_367 = arith.mulf %add3A_353, %sub3A_364 : vector<16xf32>
      %sub3A_368 = arith.subf %mul3A_367, %sub3A_360 : vector<16xf32>
      %broadcast_in_dim3A_369 = arith.constant 4 : i32
      %broadcast_in_dim3A_370 = vector.broadcast %broadcast_in_dim3A_369 : i32 to vector<16xi32>
      tpu.vector_store_idx %arg13[%and3A_354, %broadcast_in_dim3A_370], %sub3A_368 masked %lt3A_224 : memref<512x8xf32, #tpu.memory_space<vmem>>[vector<16xi32>, vector<16xi32>], vector<16xf32>, vector<16xi1>
      %mul3A_371 = arith.mulf %add3A_353, %sub3A_368 : vector<16xf32>
      %sub3A_372 = arith.subf %mul3A_371, %sub3A_364 : vector<16xf32>
      %broadcast_in_dim3A_373 = arith.constant 5 : i32
      %broadcast_in_dim3A_374 = vector.broadcast %broadcast_in_dim3A_373 : i32 to vector<16xi32>
      tpu.vector_store_idx %arg13[%and3A_354, %broadcast_in_dim3A_374], %sub3A_372 masked %lt3A_224 : memref<512x8xf32, #tpu.memory_space<vmem>>[vector<16xi32>, vector<16xi32>], vector<16xf32>, vector<16xi1>
      %mul3A_375 = arith.mulf %add3A_353, %sub3A_372 : vector<16xf32>
      %sub3A_376 = arith.subf %mul3A_375, %sub3A_368 : vector<16xf32>
      %broadcast_in_dim3A_377 = arith.constant 6 : i32
      %broadcast_in_dim3A_378 = vector.broadcast %broadcast_in_dim3A_377 : i32 to vector<16xi32>
      tpu.vector_store_idx %arg13[%and3A_354, %broadcast_in_dim3A_378], %sub3A_376 masked %lt3A_224 : memref<512x8xf32, #tpu.memory_space<vmem>>[vector<16xi32>, vector<16xi32>], vector<16xf32>, vector<16xi1>
      %mul3A_379 = arith.mulf %add3A_353, %sub3A_376 : vector<16xf32>
      %sub3A_380 = arith.subf %mul3A_379, %sub3A_372 : vector<16xf32>
      %broadcast_in_dim3A_381 = arith.constant 7 : i32
      %broadcast_in_dim3A_382 = vector.broadcast %broadcast_in_dim3A_381 : i32 to vector<16xi32>
      tpu.vector_store_idx %arg13[%and3A_354, %broadcast_in_dim3A_382], %sub3A_380 masked %lt3A_224 : memref<512x8xf32, #tpu.memory_space<vmem>>[vector<16xi32>, vector<16xi32>], vector<16xf32>, vector<16xi1>
      %shift_right_logical3A_383 = arith.constant 7 : i32
      %shift_right_logical3A_384 = vector.broadcast %shift_right_logical3A_383 : i32 to vector<16xi32>
      %shift_right_logical3A_385 = arith.shrui %and3A_354, %shift_right_logical3A_384 : vector<16xi32>
      %and3A_386 = arith.andi %and3A_354, %broadcast_in_dim3A_12 : vector<16xi32>
      tpu.vector_store_idx %arg14[%shift_right_logical3A_385, %and3A_386], %get3A_235 masked %lt3A_224 : memref<4x128xi32, #tpu.memory_space<vmem>>[vector<16xi32>, vector<16xi32>], vector<16xi32>, vector<16xi1>
      %mul3A_387 = arith.constant 64 : i32
      %mul3A_388 = arith.muli %while3A_46, %mul3A_387 : i32
      %add3A_389 = arith.constant 32 : i32
      %add3A_390 = arith.addi %mul3A_388, %add3A_389 : i32
      %add3A_391 = vector.broadcast %add3A_390 : i32 to vector<16xi32>
      %add3A_392 = arith.addi %add3A_391, %iota3A : vector<16xi32>
      %lt3A_393 = vector.broadcast %scan3A_18 : i32 to vector<16xi32>
      %lt3A_394 = arith.cmpi slt, %add3A_392, %lt3A_393 : vector<16xi32>
      %get3A_395 = arith.index_cast %add3A_390 : i32 to index
      %get3A_396 = tpu.vector_load %arg9[%get3A_395] {strides = array<i32>} : memref<10000xi32, #tpu.memory_space<vmem>>, vector<16xi32>,
      %bitcast3A_397 = vector.bitcast %get3A_396 : vector<16xi32> to vector<16xf32>
      %get3A_398 = arith.index_cast %add3A_390 : i32 to index
      %get3A_399 = tpu.vector_load %arg10[%get3A_398] {strides = array<i32>} : memref<10000xi32, #tpu.memory_space<vmem>>, vector<16xi32>,
      %bitcast3A_400 = vector.bitcast %get3A_399 : vector<16xi32> to vector<16xf32>
      %get3A_401 = arith.index_cast %add3A_390 : i32 to index
      %get3A_402 = tpu.vector_load %arg11[%get3A_401] {strides = array<i32>} : memref<10000xi32, #tpu.memory_space<vmem>>, vector<16xi32>,
      %bitcast3A_403 = vector.bitcast %get3A_402 : vector<16xi32> to vector<16xf32>
      %get3A_404 = arith.index_cast %add3A_390 : i32 to index
      %get3A_405 = tpu.vector_load %arg12[%get3A_404] {strides = array<i32>} : memref<10000xi32, #tpu.memory_space<vmem>>, vector<16xi32>,
      %mul3A_406 = arith.mulf %bitcast3A_397, %bitcast3A_397 : vector<16xf32>
      %mul3A_407 = arith.mulf %bitcast3A_400, %bitcast3A_400 : vector<16xf32>
      %add3A_408 = arith.addf %mul3A_406, %mul3A_407 : vector<16xf32>
      %mul3A_409 = arith.mulf %bitcast3A_403, %bitcast3A_403 : vector<16xf32>
      %add3A_410 = arith.addf %add3A_408, %mul3A_409 : vector<16xf32>
      %add3A_411 = arith.constant 9.99999996E-13 : f32
      %add3A_412 = vector.broadcast %add3A_411 : f32 to vector<16xf32>
      %add3A_413 = arith.addf %add3A_410, %add3A_412 : vector<16xf32>
      %bitcast3A_414 = vector.bitcast %add3A_413 : vector<16xf32> to vector<16xi32>
      %shift_right_arithmetic3A_415 = arith.constant 1 : i32
      %shift_right_arithmetic3A_416 = vector.broadcast %shift_right_arithmetic3A_415 : i32 to vector<16xi32>
      %shift_right_arithmetic3A_417 = arith.shrsi %bitcast3A_414, %shift_right_arithmetic3A_416 : vector<16xi32>
      %sub3A_418 = arith.constant 1597463007 : i32
      %sub3A_419 = vector.broadcast %sub3A_418 : i32 to vector<16xi32>
      %sub3A_420 = arith.subi %sub3A_419, %shift_right_arithmetic3A_417 : vector<16xi32>
      %bitcast3A_421 = vector.bitcast %sub3A_420 : vector<16xi32> to vector<16xf32>
      %mul3A_422 = arith.constant 5.000000e-01 : f32
      %mul3A_423 = vector.broadcast %mul3A_422 : f32 to vector<16xf32>
      %mul3A_424 = arith.mulf %mul3A_423, %add3A_413 : vector<16xf32>
      %mul3A_425 = arith.mulf %mul3A_424, %bitcast3A_421 : vector<16xf32>
      %mul3A_426 = arith.mulf %mul3A_425, %bitcast3A_421 : vector<16xf32>
      %sub3A_427 = arith.constant 1.500000e+00 : f32
      %sub3A_428 = vector.broadcast %sub3A_427 : f32 to vector<16xf32>
      %sub3A_429 = arith.subf %sub3A_428, %mul3A_426 : vector<16xf32>
      %mul3A_430 = arith.mulf %bitcast3A_421, %sub3A_429 : vector<16xf32>
      %mul3A_431 = arith.constant 5.000000e-01 : f32
      %mul3A_432 = vector.broadcast %mul3A_431 : f32 to vector<16xf32>
      %mul3A_433 = arith.mulf %mul3A_432, %add3A_413 : vector<16xf32>
      %mul3A_434 = arith.mulf %mul3A_433, %mul3A_430 : vector<16xf32>
      %mul3A_435 = arith.mulf %mul3A_434, %mul3A_430 : vector<16xf32>
      %sub3A_436 = arith.constant 1.500000e+00 : f32
      %sub3A_437 = vector.broadcast %sub3A_436 : f32 to vector<16xf32>
      %sub3A_438 = arith.subf %sub3A_437, %mul3A_435 : vector<16xf32>
      %mul3A_439 = arith.mulf %mul3A_430, %sub3A_438 : vector<16xf32>
      %mul3A_440 = arith.constant 5.000000e-01 : f32
      %mul3A_441 = vector.broadcast %mul3A_440 : f32 to vector<16xf32>
      %mul3A_442 = arith.mulf %mul3A_441, %add3A_413 : vector<16xf32>
      %mul3A_443 = arith.mulf %mul3A_442, %mul3A_439 : vector<16xf32>
      %mul3A_444 = arith.mulf %mul3A_443, %mul3A_439 : vector<16xf32>
      %sub3A_445 = arith.constant 1.500000e+00 : f32
      %sub3A_446 = vector.broadcast %sub3A_445 : f32 to vector<16xf32>
      %sub3A_447 = arith.subf %sub3A_446, %mul3A_444 : vector<16xf32>
      %mul3A_448 = arith.mulf %mul3A_439, %sub3A_447 : vector<16xf32>
      %mul3A_449 = arith.mulf %add3A_413, %mul3A_448 : vector<16xf32>
      %min3A_450 = vector.broadcast %while3A : f32 to vector<16xf32>
      %min3A_451 = arith.minimumf %mul3A_449, %min3A_450 : vector<16xf32>
      %mul3A_452 = vector.broadcast %while3A_23 : f32 to vector<16xf32>
      %mul3A_453 = arith.mulf %min3A_451, %mul3A_452 : vector<16xf32>
      %mul3A_454 = vector.broadcast %while3A_24 : f32 to vector<16xf32>
      %mul3A_455 = arith.mulf %mul3A_453, %mul3A_454 : vector<16xf32>
      %add3A_456 = arith.constant 5.000000e-01 : f32
      %add3A_457 = vector.broadcast %add3A_456 : f32 to vector<16xf32>
      %add3A_458 = arith.addf %mul3A_455, %add3A_457 : vector<16xf32>
      %convert_element_type3A_459 = arith.fptosi %add3A_458 : vector<16xf32> to vector<16xi32>
      %convert_element_type3A_460 = arith.sitofp %convert_element_type3A_459 : vector<16xi32> to vector<16xf32>
      %mul3A_461 = vector.broadcast %while3A_25 : f32 to vector<16xf32>
      %mul3A_462 = arith.mulf %convert_element_type3A_460, %mul3A_461 : vector<16xf32>
      %sub3A_463 = arith.subf %mul3A_453, %mul3A_462 : vector<16xf32>
      %mul3A_464 = arith.mulf %sub3A_463, %sub3A_463 : vector<16xf32>
      %mul3A_465 = arith.mulf %sub3A_463, %mul3A_464 : vector<16xf32>
      %mul3A_466 = arith.constant -1.95152956E-4 : f32
      %mul3A_467 = vector.broadcast %mul3A_466 : f32 to vector<16xf32>
      %mul3A_468 = arith.mulf %mul3A_464, %mul3A_467 : vector<16xf32>
      %add3A_469 = arith.constant 0.00833216123 : f32
      %add3A_470 = vector.broadcast %add3A_469 : f32 to vector<16xf32>
      %add3A_471 = arith.addf %add3A_470, %mul3A_468 : vector<16xf32>
      %mul3A_472 = arith.mulf %mul3A_464, %add3A_471 : vector<16xf32>
      %add3A_473 = arith.constant -0.166666552 : f32
      %add3A_474 = vector.broadcast %add3A_473 : f32 to vector<16xf32>
      %add3A_475 = arith.addf %add3A_474, %mul3A_472 : vector<16xf32>
      %mul3A_476 = arith.mulf %mul3A_465, %add3A_475 : vector<16xf32>
      %add3A_477 = arith.addf %sub3A_463, %mul3A_476 : vector<16xf32>
      %mul3A_478 = arith.constant 5.000000e-01 : f32
      %mul3A_479 = vector.broadcast %mul3A_478 : f32 to vector<16xf32>
      %mul3A_480 = arith.mulf %mul3A_479, %mul3A_464 : vector<16xf32>
      %sub3A_481 = arith.constant 1.000000e+00 : f32
      %sub3A_482 = vector.broadcast %sub3A_481 : f32 to vector<16xf32>
      %sub3A_483 = arith.subf %sub3A_482, %mul3A_480 : vector<16xf32>
      %mul3A_484 = arith.mulf %mul3A_464, %mul3A_464 : vector<16xf32>
      %mul3A_485 = arith.constant 2.44331568E-5 : f32
      %mul3A_486 = vector.broadcast %mul3A_485 : f32 to vector<16xf32>
      %mul3A_487 = arith.mulf %mul3A_464, %mul3A_486 : vector<16xf32>
      %add3A_488 = arith.constant -0.00138873165 : f32
      %add3A_489 = vector.broadcast %add3A_488 : f32 to vector<16xf32>
      %add3A_490 = arith.addf %add3A_489, %mul3A_487 : vector<16xf32>
      %mul3A_491 = arith.mulf %mul3A_464, %add3A_490 : vector<16xf32>
      %add3A_492 = arith.constant 0.0416666456 : f32
      %add3A_493 = vector.broadcast %add3A_492 : f32 to vector<16xf32>
      %add3A_494 = arith.addf %add3A_493, %mul3A_491 : vector<16xf32>
      %mul3A_495 = arith.mulf %mul3A_484, %add3A_494 : vector<16xf32>
      %add3A_496 = arith.addf %sub3A_483, %mul3A_495 : vector<16xf32>
      %eq3A_497 = arith.constant 1 : i32
      %eq3A_498 = vector.broadcast %eq3A_497 : i32 to vector<16xi32>
      %eq3A_499 = arith.cmpi eq, %convert_element_type3A_459, %eq3A_498 : vector<16xi32>
      %eq3A_500 = arith.constant 0 : i32
      %eq3A_501 = vector.broadcast %eq3A_500 : i32 to vector<16xi32>
      %eq3A_502 = arith.cmpi eq, %convert_element_type3A_459, %eq3A_501 : vector<16xi32>
      %neg3A_503 = arith.constant 0.000000e+00 : f32
      %neg3A_504 = vector.broadcast %neg3A_503 : f32 to vector<16xf32>
      %neg3A_505 = arith.subf %neg3A_504, %add3A_477 : vector<16xf32>
      %select_n3A_506 = arith.select %eq3A_499, %add3A_496, %neg3A_505 : vector<16xi1>, vector<16xf32>
      %select_n3A_507 = arith.select %eq3A_502, %add3A_477, %select_n3A_506 : vector<16xi1>, vector<16xf32>
      %neg3A_508 = arith.constant 0.000000e+00 : f32
      %neg3A_509 = vector.broadcast %neg3A_508 : f32 to vector<16xf32>
      %neg3A_510 = arith.subf %neg3A_509, %add3A_477 : vector<16xf32>
      %neg3A_511 = arith.constant 0.000000e+00 : f32
      %neg3A_512 = vector.broadcast %neg3A_511 : f32 to vector<16xf32>
      %neg3A_513 = arith.subf %neg3A_512, %add3A_496 : vector<16xf32>
      %select_n3A_514 = arith.select %eq3A_499, %neg3A_510, %neg3A_513 : vector<16xi1>, vector<16xf32>
      %select_n3A_515 = arith.select %eq3A_502, %add3A_496, %select_n3A_514 : vector<16xi1>, vector<16xf32>
      %add3A_516 = arith.constant 1.000000e+00 : f32
      %add3A_517 = vector.broadcast %add3A_516 : f32 to vector<16xf32>
      %add3A_518 = arith.addf %select_n3A_515, %add3A_517 : vector<16xf32>
      %mul3A_519 = arith.constant 5.000000e-01 : f32
      %mul3A_520 = vector.broadcast %mul3A_519 : f32 to vector<16xf32>
      %mul3A_521 = arith.mulf %mul3A_520, %add3A_518 : vector<16xf32>
      %mul3A_522 = arith.mulf %mul3A_521, %mul3A_448 : vector<16xf32>
      %add3A_523 = arith.addf %select_n3A_515, %select_n3A_515 : vector<16xf32>
      %and3A_524 = arith.andi %add3A_392, %broadcast_in_dim3A_10 : vector<16xi32>
      %mul3A_525 = arith.mulf %select_n3A_507, %mul3A_522 : vector<16xf32>
      %mul3A_526 = arith.mulf %add3A_523, %mul3A_525 : vector<16xf32>
      tpu.vector_store_idx %arg13[%and3A_524, %broadcast_in_dim3A_6], %mul3A_525 masked %lt3A_394 : memref<512x8xf32, #tpu.memory_space<vmem>>[vector<16xi32>, vector<16xi32>], vector<16xf32>, vector<16xi1>
      %broadcast_in_dim3A_527 = arith.constant 1 : i32
      %broadcast_in_dim3A_528 = vector.broadcast %broadcast_in_dim3A_527 : i32 to vector<16xi32>
      tpu.vector_store_idx %arg13[%and3A_524, %broadcast_in_dim3A_528], %mul3A_526 masked %lt3A_394 : memref<512x8xf32, #tpu.memory_space<vmem>>[vector<16xi32>, vector<16xi32>], vector<16xf32>, vector<16xi1>
      %mul3A_529 = arith.mulf %add3A_523, %mul3A_526 : vector<16xf32>
      %sub3A_530 = arith.subf %mul3A_529, %mul3A_525 : vector<16xf32>
      %broadcast_in_dim3A_531 = arith.constant 2 : i32
      %broadcast_in_dim3A_532 = vector.broadcast %broadcast_in_dim3A_531 : i32 to vector<16xi32>
      tpu.vector_store_idx %arg13[%and3A_524, %broadcast_in_dim3A_532], %sub3A_530 masked %lt3A_394 : memref<512x8xf32, #tpu.memory_space<vmem>>[vector<16xi32>, vector<16xi32>], vector<16xf32>, vector<16xi1>
      %mul3A_533 = arith.mulf %add3A_523, %sub3A_530 : vector<16xf32>
      %sub3A_534 = arith.subf %mul3A_533, %mul3A_526 : vector<16xf32>
      %broadcast_in_dim3A_535 = arith.constant 3 : i32
      %broadcast_in_dim3A_536 = vector.broadcast %broadcast_in_dim3A_535 : i32 to vector<16xi32>
      tpu.vector_store_idx %arg13[%and3A_524, %broadcast_in_dim3A_536], %sub3A_534 masked %lt3A_394 : memref<512x8xf32, #tpu.memory_space<vmem>>[vector<16xi32>, vector<16xi32>], vector<16xf32>, vector<16xi1>
      %mul3A_537 = arith.mulf %add3A_523, %sub3A_534 : vector<16xf32>
      %sub3A_538 = arith.subf %mul3A_537, %sub3A_530 : vector<16xf32>
      %broadcast_in_dim3A_539 = arith.constant 4 : i32
      %broadcast_in_dim3A_540 = vector.broadcast %broadcast_in_dim3A_539 : i32 to vector<16xi32>
      tpu.vector_store_idx %arg13[%and3A_524, %broadcast_in_dim3A_540], %sub3A_538 masked %lt3A_394 : memref<512x8xf32, #tpu.memory_space<vmem>>[vector<16xi32>, vector<16xi32>], vector<16xf32>, vector<16xi1>
      %mul3A_541 = arith.mulf %add3A_523, %sub3A_538 : vector<16xf32>
      %sub3A_542 = arith.subf %mul3A_541, %sub3A_534 : vector<16xf32>
      %broadcast_in_dim3A_543 = arith.constant 5 : i32
      %broadcast_in_dim3A_544 = vector.broadcast %broadcast_in_dim3A_543 : i32 to vector<16xi32>
      tpu.vector_store_idx %arg13[%and3A_524, %broadcast_in_dim3A_544], %sub3A_542 masked %lt3A_394 : memref<512x8xf32, #tpu.memory_space<vmem>>[vector<16xi32>, vector<16xi32>], vector<16xf32>, vector<16xi1>
      %mul3A_545 = arith.mulf %add3A_523, %sub3A_542 : vector<16xf32>
      %sub3A_546 = arith.subf %mul3A_545, %sub3A_538 : vector<16xf32>
      %broadcast_in_dim3A_547 = arith.constant 6 : i32
      %broadcast_in_dim3A_548 = vector.broadcast %broadcast_in_dim3A_547 : i32 to vector<16xi32>
      tpu.vector_store_idx %arg13[%and3A_524, %broadcast_in_dim3A_548], %sub3A_546 masked %lt3A_394 : memref<512x8xf32, #tpu.memory_space<vmem>>[vector<16xi32>, vector<16xi32>], vector<16xf32>, vector<16xi1>
      %mul3A_549 = arith.mulf %add3A_523, %sub3A_546 : vector<16xf32>
      %sub3A_550 = arith.subf %mul3A_549, %sub3A_542 : vector<16xf32>
      %broadcast_in_dim3A_551 = arith.constant 7 : i32
      %broadcast_in_dim3A_552 = vector.broadcast %broadcast_in_dim3A_551 : i32 to vector<16xi32>
      tpu.vector_store_idx %arg13[%and3A_524, %broadcast_in_dim3A_552], %sub3A_550 masked %lt3A_394 : memref<512x8xf32, #tpu.memory_space<vmem>>[vector<16xi32>, vector<16xi32>], vector<16xf32>, vector<16xi1>
      %shift_right_logical3A_553 = arith.constant 7 : i32
      %shift_right_logical3A_554 = vector.broadcast %shift_right_logical3A_553 : i32 to vector<16xi32>
      %shift_right_logical3A_555 = arith.shrui %and3A_524, %shift_right_logical3A_554 : vector<16xi32>
      %and3A_556 = arith.andi %and3A_524, %broadcast_in_dim3A_12 : vector<16xi32>
      tpu.vector_store_idx %arg14[%shift_right_logical3A_555, %and3A_556], %get3A_405 masked %lt3A_394 : memref<4x128xi32, #tpu.memory_space<vmem>>[vector<16xi32>, vector<16xi32>], vector<16xi32>, vector<16xi1>
      %mul3A_557 = arith.constant 64 : i32
      %mul3A_558 = arith.muli %while3A_46, %mul3A_557 : i32
      %add3A_559 = arith.constant 48 : i32
      %add3A_560 = arith.addi %mul3A_558, %add3A_559 : i32
      %add3A_561 = vector.broadcast %add3A_560 : i32 to vector<16xi32>
      %add3A_562 = arith.addi %add3A_561, %iota3A : vector<16xi32>
      %lt3A_563 = vector.broadcast %scan3A_18 : i32 to vector<16xi32>
      %lt3A_564 = arith.cmpi slt, %add3A_562, %lt3A_563 : vector<16xi32>
      %get3A_565 = arith.index_cast %add3A_560 : i32 to index
      %get3A_566 = tpu.vector_load %arg9[%get3A_565] {strides = array<i32>} : memref<10000xi32, #tpu.memory_space<vmem>>, vector<16xi32>,
      %bitcast3A_567 = vector.bitcast %get3A_566 : vector<16xi32> to vector<16xf32>
      %get3A_568 = arith.index_cast %add3A_560 : i32 to index
      %get3A_569 = tpu.vector_load %arg10[%get3A_568] {strides = array<i32>} : memref<10000xi32, #tpu.memory_space<vmem>>, vector<16xi32>,
      %bitcast3A_570 = vector.bitcast %get3A_569 : vector<16xi32> to vector<16xf32>
      %get3A_571 = arith.index_cast %add3A_560 : i32 to index
      %get3A_572 = tpu.vector_load %arg11[%get3A_571] {strides = array<i32>} : memref<10000xi32, #tpu.memory_space<vmem>>, vector<16xi32>,
      %bitcast3A_573 = vector.bitcast %get3A_572 : vector<16xi32> to vector<16xf32>
      %get3A_574 = arith.index_cast %add3A_560 : i32 to index
      %get3A_575 = tpu.vector_load %arg12[%get3A_574] {strides = array<i32>} : memref<10000xi32, #tpu.memory_space<vmem>>, vector<16xi32>,
      %mul3A_576 = arith.mulf %bitcast3A_567, %bitcast3A_567 : vector<16xf32>
      %mul3A_577 = arith.mulf %bitcast3A_570, %bitcast3A_570 : vector<16xf32>
      %add3A_578 = arith.addf %mul3A_576, %mul3A_577 : vector<16xf32>
      %mul3A_579 = arith.mulf %bitcast3A_573, %bitcast3A_573 : vector<16xf32>
      %add3A_580 = arith.addf %add3A_578, %mul3A_579 : vector<16xf32>
      %add3A_581 = arith.constant 9.99999996E-13 : f32
      %add3A_582 = vector.broadcast %add3A_581 : f32 to vector<16xf32>
      %add3A_583 = arith.addf %add3A_580, %add3A_582 : vector<16xf32>
      %bitcast3A_584 = vector.bitcast %add3A_583 : vector<16xf32> to vector<16xi32>
      %shift_right_arithmetic3A_585 = arith.constant 1 : i32
      %shift_right_arithmetic3A_586 = vector.broadcast %shift_right_arithmetic3A_585 : i32 to vector<16xi32>
      %shift_right_arithmetic3A_587 = arith.shrsi %bitcast3A_584, %shift_right_arithmetic3A_586 : vector<16xi32>
      %sub3A_588 = arith.constant 1597463007 : i32
      %sub3A_589 = vector.broadcast %sub3A_588 : i32 to vector<16xi32>
      %sub3A_590 = arith.subi %sub3A_589, %shift_right_arithmetic3A_587 : vector<16xi32>
      %bitcast3A_591 = vector.bitcast %sub3A_590 : vector<16xi32> to vector<16xf32>
      %mul3A_592 = arith.constant 5.000000e-01 : f32
      %mul3A_593 = vector.broadcast %mul3A_592 : f32 to vector<16xf32>
      %mul3A_594 = arith.mulf %mul3A_593, %add3A_583 : vector<16xf32>
      %mul3A_595 = arith.mulf %mul3A_594, %bitcast3A_591 : vector<16xf32>
      %mul3A_596 = arith.mulf %mul3A_595, %bitcast3A_591 : vector<16xf32>
      %sub3A_597 = arith.constant 1.500000e+00 : f32
      %sub3A_598 = vector.broadcast %sub3A_597 : f32 to vector<16xf32>
      %sub3A_599 = arith.subf %sub3A_598, %mul3A_596 : vector<16xf32>
      %mul3A_600 = arith.mulf %bitcast3A_591, %sub3A_599 : vector<16xf32>
      %mul3A_601 = arith.constant 5.000000e-01 : f32
      %mul3A_602 = vector.broadcast %mul3A_601 : f32 to vector<16xf32>
      %mul3A_603 = arith.mulf %mul3A_602, %add3A_583 : vector<16xf32>
      %mul3A_604 = arith.mulf %mul3A_603, %mul3A_600 : vector<16xf32>
      %mul3A_605 = arith.mulf %mul3A_604, %mul3A_600 : vector<16xf32>
      %sub3A_606 = arith.constant 1.500000e+00 : f32
      %sub3A_607 = vector.broadcast %sub3A_606 : f32 to vector<16xf32>
      %sub3A_608 = arith.subf %sub3A_607, %mul3A_605 : vector<16xf32>
      %mul3A_609 = arith.mulf %mul3A_600, %sub3A_608 : vector<16xf32>
      %mul3A_610 = arith.constant 5.000000e-01 : f32
      %mul3A_611 = vector.broadcast %mul3A_610 : f32 to vector<16xf32>
      %mul3A_612 = arith.mulf %mul3A_611, %add3A_583 : vector<16xf32>
      %mul3A_613 = arith.mulf %mul3A_612, %mul3A_609 : vector<16xf32>
      %mul3A_614 = arith.mulf %mul3A_613, %mul3A_609 : vector<16xf32>
      %sub3A_615 = arith.constant 1.500000e+00 : f32
      %sub3A_616 = vector.broadcast %sub3A_615 : f32 to vector<16xf32>
      %sub3A_617 = arith.subf %sub3A_616, %mul3A_614 : vector<16xf32>
      %mul3A_618 = arith.mulf %mul3A_609, %sub3A_617 : vector<16xf32>
      %mul3A_619 = arith.mulf %add3A_583, %mul3A_618 : vector<16xf32>
      %min3A_620 = vector.broadcast %while3A : f32 to vector<16xf32>
      %min3A_621 = arith.minimumf %mul3A_619, %min3A_620 : vector<16xf32>
      %mul3A_622 = vector.broadcast %while3A_23 : f32 to vector<16xf32>
      %mul3A_623 = arith.mulf %min3A_621, %mul3A_622 : vector<16xf32>
      %mul3A_624 = vector.broadcast %while3A_24 : f32 to vector<16xf32>
      %mul3A_625 = arith.mulf %mul3A_623, %mul3A_624 : vector<16xf32>
      %add3A_626 = arith.constant 5.000000e-01 : f32
      %add3A_627 = vector.broadcast %add3A_626 : f32 to vector<16xf32>
      %add3A_628 = arith.addf %mul3A_625, %add3A_627 : vector<16xf32>
      %convert_element_type3A_629 = arith.fptosi %add3A_628 : vector<16xf32> to vector<16xi32>
      %convert_element_type3A_630 = arith.sitofp %convert_element_type3A_629 : vector<16xi32> to vector<16xf32>
      %mul3A_631 = vector.broadcast %while3A_25 : f32 to vector<16xf32>
      %mul3A_632 = arith.mulf %convert_element_type3A_630, %mul3A_631 : vector<16xf32>
      %sub3A_633 = arith.subf %mul3A_623, %mul3A_632 : vector<16xf32>
      %mul3A_634 = arith.mulf %sub3A_633, %sub3A_633 : vector<16xf32>
      %mul3A_635 = arith.mulf %sub3A_633, %mul3A_634 : vector<16xf32>
      %mul3A_636 = arith.constant -1.95152956E-4 : f32
      %mul3A_637 = vector.broadcast %mul3A_636 : f32 to vector<16xf32>
      %mul3A_638 = arith.mulf %mul3A_634, %mul3A_637 : vector<16xf32>
      %add3A_639 = arith.constant 0.00833216123 : f32
      %add3A_640 = vector.broadcast %add3A_639 : f32 to vector<16xf32>
      %add3A_641 = arith.addf %add3A_640, %mul3A_638 : vector<16xf32>
      %mul3A_642 = arith.mulf %mul3A_634, %add3A_641 : vector<16xf32>
      %add3A_643 = arith.constant -0.166666552 : f32
      %add3A_644 = vector.broadcast %add3A_643 : f32 to vector<16xf32>
      %add3A_645 = arith.addf %add3A_644, %mul3A_642 : vector<16xf32>
      %mul3A_646 = arith.mulf %mul3A_635, %add3A_645 : vector<16xf32>
      %add3A_647 = arith.addf %sub3A_633, %mul3A_646 : vector<16xf32>
      %mul3A_648 = arith.constant 5.000000e-01 : f32
      %mul3A_649 = vector.broadcast %mul3A_648 : f32 to vector<16xf32>
      %mul3A_650 = arith.mulf %mul3A_649, %mul3A_634 : vector<16xf32>
      %sub3A_651 = arith.constant 1.000000e+00 : f32
      %sub3A_652 = vector.broadcast %sub3A_651 : f32 to vector<16xf32>
      %sub3A_653 = arith.subf %sub3A_652, %mul3A_650 : vector<16xf32>
      %mul3A_654 = arith.mulf %mul3A_634, %mul3A_634 : vector<16xf32>
      %mul3A_655 = arith.constant 2.44331568E-5 : f32
      %mul3A_656 = vector.broadcast %mul3A_655 : f32 to vector<16xf32>
      %mul3A_657 = arith.mulf %mul3A_634, %mul3A_656 : vector<16xf32>
      %add3A_658 = arith.constant -0.00138873165 : f32
      %add3A_659 = vector.broadcast %add3A_658 : f32 to vector<16xf32>
      %add3A_660 = arith.addf %add3A_659, %mul3A_657 : vector<16xf32>
      %mul3A_661 = arith.mulf %mul3A_634, %add3A_660 : vector<16xf32>
      %add3A_662 = arith.constant 0.0416666456 : f32
      %add3A_663 = vector.broadcast %add3A_662 : f32 to vector<16xf32>
      %add3A_664 = arith.addf %add3A_663, %mul3A_661 : vector<16xf32>
      %mul3A_665 = arith.mulf %mul3A_654, %add3A_664 : vector<16xf32>
      %add3A_666 = arith.addf %sub3A_653, %mul3A_665 : vector<16xf32>
      %eq3A_667 = arith.constant 1 : i32
      %eq3A_668 = vector.broadcast %eq3A_667 : i32 to vector<16xi32>
      %eq3A_669 = arith.cmpi eq, %convert_element_type3A_629, %eq3A_668 : vector<16xi32>
      %eq3A_670 = arith.constant 0 : i32
      %eq3A_671 = vector.broadcast %eq3A_670 : i32 to vector<16xi32>
      %eq3A_672 = arith.cmpi eq, %convert_element_type3A_629, %eq3A_671 : vector<16xi32>
      %neg3A_673 = arith.constant 0.000000e+00 : f32
      %neg3A_674 = vector.broadcast %neg3A_673 : f32 to vector<16xf32>
      %neg3A_675 = arith.subf %neg3A_674, %add3A_647 : vector<16xf32>
      %select_n3A_676 = arith.select %eq3A_669, %add3A_666, %neg3A_675 : vector<16xi1>, vector<16xf32>
      %select_n3A_677 = arith.select %eq3A_672, %add3A_647, %select_n3A_676 : vector<16xi1>, vector<16xf32>
      %neg3A_678 = arith.constant 0.000000e+00 : f32
      %neg3A_679 = vector.broadcast %neg3A_678 : f32 to vector<16xf32>
      %neg3A_680 = arith.subf %neg3A_679, %add3A_647 : vector<16xf32>
      %neg3A_681 = arith.constant 0.000000e+00 : f32
      %neg3A_682 = vector.broadcast %neg3A_681 : f32 to vector<16xf32>
      %neg3A_683 = arith.subf %neg3A_682, %add3A_666 : vector<16xf32>
      %select_n3A_684 = arith.select %eq3A_669, %neg3A_680, %neg3A_683 : vector<16xi1>, vector<16xf32>
      %select_n3A_685 = arith.select %eq3A_672, %add3A_666, %select_n3A_684 : vector<16xi1>, vector<16xf32>
      %add3A_686 = arith.constant 1.000000e+00 : f32
      %add3A_687 = vector.broadcast %add3A_686 : f32 to vector<16xf32>
      %add3A_688 = arith.addf %select_n3A_685, %add3A_687 : vector<16xf32>
      %mul3A_689 = arith.constant 5.000000e-01 : f32
      %mul3A_690 = vector.broadcast %mul3A_689 : f32 to vector<16xf32>
      %mul3A_691 = arith.mulf %mul3A_690, %add3A_688 : vector<16xf32>
      %mul3A_692 = arith.mulf %mul3A_691, %mul3A_618 : vector<16xf32>
      %add3A_693 = arith.addf %select_n3A_685, %select_n3A_685 : vector<16xf32>
      %and3A_694 = arith.andi %add3A_562, %broadcast_in_dim3A_10 : vector<16xi32>
      %mul3A_695 = arith.mulf %select_n3A_677, %mul3A_692 : vector<16xf32>
      %mul3A_696 = arith.mulf %add3A_693, %mul3A_695 : vector<16xf32>
      tpu.vector_store_idx %arg13[%and3A_694, %broadcast_in_dim3A_6], %mul3A_695 masked %lt3A_564 : memref<512x8xf32, #tpu.memory_space<vmem>>[vector<16xi32>, vector<16xi32>], vector<16xf32>, vector<16xi1>
      %broadcast_in_dim3A_697 = arith.constant 1 : i32
      %broadcast_in_dim3A_698 = vector.broadcast %broadcast_in_dim3A_697 : i32 to vector<16xi32>
      tpu.vector_store_idx %arg13[%and3A_694, %broadcast_in_dim3A_698], %mul3A_696 masked %lt3A_564 : memref<512x8xf32, #tpu.memory_space<vmem>>[vector<16xi32>, vector<16xi32>], vector<16xf32>, vector<16xi1>
      %mul3A_699 = arith.mulf %add3A_693, %mul3A_696 : vector<16xf32>
      %sub3A_700 = arith.subf %mul3A_699, %mul3A_695 : vector<16xf32>
      %broadcast_in_dim3A_701 = arith.constant 2 : i32
      %broadcast_in_dim3A_702 = vector.broadcast %broadcast_in_dim3A_701 : i32 to vector<16xi32>
      tpu.vector_store_idx %arg13[%and3A_694, %broadcast_in_dim3A_702], %sub3A_700 masked %lt3A_564 : memref<512x8xf32, #tpu.memory_space<vmem>>[vector<16xi32>, vector<16xi32>], vector<16xf32>, vector<16xi1>
      %mul3A_703 = arith.mulf %add3A_693, %sub3A_700 : vector<16xf32>
      %sub3A_704 = arith.subf %mul3A_703, %mul3A_696 : vector<16xf32>
      %broadcast_in_dim3A_705 = arith.constant 3 : i32
      %broadcast_in_dim3A_706 = vector.broadcast %broadcast_in_dim3A_705 : i32 to vector<16xi32>
      tpu.vector_store_idx %arg13[%and3A_694, %broadcast_in_dim3A_706], %sub3A_704 masked %lt3A_564 : memref<512x8xf32, #tpu.memory_space<vmem>>[vector<16xi32>, vector<16xi32>], vector<16xf32>, vector<16xi1>
      %mul3A_707 = arith.mulf %add3A_693, %sub3A_704 : vector<16xf32>
      %sub3A_708 = arith.subf %mul3A_707, %sub3A_700 : vector<16xf32>
      %broadcast_in_dim3A_709 = arith.constant 4 : i32
      %broadcast_in_dim3A_710 = vector.broadcast %broadcast_in_dim3A_709 : i32 to vector<16xi32>
      tpu.vector_store_idx %arg13[%and3A_694, %broadcast_in_dim3A_710], %sub3A_708 masked %lt3A_564 : memref<512x8xf32, #tpu.memory_space<vmem>>[vector<16xi32>, vector<16xi32>], vector<16xf32>, vector<16xi1>
      %mul3A_711 = arith.mulf %add3A_693, %sub3A_708 : vector<16xf32>
      %sub3A_712 = arith.subf %mul3A_711, %sub3A_704 : vector<16xf32>
      %broadcast_in_dim3A_713 = arith.constant 5 : i32
      %broadcast_in_dim3A_714 = vector.broadcast %broadcast_in_dim3A_713 : i32 to vector<16xi32>
      tpu.vector_store_idx %arg13[%and3A_694, %broadcast_in_dim3A_714], %sub3A_712 masked %lt3A_564 : memref<512x8xf32, #tpu.memory_space<vmem>>[vector<16xi32>, vector<16xi32>], vector<16xf32>, vector<16xi1>
      %mul3A_715 = arith.mulf %add3A_693, %sub3A_712 : vector<16xf32>
      %sub3A_716 = arith.subf %mul3A_715, %sub3A_708 : vector<16xf32>
      %broadcast_in_dim3A_717 = arith.constant 6 : i32
      %broadcast_in_dim3A_718 = vector.broadcast %broadcast_in_dim3A_717 : i32 to vector<16xi32>
      tpu.vector_store_idx %arg13[%and3A_694, %broadcast_in_dim3A_718], %sub3A_716 masked %lt3A_564 : memref<512x8xf32, #tpu.memory_space<vmem>>[vector<16xi32>, vector<16xi32>], vector<16xf32>, vector<16xi1>
      %mul3A_719 = arith.mulf %add3A_693, %sub3A_716 : vector<16xf32>
      %sub3A_720 = arith.subf %mul3A_719, %sub3A_712 : vector<16xf32>
      %broadcast_in_dim3A_721 = arith.constant 7 : i32
      %broadcast_in_dim3A_722 = vector.broadcast %broadcast_in_dim3A_721 : i32 to vector<16xi32>
      tpu.vector_store_idx %arg13[%and3A_694, %broadcast_in_dim3A_722], %sub3A_720 masked %lt3A_564 : memref<512x8xf32, #tpu.memory_space<vmem>>[vector<16xi32>, vector<16xi32>], vector<16xf32>, vector<16xi1>
      %shift_right_logical3A_723 = arith.constant 7 : i32
      %shift_right_logical3A_724 = vector.broadcast %shift_right_logical3A_723 : i32 to vector<16xi32>
      %shift_right_logical3A_725 = arith.shrui %and3A_694, %shift_right_logical3A_724 : vector<16xi32>
      %and3A_726 = arith.andi %and3A_694, %broadcast_in_dim3A_12 : vector<16xi32>
      tpu.vector_store_idx %arg14[%shift_right_logical3A_725, %and3A_726], %get3A_575 masked %lt3A_564 : memref<4x128xi32, #tpu.memory_space<vmem>>[vector<16xi32>, vector<16xi32>], vector<16xi32>, vector<16xi1>
      %shift_right_logical3A_727 = arith.constant 7 : i32
      %shift_right_logical3A_728 = arith.shrui %min3A_54, %shift_right_logical3A_727 : i32
      %shift_right_logical3A_729 = arith.constant 7 : i32
      %shift_right_logical3A_730 = arith.shrui %min3A, %shift_right_logical3A_729 : i32
      %gt3A = arith.cmpi sgt, %shift_right_logical3A_728, %shift_right_logical3A_730 : i32
      %convert_element_type3A_731 = arith.extui %gt3A : i1 to i32
      %cond3A_732 = arith.constant 0 : i32
      %cond3A_733 = arith.cmpi ne, %convert_element_type3A_731, %cond3A_732 : i32
      scf.if %cond3A_733 {
        %shift_right_logical3A_735 = arith.constant 7 : i32
        %shift_right_logical3A_736 = arith.shrui %min3A, %shift_right_logical3A_735 : i32
        %and3A_737 = arith.constant 3 : i32
        %and3A_738 = arith.andi %shift_right_logical3A_736, %and3A_737 : i32
        %mul3A_739 = arith.constant 128 : i32
        %mul3A_740 = arith.muli %and3A_738, %mul3A_739 : i32
        "tpu.region"() ({
          %run_scoped3A_741 = tpu.sem_alloc : memref<!tpu.dma_semaphore, #tpu.memory_space<semaphore_mem>>
          %dma_start3A = arith.constant 0 : i32
          %dma_start3A_742 = tpu.memref_slice %arg13[%mul3A_740, %dma_start3A] : memref<512x8xf32, #tpu.memory_space<vmem>> -> memref<128x8xf32, #tpu.memory_space<vmem>>
          %dma_start3A_743 = arith.constant 0 : i32
          %dma_start3A_744 = tpu.memref_slice %arg14[%and3A_738, %dma_start3A_743] : memref<4x128xi32, #tpu.memory_space<vmem>> -> memref<1x128xi32, #tpu.memory_space<vmem>>
          %dma_start3A_745 = tpu.memref_squeeze %dma_start3A_744 : memref<1x128xi32, #tpu.memory_space<vmem>> -> memref<128xi32, #tpu.memory_space<vmem>>
          %dma_start3A_746 = arith.constant 0 : i32
          %dma_start3A_747 = arith.constant 0 : i32
          %dma_start3A_748 = tpu.memref_slice %arg15[%dma_start3A_746, %dma_start3A_747] : memref<40960x8xf32, #tpu.memory_space<vmem_shared>> -> memref<40960x8xf32, #tpu.memory_space<vmem_shared>>
          tpu.enqueue_indirect_dma source(%dma_start3A_742 : memref<128x8xf32, #tpu.memory_space<vmem>>) target(%dma_start3A_748 : memref<40960x8xf32, #tpu.memory_space<vmem_shared>>) offsets(%dma_start3A_745 : memref<128xi32, #tpu.memory_space<vmem>>) semaphore(%run_scoped3A_741 : memref<!tpu.dma_semaphore, #tpu.memory_space<semaphore_mem>>) {add = true}
          %dma_wait3A = arith.constant 0 : i32
          %dma_wait3A_749 = tpu.memref_slice %arg13[%mul3A_740, %dma_wait3A] : memref<512x8xf32, #tpu.memory_space<vmem>> -> memref<128x8xf32, #tpu.memory_space<vmem>>
          %dma_wait3A_750 = arith.constant 0 : i32
          %dma_wait3A_751 = tpu.memref_slice %arg14[%and3A_738, %dma_wait3A_750] : memref<4x128xi32, #tpu.memory_space<vmem>> -> memref<1x128xi32, #tpu.memory_space<vmem>>
          %dma_wait3A_752 = tpu.memref_squeeze %dma_wait3A_751 : memref<1x128xi32, #tpu.memory_space<vmem>> -> memref<128xi32, #tpu.memory_space<vmem>>
          %dma_wait3A_753 = arith.constant 0 : i32
          %dma_wait3A_754 = arith.constant 0 : i32
          %dma_wait3A_755 = tpu.memref_slice %arg15[%dma_wait3A_753, %dma_wait3A_754] : memref<40960x8xf32, #tpu.memory_space<vmem_shared>> -> memref<40960x8xf32, #tpu.memory_space<vmem_shared>>
          tpu.wait_indirect_dma semaphore(%run_scoped3A_741 : memref<!tpu.dma_semaphore, #tpu.memory_space<semaphore_mem>>) src(%dma_wait3A_749 : memref<128x8xf32, #tpu.memory_space<vmem>>) dst(%dma_wait3A_755 : memref<40960x8xf32, #tpu.memory_space<vmem_shared>>)
          tpu.yield
        }) : () -> ()
      } else {
      }
      %while3A_734 = arith.constant 0 : i32
      scf.yield %while3A_734 : i32
    }
    %while3A_36 = arith.constant 1 : i32
    %while3A_37 = scf.for %while3A_46 = %while3A_33 to %while3A_29 step %while3A_36 iter_args(%while3A_47 = %while3A_35) -> (i32)  : i32 {
      %mul3A_48 = arith.constant 64 : i32
      %mul3A_49 = arith.muli %while3A_46, %mul3A_48 : i32
      %min3A = arith.minsi %mul3A_49, %scan3A_18 : i32
      %mul3A_50 = arith.constant 64 : i32
      %mul3A_51 = arith.muli %while3A_46, %mul3A_50 : i32
      %add3A_52 = arith.constant 64 : i32
      %add3A_53 = arith.addi %mul3A_51, %add3A_52 : i32
      %min3A_54 = arith.minsi %add3A_53, %scan3A_18 : i32
      %mul3A_55 = arith.constant 64 : i32
      %mul3A_56 = arith.muli %while3A_46, %mul3A_55 : i32
      %add3A_57 = arith.constant 0 : i32
      %add3A_58 = arith.addi %mul3A_56, %add3A_57 : i32
      %add3A_59 = vector.broadcast %add3A_58 : i32 to vector<16xi32>
      %add3A_60 = arith.addi %add3A_59, %iota3A : vector<16xi32>
      %lt3A = vector.broadcast %scan3A_18 : i32 to vector<16xi32>
      %lt3A_61 = arith.cmpi slt, %add3A_60, %lt3A : vector<16xi32>
      %get3A = arith.index_cast %add3A_58 : i32 to index
      %get3A_62 = tpu.vector_load %arg9[%get3A] {strides = array<i32>} : memref<10000xi32, #tpu.memory_space<vmem>>, vector<16xi32>,
      %bitcast3A = vector.bitcast %get3A_62 : vector<16xi32> to vector<16xf32>
      %get3A_63 = arith.index_cast %add3A_58 : i32 to index
      %get3A_64 = tpu.vector_load %arg10[%get3A_63] {strides = array<i32>} : memref<10000xi32, #tpu.memory_space<vmem>>, vector<16xi32>,
      %bitcast3A_65 = vector.bitcast %get3A_64 : vector<16xi32> to vector<16xf32>
      %get3A_66 = arith.index_cast %add3A_58 : i32 to index
      %get3A_67 = tpu.vector_load %arg11[%get3A_66] {strides = array<i32>} : memref<10000xi32, #tpu.memory_space<vmem>>, vector<16xi32>,
      %bitcast3A_68 = vector.bitcast %get3A_67 : vector<16xi32> to vector<16xf32>
      %get3A_69 = arith.index_cast %add3A_58 : i32 to index
      %get3A_70 = tpu.vector_load %arg12[%get3A_69] {strides = array<i32>} : memref<10000xi32, #tpu.memory_space<vmem>>, vector<16xi32>,
      %mul3A_71 = arith.mulf %bitcast3A, %bitcast3A : vector<16xf32>
      %mul3A_72 = arith.mulf %bitcast3A_65, %bitcast3A_65 : vector<16xf32>
      %add3A_73 = arith.addf %mul3A_71, %mul3A_72 : vector<16xf32>
      %mul3A_74 = arith.mulf %bitcast3A_68, %bitcast3A_68 : vector<16xf32>
      %add3A_75 = arith.addf %add3A_73, %mul3A_74 : vector<16xf32>
      %add3A_76 = arith.constant 9.99999996E-13 : f32
      %add3A_77 = vector.broadcast %add3A_76 : f32 to vector<16xf32>
      %add3A_78 = arith.addf %add3A_75, %add3A_77 : vector<16xf32>
      %bitcast3A_79 = vector.bitcast %add3A_78 : vector<16xf32> to vector<16xi32>
      %shift_right_arithmetic3A = arith.constant 1 : i32
      %shift_right_arithmetic3A_80 = vector.broadcast %shift_right_arithmetic3A : i32 to vector<16xi32>
      %shift_right_arithmetic3A_81 = arith.shrsi %bitcast3A_79, %shift_right_arithmetic3A_80 : vector<16xi32>
      %sub3A = arith.constant 1597463007 : i32
      %sub3A_82 = vector.broadcast %sub3A : i32 to vector<16xi32>
      %sub3A_83 = arith.subi %sub3A_82, %shift_right_arithmetic3A_81 : vector<16xi32>
      %bitcast3A_84 = vector.bitcast %sub3A_83 : vector<16xi32> to vector<16xf32>
      %mul3A_85 = arith.constant 5.000000e-01 : f32
      %mul3A_86 = vector.broadcast %mul3A_85 : f32 to vector<16xf32>
      %mul3A_87 = arith.mulf %mul3A_86, %add3A_78 : vector<16xf32>
      %mul3A_88 = arith.mulf %mul3A_87, %bitcast3A_84 : vector<16xf32>
      %mul3A_89 = arith.mulf %mul3A_88, %bitcast3A_84 : vector<16xf32>
      %sub3A_90 = arith.constant 1.500000e+00 : f32
      %sub3A_91 = vector.broadcast %sub3A_90 : f32 to vector<16xf32>
      %sub3A_92 = arith.subf %sub3A_91, %mul3A_89 : vector<16xf32>
      %mul3A_93 = arith.mulf %bitcast3A_84, %sub3A_92 : vector<16xf32>
      %mul3A_94 = arith.constant 5.000000e-01 : f32
      %mul3A_95 = vector.broadcast %mul3A_94 : f32 to vector<16xf32>
      %mul3A_96 = arith.mulf %mul3A_95, %add3A_78 : vector<16xf32>
      %mul3A_97 = arith.mulf %mul3A_96, %mul3A_93 : vector<16xf32>
      %mul3A_98 = arith.mulf %mul3A_97, %mul3A_93 : vector<16xf32>
      %sub3A_99 = arith.constant 1.500000e+00 : f32
      %sub3A_100 = vector.broadcast %sub3A_99 : f32 to vector<16xf32>
      %sub3A_101 = arith.subf %sub3A_100, %mul3A_98 : vector<16xf32>
      %mul3A_102 = arith.mulf %mul3A_93, %sub3A_101 : vector<16xf32>
      %mul3A_103 = arith.constant 5.000000e-01 : f32
      %mul3A_104 = vector.broadcast %mul3A_103 : f32 to vector<16xf32>
      %mul3A_105 = arith.mulf %mul3A_104, %add3A_78 : vector<16xf32>
      %mul3A_106 = arith.mulf %mul3A_105, %mul3A_102 : vector<16xf32>
      %mul3A_107 = arith.mulf %mul3A_106, %mul3A_102 : vector<16xf32>
      %sub3A_108 = arith.constant 1.500000e+00 : f32
      %sub3A_109 = vector.broadcast %sub3A_108 : f32 to vector<16xf32>
      %sub3A_110 = arith.subf %sub3A_109, %mul3A_107 : vector<16xf32>
      %mul3A_111 = arith.mulf %mul3A_102, %sub3A_110 : vector<16xf32>
      %mul3A_112 = arith.mulf %add3A_78, %mul3A_111 : vector<16xf32>
      %min3A_113 = vector.broadcast %while3A : f32 to vector<16xf32>
      %min3A_114 = arith.minimumf %mul3A_112, %min3A_113 : vector<16xf32>
      %mul3A_115 = vector.broadcast %while3A_23 : f32 to vector<16xf32>
      %mul3A_116 = arith.mulf %min3A_114, %mul3A_115 : vector<16xf32>
      %mul3A_117 = vector.broadcast %while3A_24 : f32 to vector<16xf32>
      %mul3A_118 = arith.mulf %mul3A_116, %mul3A_117 : vector<16xf32>
      %add3A_119 = arith.constant 5.000000e-01 : f32
      %add3A_120 = vector.broadcast %add3A_119 : f32 to vector<16xf32>
      %add3A_121 = arith.addf %mul3A_118, %add3A_120 : vector<16xf32>
      %convert_element_type3A_122 = arith.fptosi %add3A_121 : vector<16xf32> to vector<16xi32>
      %convert_element_type3A_123 = arith.sitofp %convert_element_type3A_122 : vector<16xi32> to vector<16xf32>
      %mul3A_124 = vector.broadcast %while3A_25 : f32 to vector<16xf32>
      %mul3A_125 = arith.mulf %convert_element_type3A_123, %mul3A_124 : vector<16xf32>
      %sub3A_126 = arith.subf %mul3A_116, %mul3A_125 : vector<16xf32>
      %mul3A_127 = arith.mulf %sub3A_126, %sub3A_126 : vector<16xf32>
      %mul3A_128 = arith.mulf %sub3A_126, %mul3A_127 : vector<16xf32>
      %mul3A_129 = arith.constant -1.95152956E-4 : f32
      %mul3A_130 = vector.broadcast %mul3A_129 : f32 to vector<16xf32>
      %mul3A_131 = arith.mulf %mul3A_127, %mul3A_130 : vector<16xf32>
      %add3A_132 = arith.constant 0.00833216123 : f32
      %add3A_133 = vector.broadcast %add3A_132 : f32 to vector<16xf32>
      %add3A_134 = arith.addf %add3A_133, %mul3A_131 : vector<16xf32>
      %mul3A_135 = arith.mulf %mul3A_127, %add3A_134 : vector<16xf32>
      %add3A_136 = arith.constant -0.166666552 : f32
      %add3A_137 = vector.broadcast %add3A_136 : f32 to vector<16xf32>
      %add3A_138 = arith.addf %add3A_137, %mul3A_135 : vector<16xf32>
      %mul3A_139 = arith.mulf %mul3A_128, %add3A_138 : vector<16xf32>
      %add3A_140 = arith.addf %sub3A_126, %mul3A_139 : vector<16xf32>
      %mul3A_141 = arith.constant 5.000000e-01 : f32
      %mul3A_142 = vector.broadcast %mul3A_141 : f32 to vector<16xf32>
      %mul3A_143 = arith.mulf %mul3A_142, %mul3A_127 : vector<16xf32>
      %sub3A_144 = arith.constant 1.000000e+00 : f32
      %sub3A_145 = vector.broadcast %sub3A_144 : f32 to vector<16xf32>
      %sub3A_146 = arith.subf %sub3A_145, %mul3A_143 : vector<16xf32>
      %mul3A_147 = arith.mulf %mul3A_127, %mul3A_127 : vector<16xf32>
      %mul3A_148 = arith.constant 2.44331568E-5 : f32
      %mul3A_149 = vector.broadcast %mul3A_148 : f32 to vector<16xf32>
      %mul3A_150 = arith.mulf %mul3A_127, %mul3A_149 : vector<16xf32>
      %add3A_151 = arith.constant -0.00138873165 : f32
      %add3A_152 = vector.broadcast %add3A_151 : f32 to vector<16xf32>
      %add3A_153 = arith.addf %add3A_152, %mul3A_150 : vector<16xf32>
      %mul3A_154 = arith.mulf %mul3A_127, %add3A_153 : vector<16xf32>
      %add3A_155 = arith.constant 0.0416666456 : f32
      %add3A_156 = vector.broadcast %add3A_155 : f32 to vector<16xf32>
      %add3A_157 = arith.addf %add3A_156, %mul3A_154 : vector<16xf32>
      %mul3A_158 = arith.mulf %mul3A_147, %add3A_157 : vector<16xf32>
      %add3A_159 = arith.addf %sub3A_146, %mul3A_158 : vector<16xf32>
      %eq3A = arith.constant 1 : i32
      %eq3A_160 = vector.broadcast %eq3A : i32 to vector<16xi32>
      %eq3A_161 = arith.cmpi eq, %convert_element_type3A_122, %eq3A_160 : vector<16xi32>
      %eq3A_162 = arith.constant 0 : i32
      %eq3A_163 = vector.broadcast %eq3A_162 : i32 to vector<16xi32>
      %eq3A_164 = arith.cmpi eq, %convert_element_type3A_122, %eq3A_163 : vector<16xi32>
      %neg3A = arith.constant 0.000000e+00 : f32
      %neg3A_165 = vector.broadcast %neg3A : f32 to vector<16xf32>
      %neg3A_166 = arith.subf %neg3A_165, %add3A_140 : vector<16xf32>
      %select_n3A = arith.select %eq3A_161, %add3A_159, %neg3A_166 : vector<16xi1>, vector<16xf32>
      %select_n3A_167 = arith.select %eq3A_164, %add3A_140, %select_n3A : vector<16xi1>, vector<16xf32>
      %neg3A_168 = arith.constant 0.000000e+00 : f32
      %neg3A_169 = vector.broadcast %neg3A_168 : f32 to vector<16xf32>
      %neg3A_170 = arith.subf %neg3A_169, %add3A_140 : vector<16xf32>
      %neg3A_171 = arith.constant 0.000000e+00 : f32
      %neg3A_172 = vector.broadcast %neg3A_171 : f32 to vector<16xf32>
      %neg3A_173 = arith.subf %neg3A_172, %add3A_159 : vector<16xf32>
      %select_n3A_174 = arith.select %eq3A_161, %neg3A_170, %neg3A_173 : vector<16xi1>, vector<16xf32>
      %select_n3A_175 = arith.select %eq3A_164, %add3A_159, %select_n3A_174 : vector<16xi1>, vector<16xf32>
      %add3A_176 = arith.constant 1.000000e+00 : f32
      %add3A_177 = vector.broadcast %add3A_176 : f32 to vector<16xf32>
      %add3A_178 = arith.addf %select_n3A_175, %add3A_177 : vector<16xf32>
      %mul3A_179 = arith.constant 5.000000e-01 : f32
      %mul3A_180 = vector.broadcast %mul3A_179 : f32 to vector<16xf32>
      %mul3A_181 = arith.mulf %mul3A_180, %add3A_178 : vector<16xf32>
      %mul3A_182 = arith.mulf %mul3A_181, %mul3A_111 : vector<16xf32>
      %add3A_183 = arith.addf %select_n3A_175, %select_n3A_175 : vector<16xf32>
      %and3A_184 = arith.andi %add3A_60, %broadcast_in_dim3A_10 : vector<16xi32>
      %mul3A_185 = arith.mulf %select_n3A_167, %mul3A_182 : vector<16xf32>
      %mul3A_186 = arith.mulf %add3A_183, %mul3A_185 : vector<16xf32>
      tpu.vector_store_idx %arg13[%and3A_184, %broadcast_in_dim3A_6], %mul3A_185 masked %lt3A_61 : memref<512x8xf32, #tpu.memory_space<vmem>>[vector<16xi32>, vector<16xi32>], vector<16xf32>, vector<16xi1>
      %broadcast_in_dim3A_187 = arith.constant 1 : i32
      %broadcast_in_dim3A_188 = vector.broadcast %broadcast_in_dim3A_187 : i32 to vector<16xi32>
      tpu.vector_store_idx %arg13[%and3A_184, %broadcast_in_dim3A_188], %mul3A_186 masked %lt3A_61 : memref<512x8xf32, #tpu.memory_space<vmem>>[vector<16xi32>, vector<16xi32>], vector<16xf32>, vector<16xi1>
      %mul3A_189 = arith.mulf %add3A_183, %mul3A_186 : vector<16xf32>
      %sub3A_190 = arith.subf %mul3A_189, %mul3A_185 : vector<16xf32>
      %broadcast_in_dim3A_191 = arith.constant 2 : i32
      %broadcast_in_dim3A_192 = vector.broadcast %broadcast_in_dim3A_191 : i32 to vector<16xi32>
      tpu.vector_store_idx %arg13[%and3A_184, %broadcast_in_dim3A_192], %sub3A_190 masked %lt3A_61 : memref<512x8xf32, #tpu.memory_space<vmem>>[vector<16xi32>, vector<16xi32>], vector<16xf32>, vector<16xi1>
      %mul3A_193 = arith.mulf %add3A_183, %sub3A_190 : vector<16xf32>
      %sub3A_194 = arith.subf %mul3A_193, %mul3A_186 : vector<16xf32>
      %broadcast_in_dim3A_195 = arith.constant 3 : i32
      %broadcast_in_dim3A_196 = vector.broadcast %broadcast_in_dim3A_195 : i32 to vector<16xi32>
      tpu.vector_store_idx %arg13[%and3A_184, %broadcast_in_dim3A_196], %sub3A_194 masked %lt3A_61 : memref<512x8xf32, #tpu.memory_space<vmem>>[vector<16xi32>, vector<16xi32>], vector<16xf32>, vector<16xi1>
      %mul3A_197 = arith.mulf %add3A_183, %sub3A_194 : vector<16xf32>
      %sub3A_198 = arith.subf %mul3A_197, %sub3A_190 : vector<16xf32>
      %broadcast_in_dim3A_199 = arith.constant 4 : i32
      %broadcast_in_dim3A_200 = vector.broadcast %broadcast_in_dim3A_199 : i32 to vector<16xi32>
      tpu.vector_store_idx %arg13[%and3A_184, %broadcast_in_dim3A_200], %sub3A_198 masked %lt3A_61 : memref<512x8xf32, #tpu.memory_space<vmem>>[vector<16xi32>, vector<16xi32>], vector<16xf32>, vector<16xi1>
      %mul3A_201 = arith.mulf %add3A_183, %sub3A_198 : vector<16xf32>
      %sub3A_202 = arith.subf %mul3A_201, %sub3A_194 : vector<16xf32>
      %broadcast_in_dim3A_203 = arith.constant 5 : i32
      %broadcast_in_dim3A_204 = vector.broadcast %broadcast_in_dim3A_203 : i32 to vector<16xi32>
      tpu.vector_store_idx %arg13[%and3A_184, %broadcast_in_dim3A_204], %sub3A_202 masked %lt3A_61 : memref<512x8xf32, #tpu.memory_space<vmem>>[vector<16xi32>, vector<16xi32>], vector<16xf32>, vector<16xi1>
      %mul3A_205 = arith.mulf %add3A_183, %sub3A_202 : vector<16xf32>
      %sub3A_206 = arith.subf %mul3A_205, %sub3A_198 : vector<16xf32>
      %broadcast_in_dim3A_207 = arith.constant 6 : i32
      %broadcast_in_dim3A_208 = vector.broadcast %broadcast_in_dim3A_207 : i32 to vector<16xi32>
      tpu.vector_store_idx %arg13[%and3A_184, %broadcast_in_dim3A_208], %sub3A_206 masked %lt3A_61 : memref<512x8xf32, #tpu.memory_space<vmem>>[vector<16xi32>, vector<16xi32>], vector<16xf32>, vector<16xi1>
      %mul3A_209 = arith.mulf %add3A_183, %sub3A_206 : vector<16xf32>
      %sub3A_210 = arith.subf %mul3A_209, %sub3A_202 : vector<16xf32>
      %broadcast_in_dim3A_211 = arith.constant 7 : i32
      %broadcast_in_dim3A_212 = vector.broadcast %broadcast_in_dim3A_211 : i32 to vector<16xi32>
      tpu.vector_store_idx %arg13[%and3A_184, %broadcast_in_dim3A_212], %sub3A_210 masked %lt3A_61 : memref<512x8xf32, #tpu.memory_space<vmem>>[vector<16xi32>, vector<16xi32>], vector<16xf32>, vector<16xi1>
      %shift_right_logical3A_213 = arith.constant 7 : i32
      %shift_right_logical3A_214 = vector.broadcast %shift_right_logical3A_213 : i32 to vector<16xi32>
      %shift_right_logical3A_215 = arith.shrui %and3A_184, %shift_right_logical3A_214 : vector<16xi32>
      %and3A_216 = arith.andi %and3A_184, %broadcast_in_dim3A_12 : vector<16xi32>
      tpu.vector_store_idx %arg14[%shift_right_logical3A_215, %and3A_216], %get3A_70 masked %lt3A_61 : memref<4x128xi32, #tpu.memory_space<vmem>>[vector<16xi32>, vector<16xi32>], vector<16xi32>, vector<16xi1>
      %mul3A_217 = arith.constant 64 : i32
      %mul3A_218 = arith.muli %while3A_46, %mul3A_217 : i32
      %add3A_219 = arith.constant 16 : i32
      %add3A_220 = arith.addi %mul3A_218, %add3A_219 : i32
      %add3A_221 = vector.broadcast %add3A_220 : i32 to vector<16xi32>
      %add3A_222 = arith.addi %add3A_221, %iota3A : vector<16xi32>
      %lt3A_223 = vector.broadcast %scan3A_18 : i32 to vector<16xi32>
      %lt3A_224 = arith.cmpi slt, %add3A_222, %lt3A_223 : vector<16xi32>
      %get3A_225 = arith.index_cast %add3A_220 : i32 to index
      %get3A_226 = tpu.vector_load %arg9[%get3A_225] {strides = array<i32>} : memref<10000xi32, #tpu.memory_space<vmem>>, vector<16xi32>,
      %bitcast3A_227 = vector.bitcast %get3A_226 : vector<16xi32> to vector<16xf32>
      %get3A_228 = arith.index_cast %add3A_220 : i32 to index
      %get3A_229 = tpu.vector_load %arg10[%get3A_228] {strides = array<i32>} : memref<10000xi32, #tpu.memory_space<vmem>>, vector<16xi32>,
      %bitcast3A_230 = vector.bitcast %get3A_229 : vector<16xi32> to vector<16xf32>
      %get3A_231 = arith.index_cast %add3A_220 : i32 to index
      %get3A_232 = tpu.vector_load %arg11[%get3A_231] {strides = array<i32>} : memref<10000xi32, #tpu.memory_space<vmem>>, vector<16xi32>,
      %bitcast3A_233 = vector.bitcast %get3A_232 : vector<16xi32> to vector<16xf32>
      %get3A_234 = arith.index_cast %add3A_220 : i32 to index
      %get3A_235 = tpu.vector_load %arg12[%get3A_234] {strides = array<i32>} : memref<10000xi32, #tpu.memory_space<vmem>>, vector<16xi32>,
      %mul3A_236 = arith.mulf %bitcast3A_227, %bitcast3A_227 : vector<16xf32>
      %mul3A_237 = arith.mulf %bitcast3A_230, %bitcast3A_230 : vector<16xf32>
      %add3A_238 = arith.addf %mul3A_236, %mul3A_237 : vector<16xf32>
      %mul3A_239 = arith.mulf %bitcast3A_233, %bitcast3A_233 : vector<16xf32>
      %add3A_240 = arith.addf %add3A_238, %mul3A_239 : vector<16xf32>
      %add3A_241 = arith.constant 9.99999996E-13 : f32
      %add3A_242 = vector.broadcast %add3A_241 : f32 to vector<16xf32>
      %add3A_243 = arith.addf %add3A_240, %add3A_242 : vector<16xf32>
      %bitcast3A_244 = vector.bitcast %add3A_243 : vector<16xf32> to vector<16xi32>
      %shift_right_arithmetic3A_245 = arith.constant 1 : i32
      %shift_right_arithmetic3A_246 = vector.broadcast %shift_right_arithmetic3A_245 : i32 to vector<16xi32>
      %shift_right_arithmetic3A_247 = arith.shrsi %bitcast3A_244, %shift_right_arithmetic3A_246 : vector<16xi32>
      %sub3A_248 = arith.constant 1597463007 : i32
      %sub3A_249 = vector.broadcast %sub3A_248 : i32 to vector<16xi32>
      %sub3A_250 = arith.subi %sub3A_249, %shift_right_arithmetic3A_247 : vector<16xi32>
      %bitcast3A_251 = vector.bitcast %sub3A_250 : vector<16xi32> to vector<16xf32>
      %mul3A_252 = arith.constant 5.000000e-01 : f32
      %mul3A_253 = vector.broadcast %mul3A_252 : f32 to vector<16xf32>
      %mul3A_254 = arith.mulf %mul3A_253, %add3A_243 : vector<16xf32>
      %mul3A_255 = arith.mulf %mul3A_254, %bitcast3A_251 : vector<16xf32>
      %mul3A_256 = arith.mulf %mul3A_255, %bitcast3A_251 : vector<16xf32>
      %sub3A_257 = arith.constant 1.500000e+00 : f32
      %sub3A_258 = vector.broadcast %sub3A_257 : f32 to vector<16xf32>
      %sub3A_259 = arith.subf %sub3A_258, %mul3A_256 : vector<16xf32>
      %mul3A_260 = arith.mulf %bitcast3A_251, %sub3A_259 : vector<16xf32>
      %mul3A_261 = arith.constant 5.000000e-01 : f32
      %mul3A_262 = vector.broadcast %mul3A_261 : f32 to vector<16xf32>
      %mul3A_263 = arith.mulf %mul3A_262, %add3A_243 : vector<16xf32>
      %mul3A_264 = arith.mulf %mul3A_263, %mul3A_260 : vector<16xf32>
      %mul3A_265 = arith.mulf %mul3A_264, %mul3A_260 : vector<16xf32>
      %sub3A_266 = arith.constant 1.500000e+00 : f32
      %sub3A_267 = vector.broadcast %sub3A_266 : f32 to vector<16xf32>
      %sub3A_268 = arith.subf %sub3A_267, %mul3A_265 : vector<16xf32>
      %mul3A_269 = arith.mulf %mul3A_260, %sub3A_268 : vector<16xf32>
      %mul3A_270 = arith.constant 5.000000e-01 : f32
      %mul3A_271 = vector.broadcast %mul3A_270 : f32 to vector<16xf32>
      %mul3A_272 = arith.mulf %mul3A_271, %add3A_243 : vector<16xf32>
      %mul3A_273 = arith.mulf %mul3A_272, %mul3A_269 : vector<16xf32>
      %mul3A_274 = arith.mulf %mul3A_273, %mul3A_269 : vector<16xf32>
      %sub3A_275 = arith.constant 1.500000e+00 : f32
      %sub3A_276 = vector.broadcast %sub3A_275 : f32 to vector<16xf32>
      %sub3A_277 = arith.subf %sub3A_276, %mul3A_274 : vector<16xf32>
      %mul3A_278 = arith.mulf %mul3A_269, %sub3A_277 : vector<16xf32>
      %mul3A_279 = arith.mulf %add3A_243, %mul3A_278 : vector<16xf32>
      %min3A_280 = vector.broadcast %while3A : f32 to vector<16xf32>
      %min3A_281 = arith.minimumf %mul3A_279, %min3A_280 : vector<16xf32>
      %mul3A_282 = vector.broadcast %while3A_23 : f32 to vector<16xf32>
      %mul3A_283 = arith.mulf %min3A_281, %mul3A_282 : vector<16xf32>
      %mul3A_284 = vector.broadcast %while3A_24 : f32 to vector<16xf32>
      %mul3A_285 = arith.mulf %mul3A_283, %mul3A_284 : vector<16xf32>
      %add3A_286 = arith.constant 5.000000e-01 : f32
      %add3A_287 = vector.broadcast %add3A_286 : f32 to vector<16xf32>
      %add3A_288 = arith.addf %mul3A_285, %add3A_287 : vector<16xf32>
      %convert_element_type3A_289 = arith.fptosi %add3A_288 : vector<16xf32> to vector<16xi32>
      %convert_element_type3A_290 = arith.sitofp %convert_element_type3A_289 : vector<16xi32> to vector<16xf32>
      %mul3A_291 = vector.broadcast %while3A_25 : f32 to vector<16xf32>
      %mul3A_292 = arith.mulf %convert_element_type3A_290, %mul3A_291 : vector<16xf32>
      %sub3A_293 = arith.subf %mul3A_283, %mul3A_292 : vector<16xf32>
      %mul3A_294 = arith.mulf %sub3A_293, %sub3A_293 : vector<16xf32>
      %mul3A_295 = arith.mulf %sub3A_293, %mul3A_294 : vector<16xf32>
      %mul3A_296 = arith.constant -1.95152956E-4 : f32
      %mul3A_297 = vector.broadcast %mul3A_296 : f32 to vector<16xf32>
      %mul3A_298 = arith.mulf %mul3A_294, %mul3A_297 : vector<16xf32>
      %add3A_299 = arith.constant 0.00833216123 : f32
      %add3A_300 = vector.broadcast %add3A_299 : f32 to vector<16xf32>
      %add3A_301 = arith.addf %add3A_300, %mul3A_298 : vector<16xf32>
      %mul3A_302 = arith.mulf %mul3A_294, %add3A_301 : vector<16xf32>
      %add3A_303 = arith.constant -0.166666552 : f32
      %add3A_304 = vector.broadcast %add3A_303 : f32 to vector<16xf32>
      %add3A_305 = arith.addf %add3A_304, %mul3A_302 : vector<16xf32>
      %mul3A_306 = arith.mulf %mul3A_295, %add3A_305 : vector<16xf32>
      %add3A_307 = arith.addf %sub3A_293, %mul3A_306 : vector<16xf32>
      %mul3A_308 = arith.constant 5.000000e-01 : f32
      %mul3A_309 = vector.broadcast %mul3A_308 : f32 to vector<16xf32>
      %mul3A_310 = arith.mulf %mul3A_309, %mul3A_294 : vector<16xf32>
      %sub3A_311 = arith.constant 1.000000e+00 : f32
      %sub3A_312 = vector.broadcast %sub3A_311 : f32 to vector<16xf32>
      %sub3A_313 = arith.subf %sub3A_312, %mul3A_310 : vector<16xf32>
      %mul3A_314 = arith.mulf %mul3A_294, %mul3A_294 : vector<16xf32>
      %mul3A_315 = arith.constant 2.44331568E-5 : f32
      %mul3A_316 = vector.broadcast %mul3A_315 : f32 to vector<16xf32>
      %mul3A_317 = arith.mulf %mul3A_294, %mul3A_316 : vector<16xf32>
      %add3A_318 = arith.constant -0.00138873165 : f32
      %add3A_319 = vector.broadcast %add3A_318 : f32 to vector<16xf32>
      %add3A_320 = arith.addf %add3A_319, %mul3A_317 : vector<16xf32>
      %mul3A_321 = arith.mulf %mul3A_294, %add3A_320 : vector<16xf32>
      %add3A_322 = arith.constant 0.0416666456 : f32
      %add3A_323 = vector.broadcast %add3A_322 : f32 to vector<16xf32>
      %add3A_324 = arith.addf %add3A_323, %mul3A_321 : vector<16xf32>
      %mul3A_325 = arith.mulf %mul3A_314, %add3A_324 : vector<16xf32>
      %add3A_326 = arith.addf %sub3A_313, %mul3A_325 : vector<16xf32>
      %eq3A_327 = arith.constant 1 : i32
      %eq3A_328 = vector.broadcast %eq3A_327 : i32 to vector<16xi32>
      %eq3A_329 = arith.cmpi eq, %convert_element_type3A_289, %eq3A_328 : vector<16xi32>
      %eq3A_330 = arith.constant 0 : i32
      %eq3A_331 = vector.broadcast %eq3A_330 : i32 to vector<16xi32>
      %eq3A_332 = arith.cmpi eq, %convert_element_type3A_289, %eq3A_331 : vector<16xi32>
      %neg3A_333 = arith.constant 0.000000e+00 : f32
      %neg3A_334 = vector.broadcast %neg3A_333 : f32 to vector<16xf32>
      %neg3A_335 = arith.subf %neg3A_334, %add3A_307 : vector<16xf32>
      %select_n3A_336 = arith.select %eq3A_329, %add3A_326, %neg3A_335 : vector<16xi1>, vector<16xf32>
      %select_n3A_337 = arith.select %eq3A_332, %add3A_307, %select_n3A_336 : vector<16xi1>, vector<16xf32>
      %neg3A_338 = arith.constant 0.000000e+00 : f32
      %neg3A_339 = vector.broadcast %neg3A_338 : f32 to vector<16xf32>
      %neg3A_340 = arith.subf %neg3A_339, %add3A_307 : vector<16xf32>
      %neg3A_341 = arith.constant 0.000000e+00 : f32
      %neg3A_342 = vector.broadcast %neg3A_341 : f32 to vector<16xf32>
      %neg3A_343 = arith.subf %neg3A_342, %add3A_326 : vector<16xf32>
      %select_n3A_344 = arith.select %eq3A_329, %neg3A_340, %neg3A_343 : vector<16xi1>, vector<16xf32>
      %select_n3A_345 = arith.select %eq3A_332, %add3A_326, %select_n3A_344 : vector<16xi1>, vector<16xf32>
      %add3A_346 = arith.constant 1.000000e+00 : f32
      %add3A_347 = vector.broadcast %add3A_346 : f32 to vector<16xf32>
      %add3A_348 = arith.addf %select_n3A_345, %add3A_347 : vector<16xf32>
      %mul3A_349 = arith.constant 5.000000e-01 : f32
      %mul3A_350 = vector.broadcast %mul3A_349 : f32 to vector<16xf32>
      %mul3A_351 = arith.mulf %mul3A_350, %add3A_348 : vector<16xf32>
      %mul3A_352 = arith.mulf %mul3A_351, %mul3A_278 : vector<16xf32>
      %add3A_353 = arith.addf %select_n3A_345, %select_n3A_345 : vector<16xf32>
      %and3A_354 = arith.andi %add3A_222, %broadcast_in_dim3A_10 : vector<16xi32>
      %mul3A_355 = arith.mulf %select_n3A_337, %mul3A_352 : vector<16xf32>
      %mul3A_356 = arith.mulf %add3A_353, %mul3A_355 : vector<16xf32>
      tpu.vector_store_idx %arg13[%and3A_354, %broadcast_in_dim3A_6], %mul3A_355 masked %lt3A_224 : memref<512x8xf32, #tpu.memory_space<vmem>>[vector<16xi32>, vector<16xi32>], vector<16xf32>, vector<16xi1>
      %broadcast_in_dim3A_357 = arith.constant 1 : i32
      %broadcast_in_dim3A_358 = vector.broadcast %broadcast_in_dim3A_357 : i32 to vector<16xi32>
      tpu.vector_store_idx %arg13[%and3A_354, %broadcast_in_dim3A_358], %mul3A_356 masked %lt3A_224 : memref<512x8xf32, #tpu.memory_space<vmem>>[vector<16xi32>, vector<16xi32>], vector<16xf32>, vector<16xi1>
      %mul3A_359 = arith.mulf %add3A_353, %mul3A_356 : vector<16xf32>
      %sub3A_360 = arith.subf %mul3A_359, %mul3A_355 : vector<16xf32>
      %broadcast_in_dim3A_361 = arith.constant 2 : i32
      %broadcast_in_dim3A_362 = vector.broadcast %broadcast_in_dim3A_361 : i32 to vector<16xi32>
      tpu.vector_store_idx %arg13[%and3A_354, %broadcast_in_dim3A_362], %sub3A_360 masked %lt3A_224 : memref<512x8xf32, #tpu.memory_space<vmem>>[vector<16xi32>, vector<16xi32>], vector<16xf32>, vector<16xi1>
      %mul3A_363 = arith.mulf %add3A_353, %sub3A_360 : vector<16xf32>
      %sub3A_364 = arith.subf %mul3A_363, %mul3A_356 : vector<16xf32>
      %broadcast_in_dim3A_365 = arith.constant 3 : i32
      %broadcast_in_dim3A_366 = vector.broadcast %broadcast_in_dim3A_365 : i32 to vector<16xi32>
      tpu.vector_store_idx %arg13[%and3A_354, %broadcast_in_dim3A_366], %sub3A_364 masked %lt3A_224 : memref<512x8xf32, #tpu.memory_space<vmem>>[vector<16xi32>, vector<16xi32>], vector<16xf32>, vector<16xi1>
      %mul3A_367 = arith.mulf %add3A_353, %sub3A_364 : vector<16xf32>
      %sub3A_368 = arith.subf %mul3A_367, %sub3A_360 : vector<16xf32>
      %broadcast_in_dim3A_369 = arith.constant 4 : i32
      %broadcast_in_dim3A_370 = vector.broadcast %broadcast_in_dim3A_369 : i32 to vector<16xi32>
      tpu.vector_store_idx %arg13[%and3A_354, %broadcast_in_dim3A_370], %sub3A_368 masked %lt3A_224 : memref<512x8xf32, #tpu.memory_space<vmem>>[vector<16xi32>, vector<16xi32>], vector<16xf32>, vector<16xi1>
      %mul3A_371 = arith.mulf %add3A_353, %sub3A_368 : vector<16xf32>
      %sub3A_372 = arith.subf %mul3A_371, %sub3A_364 : vector<16xf32>
      %broadcast_in_dim3A_373 = arith.constant 5 : i32
      %broadcast_in_dim3A_374 = vector.broadcast %broadcast_in_dim3A_373 : i32 to vector<16xi32>
      tpu.vector_store_idx %arg13[%and3A_354, %broadcast_in_dim3A_374], %sub3A_372 masked %lt3A_224 : memref<512x8xf32, #tpu.memory_space<vmem>>[vector<16xi32>, vector<16xi32>], vector<16xf32>, vector<16xi1>
      %mul3A_375 = arith.mulf %add3A_353, %sub3A_372 : vector<16xf32>
      %sub3A_376 = arith.subf %mul3A_375, %sub3A_368 : vector<16xf32>
      %broadcast_in_dim3A_377 = arith.constant 6 : i32
      %broadcast_in_dim3A_378 = vector.broadcast %broadcast_in_dim3A_377 : i32 to vector<16xi32>
      tpu.vector_store_idx %arg13[%and3A_354, %broadcast_in_dim3A_378], %sub3A_376 masked %lt3A_224 : memref<512x8xf32, #tpu.memory_space<vmem>>[vector<16xi32>, vector<16xi32>], vector<16xf32>, vector<16xi1>
      %mul3A_379 = arith.mulf %add3A_353, %sub3A_376 : vector<16xf32>
      %sub3A_380 = arith.subf %mul3A_379, %sub3A_372 : vector<16xf32>
      %broadcast_in_dim3A_381 = arith.constant 7 : i32
      %broadcast_in_dim3A_382 = vector.broadcast %broadcast_in_dim3A_381 : i32 to vector<16xi32>
      tpu.vector_store_idx %arg13[%and3A_354, %broadcast_in_dim3A_382], %sub3A_380 masked %lt3A_224 : memref<512x8xf32, #tpu.memory_space<vmem>>[vector<16xi32>, vector<16xi32>], vector<16xf32>, vector<16xi1>
      %shift_right_logical3A_383 = arith.constant 7 : i32
      %shift_right_logical3A_384 = vector.broadcast %shift_right_logical3A_383 : i32 to vector<16xi32>
      %shift_right_logical3A_385 = arith.shrui %and3A_354, %shift_right_logical3A_384 : vector<16xi32>
      %and3A_386 = arith.andi %and3A_354, %broadcast_in_dim3A_12 : vector<16xi32>
      tpu.vector_store_idx %arg14[%shift_right_logical3A_385, %and3A_386], %get3A_235 masked %lt3A_224 : memref<4x128xi32, #tpu.memory_space<vmem>>[vector<16xi32>, vector<16xi32>], vector<16xi32>, vector<16xi1>
      %mul3A_387 = arith.constant 64 : i32
      %mul3A_388 = arith.muli %while3A_46, %mul3A_387 : i32
      %add3A_389 = arith.constant 32 : i32
      %add3A_390 = arith.addi %mul3A_388, %add3A_389 : i32
      %add3A_391 = vector.broadcast %add3A_390 : i32 to vector<16xi32>
      %add3A_392 = arith.addi %add3A_391, %iota3A : vector<16xi32>
      %lt3A_393 = vector.broadcast %scan3A_18 : i32 to vector<16xi32>
      %lt3A_394 = arith.cmpi slt, %add3A_392, %lt3A_393 : vector<16xi32>
      %get3A_395 = arith.index_cast %add3A_390 : i32 to index
      %get3A_396 = tpu.vector_load %arg9[%get3A_395] {strides = array<i32>} : memref<10000xi32, #tpu.memory_space<vmem>>, vector<16xi32>,
      %bitcast3A_397 = vector.bitcast %get3A_396 : vector<16xi32> to vector<16xf32>
      %get3A_398 = arith.index_cast %add3A_390 : i32 to index
      %get3A_399 = tpu.vector_load %arg10[%get3A_398] {strides = array<i32>} : memref<10000xi32, #tpu.memory_space<vmem>>, vector<16xi32>,
      %bitcast3A_400 = vector.bitcast %get3A_399 : vector<16xi32> to vector<16xf32>
      %get3A_401 = arith.index_cast %add3A_390 : i32 to index
      %get3A_402 = tpu.vector_load %arg11[%get3A_401] {strides = array<i32>} : memref<10000xi32, #tpu.memory_space<vmem>>, vector<16xi32>,
      %bitcast3A_403 = vector.bitcast %get3A_402 : vector<16xi32> to vector<16xf32>
      %get3A_404 = arith.index_cast %add3A_390 : i32 to index
      %get3A_405 = tpu.vector_load %arg12[%get3A_404] {strides = array<i32>} : memref<10000xi32, #tpu.memory_space<vmem>>, vector<16xi32>,
      %mul3A_406 = arith.mulf %bitcast3A_397, %bitcast3A_397 : vector<16xf32>
      %mul3A_407 = arith.mulf %bitcast3A_400, %bitcast3A_400 : vector<16xf32>
      %add3A_408 = arith.addf %mul3A_406, %mul3A_407 : vector<16xf32>
      %mul3A_409 = arith.mulf %bitcast3A_403, %bitcast3A_403 : vector<16xf32>
      %add3A_410 = arith.addf %add3A_408, %mul3A_409 : vector<16xf32>
      %add3A_411 = arith.constant 9.99999996E-13 : f32
      %add3A_412 = vector.broadcast %add3A_411 : f32 to vector<16xf32>
      %add3A_413 = arith.addf %add3A_410, %add3A_412 : vector<16xf32>
      %bitcast3A_414 = vector.bitcast %add3A_413 : vector<16xf32> to vector<16xi32>
      %shift_right_arithmetic3A_415 = arith.constant 1 : i32
      %shift_right_arithmetic3A_416 = vector.broadcast %shift_right_arithmetic3A_415 : i32 to vector<16xi32>
      %shift_right_arithmetic3A_417 = arith.shrsi %bitcast3A_414, %shift_right_arithmetic3A_416 : vector<16xi32>
      %sub3A_418 = arith.constant 1597463007 : i32
      %sub3A_419 = vector.broadcast %sub3A_418 : i32 to vector<16xi32>
      %sub3A_420 = arith.subi %sub3A_419, %shift_right_arithmetic3A_417 : vector<16xi32>
      %bitcast3A_421 = vector.bitcast %sub3A_420 : vector<16xi32> to vector<16xf32>
      %mul3A_422 = arith.constant 5.000000e-01 : f32
      %mul3A_423 = vector.broadcast %mul3A_422 : f32 to vector<16xf32>
      %mul3A_424 = arith.mulf %mul3A_423, %add3A_413 : vector<16xf32>
      %mul3A_425 = arith.mulf %mul3A_424, %bitcast3A_421 : vector<16xf32>
      %mul3A_426 = arith.mulf %mul3A_425, %bitcast3A_421 : vector<16xf32>
      %sub3A_427 = arith.constant 1.500000e+00 : f32
      %sub3A_428 = vector.broadcast %sub3A_427 : f32 to vector<16xf32>
      %sub3A_429 = arith.subf %sub3A_428, %mul3A_426 : vector<16xf32>
      %mul3A_430 = arith.mulf %bitcast3A_421, %sub3A_429 : vector<16xf32>
      %mul3A_431 = arith.constant 5.000000e-01 : f32
      %mul3A_432 = vector.broadcast %mul3A_431 : f32 to vector<16xf32>
      %mul3A_433 = arith.mulf %mul3A_432, %add3A_413 : vector<16xf32>
      %mul3A_434 = arith.mulf %mul3A_433, %mul3A_430 : vector<16xf32>
      %mul3A_435 = arith.mulf %mul3A_434, %mul3A_430 : vector<16xf32>
      %sub3A_436 = arith.constant 1.500000e+00 : f32
      %sub3A_437 = vector.broadcast %sub3A_436 : f32 to vector<16xf32>
      %sub3A_438 = arith.subf %sub3A_437, %mul3A_435 : vector<16xf32>
      %mul3A_439 = arith.mulf %mul3A_430, %sub3A_438 : vector<16xf32>
      %mul3A_440 = arith.constant 5.000000e-01 : f32
      %mul3A_441 = vector.broadcast %mul3A_440 : f32 to vector<16xf32>
      %mul3A_442 = arith.mulf %mul3A_441, %add3A_413 : vector<16xf32>
      %mul3A_443 = arith.mulf %mul3A_442, %mul3A_439 : vector<16xf32>
      %mul3A_444 = arith.mulf %mul3A_443, %mul3A_439 : vector<16xf32>
      %sub3A_445 = arith.constant 1.500000e+00 : f32
      %sub3A_446 = vector.broadcast %sub3A_445 : f32 to vector<16xf32>
      %sub3A_447 = arith.subf %sub3A_446, %mul3A_444 : vector<16xf32>
      %mul3A_448 = arith.mulf %mul3A_439, %sub3A_447 : vector<16xf32>
      %mul3A_449 = arith.mulf %add3A_413, %mul3A_448 : vector<16xf32>
      %min3A_450 = vector.broadcast %while3A : f32 to vector<16xf32>
      %min3A_451 = arith.minimumf %mul3A_449, %min3A_450 : vector<16xf32>
      %mul3A_452 = vector.broadcast %while3A_23 : f32 to vector<16xf32>
      %mul3A_453 = arith.mulf %min3A_451, %mul3A_452 : vector<16xf32>
      %mul3A_454 = vector.broadcast %while3A_24 : f32 to vector<16xf32>
      %mul3A_455 = arith.mulf %mul3A_453, %mul3A_454 : vector<16xf32>
      %add3A_456 = arith.constant 5.000000e-01 : f32
      %add3A_457 = vector.broadcast %add3A_456 : f32 to vector<16xf32>
      %add3A_458 = arith.addf %mul3A_455, %add3A_457 : vector<16xf32>
      %convert_element_type3A_459 = arith.fptosi %add3A_458 : vector<16xf32> to vector<16xi32>
      %convert_element_type3A_460 = arith.sitofp %convert_element_type3A_459 : vector<16xi32> to vector<16xf32>
      %mul3A_461 = vector.broadcast %while3A_25 : f32 to vector<16xf32>
      %mul3A_462 = arith.mulf %convert_element_type3A_460, %mul3A_461 : vector<16xf32>
      %sub3A_463 = arith.subf %mul3A_453, %mul3A_462 : vector<16xf32>
      %mul3A_464 = arith.mulf %sub3A_463, %sub3A_463 : vector<16xf32>
      %mul3A_465 = arith.mulf %sub3A_463, %mul3A_464 : vector<16xf32>
      %mul3A_466 = arith.constant -1.95152956E-4 : f32
      %mul3A_467 = vector.broadcast %mul3A_466 : f32 to vector<16xf32>
      %mul3A_468 = arith.mulf %mul3A_464, %mul3A_467 : vector<16xf32>
      %add3A_469 = arith.constant 0.00833216123 : f32
      %add3A_470 = vector.broadcast %add3A_469 : f32 to vector<16xf32>
      %add3A_471 = arith.addf %add3A_470, %mul3A_468 : vector<16xf32>
      %mul3A_472 = arith.mulf %mul3A_464, %add3A_471 : vector<16xf32>
      %add3A_473 = arith.constant -0.166666552 : f32
      %add3A_474 = vector.broadcast %add3A_473 : f32 to vector<16xf32>
      %add3A_475 = arith.addf %add3A_474, %mul3A_472 : vector<16xf32>
      %mul3A_476 = arith.mulf %mul3A_465, %add3A_475 : vector<16xf32>
      %add3A_477 = arith.addf %sub3A_463, %mul3A_476 : vector<16xf32>
      %mul3A_478 = arith.constant 5.000000e-01 : f32
      %mul3A_479 = vector.broadcast %mul3A_478 : f32 to vector<16xf32>
      %mul3A_480 = arith.mulf %mul3A_479, %mul3A_464 : vector<16xf32>
      %sub3A_481 = arith.constant 1.000000e+00 : f32
      %sub3A_482 = vector.broadcast %sub3A_481 : f32 to vector<16xf32>
      %sub3A_483 = arith.subf %sub3A_482, %mul3A_480 : vector<16xf32>
      %mul3A_484 = arith.mulf %mul3A_464, %mul3A_464 : vector<16xf32>
      %mul3A_485 = arith.constant 2.44331568E-5 : f32
      %mul3A_486 = vector.broadcast %mul3A_485 : f32 to vector<16xf32>
      %mul3A_487 = arith.mulf %mul3A_464, %mul3A_486 : vector<16xf32>
      %add3A_488 = arith.constant -0.00138873165 : f32
      %add3A_489 = vector.broadcast %add3A_488 : f32 to vector<16xf32>
      %add3A_490 = arith.addf %add3A_489, %mul3A_487 : vector<16xf32>
      %mul3A_491 = arith.mulf %mul3A_464, %add3A_490 : vector<16xf32>
      %add3A_492 = arith.constant 0.0416666456 : f32
      %add3A_493 = vector.broadcast %add3A_492 : f32 to vector<16xf32>
      %add3A_494 = arith.addf %add3A_493, %mul3A_491 : vector<16xf32>
      %mul3A_495 = arith.mulf %mul3A_484, %add3A_494 : vector<16xf32>
      %add3A_496 = arith.addf %sub3A_483, %mul3A_495 : vector<16xf32>
      %eq3A_497 = arith.constant 1 : i32
      %eq3A_498 = vector.broadcast %eq3A_497 : i32 to vector<16xi32>
      %eq3A_499 = arith.cmpi eq, %convert_element_type3A_459, %eq3A_498 : vector<16xi32>
      %eq3A_500 = arith.constant 0 : i32
      %eq3A_501 = vector.broadcast %eq3A_500 : i32 to vector<16xi32>
      %eq3A_502 = arith.cmpi eq, %convert_element_type3A_459, %eq3A_501 : vector<16xi32>
      %neg3A_503 = arith.constant 0.000000e+00 : f32
      %neg3A_504 = vector.broadcast %neg3A_503 : f32 to vector<16xf32>
      %neg3A_505 = arith.subf %neg3A_504, %add3A_477 : vector<16xf32>
      %select_n3A_506 = arith.select %eq3A_499, %add3A_496, %neg3A_505 : vector<16xi1>, vector<16xf32>
      %select_n3A_507 = arith.select %eq3A_502, %add3A_477, %select_n3A_506 : vector<16xi1>, vector<16xf32>
      %neg3A_508 = arith.constant 0.000000e+00 : f32
      %neg3A_509 = vector.broadcast %neg3A_508 : f32 to vector<16xf32>
      %neg3A_510 = arith.subf %neg3A_509, %add3A_477 : vector<16xf32>
      %neg3A_511 = arith.constant 0.000000e+00 : f32
      %neg3A_512 = vector.broadcast %neg3A_511 : f32 to vector<16xf32>
      %neg3A_513 = arith.subf %neg3A_512, %add3A_496 : vector<16xf32>
      %select_n3A_514 = arith.select %eq3A_499, %neg3A_510, %neg3A_513 : vector<16xi1>, vector<16xf32>
      %select_n3A_515 = arith.select %eq3A_502, %add3A_496, %select_n3A_514 : vector<16xi1>, vector<16xf32>
      %add3A_516 = arith.constant 1.000000e+00 : f32
      %add3A_517 = vector.broadcast %add3A_516 : f32 to vector<16xf32>
      %add3A_518 = arith.addf %select_n3A_515, %add3A_517 : vector<16xf32>
      %mul3A_519 = arith.constant 5.000000e-01 : f32
      %mul3A_520 = vector.broadcast %mul3A_519 : f32 to vector<16xf32>
      %mul3A_521 = arith.mulf %mul3A_520, %add3A_518 : vector<16xf32>
      %mul3A_522 = arith.mulf %mul3A_521, %mul3A_448 : vector<16xf32>
      %add3A_523 = arith.addf %select_n3A_515, %select_n3A_515 : vector<16xf32>
      %and3A_524 = arith.andi %add3A_392, %broadcast_in_dim3A_10 : vector<16xi32>
      %mul3A_525 = arith.mulf %select_n3A_507, %mul3A_522 : vector<16xf32>
      %mul3A_526 = arith.mulf %add3A_523, %mul3A_525 : vector<16xf32>
      tpu.vector_store_idx %arg13[%and3A_524, %broadcast_in_dim3A_6], %mul3A_525 masked %lt3A_394 : memref<512x8xf32, #tpu.memory_space<vmem>>[vector<16xi32>, vector<16xi32>], vector<16xf32>, vector<16xi1>
      %broadcast_in_dim3A_527 = arith.constant 1 : i32
      %broadcast_in_dim3A_528 = vector.broadcast %broadcast_in_dim3A_527 : i32 to vector<16xi32>
      tpu.vector_store_idx %arg13[%and3A_524, %broadcast_in_dim3A_528], %mul3A_526 masked %lt3A_394 : memref<512x8xf32, #tpu.memory_space<vmem>>[vector<16xi32>, vector<16xi32>], vector<16xf32>, vector<16xi1>
      %mul3A_529 = arith.mulf %add3A_523, %mul3A_526 : vector<16xf32>
      %sub3A_530 = arith.subf %mul3A_529, %mul3A_525 : vector<16xf32>
      %broadcast_in_dim3A_531 = arith.constant 2 : i32
      %broadcast_in_dim3A_532 = vector.broadcast %broadcast_in_dim3A_531 : i32 to vector<16xi32>
      tpu.vector_store_idx %arg13[%and3A_524, %broadcast_in_dim3A_532], %sub3A_530 masked %lt3A_394 : memref<512x8xf32, #tpu.memory_space<vmem>>[vector<16xi32>, vector<16xi32>], vector<16xf32>, vector<16xi1>
      %mul3A_533 = arith.mulf %add3A_523, %sub3A_530 : vector<16xf32>
      %sub3A_534 = arith.subf %mul3A_533, %mul3A_526 : vector<16xf32>
      %broadcast_in_dim3A_535 = arith.constant 3 : i32
      %broadcast_in_dim3A_536 = vector.broadcast %broadcast_in_dim3A_535 : i32 to vector<16xi32>
      tpu.vector_store_idx %arg13[%and3A_524, %broadcast_in_dim3A_536], %sub3A_534 masked %lt3A_394 : memref<512x8xf32, #tpu.memory_space<vmem>>[vector<16xi32>, vector<16xi32>], vector<16xf32>, vector<16xi1>
      %mul3A_537 = arith.mulf %add3A_523, %sub3A_534 : vector<16xf32>
      %sub3A_538 = arith.subf %mul3A_537, %sub3A_530 : vector<16xf32>
      %broadcast_in_dim3A_539 = arith.constant 4 : i32
      %broadcast_in_dim3A_540 = vector.broadcast %broadcast_in_dim3A_539 : i32 to vector<16xi32>
      tpu.vector_store_idx %arg13[%and3A_524, %broadcast_in_dim3A_540], %sub3A_538 masked %lt3A_394 : memref<512x8xf32, #tpu.memory_space<vmem>>[vector<16xi32>, vector<16xi32>], vector<16xf32>, vector<16xi1>
      %mul3A_541 = arith.mulf %add3A_523, %sub3A_538 : vector<16xf32>
      %sub3A_542 = arith.subf %mul3A_541, %sub3A_534 : vector<16xf32>
      %broadcast_in_dim3A_543 = arith.constant 5 : i32
      %broadcast_in_dim3A_544 = vector.broadcast %broadcast_in_dim3A_543 : i32 to vector<16xi32>
      tpu.vector_store_idx %arg13[%and3A_524, %broadcast_in_dim3A_544], %sub3A_542 masked %lt3A_394 : memref<512x8xf32, #tpu.memory_space<vmem>>[vector<16xi32>, vector<16xi32>], vector<16xf32>, vector<16xi1>
      %mul3A_545 = arith.mulf %add3A_523, %sub3A_542 : vector<16xf32>
      %sub3A_546 = arith.subf %mul3A_545, %sub3A_538 : vector<16xf32>
      %broadcast_in_dim3A_547 = arith.constant 6 : i32
      %broadcast_in_dim3A_548 = vector.broadcast %broadcast_in_dim3A_547 : i32 to vector<16xi32>
      tpu.vector_store_idx %arg13[%and3A_524, %broadcast_in_dim3A_548], %sub3A_546 masked %lt3A_394 : memref<512x8xf32, #tpu.memory_space<vmem>>[vector<16xi32>, vector<16xi32>], vector<16xf32>, vector<16xi1>
      %mul3A_549 = arith.mulf %add3A_523, %sub3A_546 : vector<16xf32>
      %sub3A_550 = arith.subf %mul3A_549, %sub3A_542 : vector<16xf32>
      %broadcast_in_dim3A_551 = arith.constant 7 : i32
      %broadcast_in_dim3A_552 = vector.broadcast %broadcast_in_dim3A_551 : i32 to vector<16xi32>
      tpu.vector_store_idx %arg13[%and3A_524, %broadcast_in_dim3A_552], %sub3A_550 masked %lt3A_394 : memref<512x8xf32, #tpu.memory_space<vmem>>[vector<16xi32>, vector<16xi32>], vector<16xf32>, vector<16xi1>
      %shift_right_logical3A_553 = arith.constant 7 : i32
      %shift_right_logical3A_554 = vector.broadcast %shift_right_logical3A_553 : i32 to vector<16xi32>
      %shift_right_logical3A_555 = arith.shrui %and3A_524, %shift_right_logical3A_554 : vector<16xi32>
      %and3A_556 = arith.andi %and3A_524, %broadcast_in_dim3A_12 : vector<16xi32>
      tpu.vector_store_idx %arg14[%shift_right_logical3A_555, %and3A_556], %get3A_405 masked %lt3A_394 : memref<4x128xi32, #tpu.memory_space<vmem>>[vector<16xi32>, vector<16xi32>], vector<16xi32>, vector<16xi1>
      %mul3A_557 = arith.constant 64 : i32
      %mul3A_558 = arith.muli %while3A_46, %mul3A_557 : i32
      %add3A_559 = arith.constant 48 : i32
      %add3A_560 = arith.addi %mul3A_558, %add3A_559 : i32
      %add3A_561 = vector.broadcast %add3A_560 : i32 to vector<16xi32>
      %add3A_562 = arith.addi %add3A_561, %iota3A : vector<16xi32>
      %lt3A_563 = vector.broadcast %scan3A_18 : i32 to vector<16xi32>
      %lt3A_564 = arith.cmpi slt, %add3A_562, %lt3A_563 : vector<16xi32>
      %get3A_565 = arith.index_cast %add3A_560 : i32 to index
      %get3A_566 = tpu.vector_load %arg9[%get3A_565] {strides = array<i32>} : memref<10000xi32, #tpu.memory_space<vmem>>, vector<16xi32>,
      %bitcast3A_567 = vector.bitcast %get3A_566 : vector<16xi32> to vector<16xf32>
      %get3A_568 = arith.index_cast %add3A_560 : i32 to index
      %get3A_569 = tpu.vector_load %arg10[%get3A_568] {strides = array<i32>} : memref<10000xi32, #tpu.memory_space<vmem>>, vector<16xi32>,
      %bitcast3A_570 = vector.bitcast %get3A_569 : vector<16xi32> to vector<16xf32>
      %get3A_571 = arith.index_cast %add3A_560 : i32 to index
      %get3A_572 = tpu.vector_load %arg11[%get3A_571] {strides = array<i32>} : memref<10000xi32, #tpu.memory_space<vmem>>, vector<16xi32>,
      %bitcast3A_573 = vector.bitcast %get3A_572 : vector<16xi32> to vector<16xf32>
      %get3A_574 = arith.index_cast %add3A_560 : i32 to index
      %get3A_575 = tpu.vector_load %arg12[%get3A_574] {strides = array<i32>} : memref<10000xi32, #tpu.memory_space<vmem>>, vector<16xi32>,
      %mul3A_576 = arith.mulf %bitcast3A_567, %bitcast3A_567 : vector<16xf32>
      %mul3A_577 = arith.mulf %bitcast3A_570, %bitcast3A_570 : vector<16xf32>
      %add3A_578 = arith.addf %mul3A_576, %mul3A_577 : vector<16xf32>
      %mul3A_579 = arith.mulf %bitcast3A_573, %bitcast3A_573 : vector<16xf32>
      %add3A_580 = arith.addf %add3A_578, %mul3A_579 : vector<16xf32>
      %add3A_581 = arith.constant 9.99999996E-13 : f32
      %add3A_582 = vector.broadcast %add3A_581 : f32 to vector<16xf32>
      %add3A_583 = arith.addf %add3A_580, %add3A_582 : vector<16xf32>
      %bitcast3A_584 = vector.bitcast %add3A_583 : vector<16xf32> to vector<16xi32>
      %shift_right_arithmetic3A_585 = arith.constant 1 : i32
      %shift_right_arithmetic3A_586 = vector.broadcast %shift_right_arithmetic3A_585 : i32 to vector<16xi32>
      %shift_right_arithmetic3A_587 = arith.shrsi %bitcast3A_584, %shift_right_arithmetic3A_586 : vector<16xi32>
      %sub3A_588 = arith.constant 1597463007 : i32
      %sub3A_589 = vector.broadcast %sub3A_588 : i32 to vector<16xi32>
      %sub3A_590 = arith.subi %sub3A_589, %shift_right_arithmetic3A_587 : vector<16xi32>
      %bitcast3A_591 = vector.bitcast %sub3A_590 : vector<16xi32> to vector<16xf32>
      %mul3A_592 = arith.constant 5.000000e-01 : f32
      %mul3A_593 = vector.broadcast %mul3A_592 : f32 to vector<16xf32>
      %mul3A_594 = arith.mulf %mul3A_593, %add3A_583 : vector<16xf32>
      %mul3A_595 = arith.mulf %mul3A_594, %bitcast3A_591 : vector<16xf32>
      %mul3A_596 = arith.mulf %mul3A_595, %bitcast3A_591 : vector<16xf32>
      %sub3A_597 = arith.constant 1.500000e+00 : f32
      %sub3A_598 = vector.broadcast %sub3A_597 : f32 to vector<16xf32>
      %sub3A_599 = arith.subf %sub3A_598, %mul3A_596 : vector<16xf32>
      %mul3A_600 = arith.mulf %bitcast3A_591, %sub3A_599 : vector<16xf32>
      %mul3A_601 = arith.constant 5.000000e-01 : f32
      %mul3A_602 = vector.broadcast %mul3A_601 : f32 to vector<16xf32>
      %mul3A_603 = arith.mulf %mul3A_602, %add3A_583 : vector<16xf32>
      %mul3A_604 = arith.mulf %mul3A_603, %mul3A_600 : vector<16xf32>
      %mul3A_605 = arith.mulf %mul3A_604, %mul3A_600 : vector<16xf32>
      %sub3A_606 = arith.constant 1.500000e+00 : f32
      %sub3A_607 = vector.broadcast %sub3A_606 : f32 to vector<16xf32>
      %sub3A_608 = arith.subf %sub3A_607, %mul3A_605 : vector<16xf32>
      %mul3A_609 = arith.mulf %mul3A_600, %sub3A_608 : vector<16xf32>
      %mul3A_610 = arith.constant 5.000000e-01 : f32
      %mul3A_611 = vector.broadcast %mul3A_610 : f32 to vector<16xf32>
      %mul3A_612 = arith.mulf %mul3A_611, %add3A_583 : vector<16xf32>
      %mul3A_613 = arith.mulf %mul3A_612, %mul3A_609 : vector<16xf32>
      %mul3A_614 = arith.mulf %mul3A_613, %mul3A_609 : vector<16xf32>
      %sub3A_615 = arith.constant 1.500000e+00 : f32
      %sub3A_616 = vector.broadcast %sub3A_615 : f32 to vector<16xf32>
      %sub3A_617 = arith.subf %sub3A_616, %mul3A_614 : vector<16xf32>
      %mul3A_618 = arith.mulf %mul3A_609, %sub3A_617 : vector<16xf32>
      %mul3A_619 = arith.mulf %add3A_583, %mul3A_618 : vector<16xf32>
      %min3A_620 = vector.broadcast %while3A : f32 to vector<16xf32>
      %min3A_621 = arith.minimumf %mul3A_619, %min3A_620 : vector<16xf32>
      %mul3A_622 = vector.broadcast %while3A_23 : f32 to vector<16xf32>
      %mul3A_623 = arith.mulf %min3A_621, %mul3A_622 : vector<16xf32>
      %mul3A_624 = vector.broadcast %while3A_24 : f32 to vector<16xf32>
      %mul3A_625 = arith.mulf %mul3A_623, %mul3A_624 : vector<16xf32>
      %add3A_626 = arith.constant 5.000000e-01 : f32
      %add3A_627 = vector.broadcast %add3A_626 : f32 to vector<16xf32>
      %add3A_628 = arith.addf %mul3A_625, %add3A_627 : vector<16xf32>
      %convert_element_type3A_629 = arith.fptosi %add3A_628 : vector<16xf32> to vector<16xi32>
      %convert_element_type3A_630 = arith.sitofp %convert_element_type3A_629 : vector<16xi32> to vector<16xf32>
      %mul3A_631 = vector.broadcast %while3A_25 : f32 to vector<16xf32>
      %mul3A_632 = arith.mulf %convert_element_type3A_630, %mul3A_631 : vector<16xf32>
      %sub3A_633 = arith.subf %mul3A_623, %mul3A_632 : vector<16xf32>
      %mul3A_634 = arith.mulf %sub3A_633, %sub3A_633 : vector<16xf32>
      %mul3A_635 = arith.mulf %sub3A_633, %mul3A_634 : vector<16xf32>
      %mul3A_636 = arith.constant -1.95152956E-4 : f32
      %mul3A_637 = vector.broadcast %mul3A_636 : f32 to vector<16xf32>
      %mul3A_638 = arith.mulf %mul3A_634, %mul3A_637 : vector<16xf32>
      %add3A_639 = arith.constant 0.00833216123 : f32
      %add3A_640 = vector.broadcast %add3A_639 : f32 to vector<16xf32>
      %add3A_641 = arith.addf %add3A_640, %mul3A_638 : vector<16xf32>
      %mul3A_642 = arith.mulf %mul3A_634, %add3A_641 : vector<16xf32>
      %add3A_643 = arith.constant -0.166666552 : f32
      %add3A_644 = vector.broadcast %add3A_643 : f32 to vector<16xf32>
      %add3A_645 = arith.addf %add3A_644, %mul3A_642 : vector<16xf32>
      %mul3A_646 = arith.mulf %mul3A_635, %add3A_645 : vector<16xf32>
      %add3A_647 = arith.addf %sub3A_633, %mul3A_646 : vector<16xf32>
      %mul3A_648 = arith.constant 5.000000e-01 : f32
      %mul3A_649 = vector.broadcast %mul3A_648 : f32 to vector<16xf32>
      %mul3A_650 = arith.mulf %mul3A_649, %mul3A_634 : vector<16xf32>
      %sub3A_651 = arith.constant 1.000000e+00 : f32
      %sub3A_652 = vector.broadcast %sub3A_651 : f32 to vector<16xf32>
      %sub3A_653 = arith.subf %sub3A_652, %mul3A_650 : vector<16xf32>
      %mul3A_654 = arith.mulf %mul3A_634, %mul3A_634 : vector<16xf32>
      %mul3A_655 = arith.constant 2.44331568E-5 : f32
      %mul3A_656 = vector.broadcast %mul3A_655 : f32 to vector<16xf32>
      %mul3A_657 = arith.mulf %mul3A_634, %mul3A_656 : vector<16xf32>
      %add3A_658 = arith.constant -0.00138873165 : f32
      %add3A_659 = vector.broadcast %add3A_658 : f32 to vector<16xf32>
      %add3A_660 = arith.addf %add3A_659, %mul3A_657 : vector<16xf32>
      %mul3A_661 = arith.mulf %mul3A_634, %add3A_660 : vector<16xf32>
      %add3A_662 = arith.constant 0.0416666456 : f32
      %add3A_663 = vector.broadcast %add3A_662 : f32 to vector<16xf32>
      %add3A_664 = arith.addf %add3A_663, %mul3A_661 : vector<16xf32>
      %mul3A_665 = arith.mulf %mul3A_654, %add3A_664 : vector<16xf32>
      %add3A_666 = arith.addf %sub3A_653, %mul3A_665 : vector<16xf32>
      %eq3A_667 = arith.constant 1 : i32
      %eq3A_668 = vector.broadcast %eq3A_667 : i32 to vector<16xi32>
      %eq3A_669 = arith.cmpi eq, %convert_element_type3A_629, %eq3A_668 : vector<16xi32>
      %eq3A_670 = arith.constant 0 : i32
      %eq3A_671 = vector.broadcast %eq3A_670 : i32 to vector<16xi32>
      %eq3A_672 = arith.cmpi eq, %convert_element_type3A_629, %eq3A_671 : vector<16xi32>
      %neg3A_673 = arith.constant 0.000000e+00 : f32
      %neg3A_674 = vector.broadcast %neg3A_673 : f32 to vector<16xf32>
      %neg3A_675 = arith.subf %neg3A_674, %add3A_647 : vector<16xf32>
      %select_n3A_676 = arith.select %eq3A_669, %add3A_666, %neg3A_675 : vector<16xi1>, vector<16xf32>
      %select_n3A_677 = arith.select %eq3A_672, %add3A_647, %select_n3A_676 : vector<16xi1>, vector<16xf32>
      %neg3A_678 = arith.constant 0.000000e+00 : f32
      %neg3A_679 = vector.broadcast %neg3A_678 : f32 to vector<16xf32>
      %neg3A_680 = arith.subf %neg3A_679, %add3A_647 : vector<16xf32>
      %neg3A_681 = arith.constant 0.000000e+00 : f32
      %neg3A_682 = vector.broadcast %neg3A_681 : f32 to vector<16xf32>
      %neg3A_683 = arith.subf %neg3A_682, %add3A_666 : vector<16xf32>
      %select_n3A_684 = arith.select %eq3A_669, %neg3A_680, %neg3A_683 : vector<16xi1>, vector<16xf32>
      %select_n3A_685 = arith.select %eq3A_672, %add3A_666, %select_n3A_684 : vector<16xi1>, vector<16xf32>
      %add3A_686 = arith.constant 1.000000e+00 : f32
      %add3A_687 = vector.broadcast %add3A_686 : f32 to vector<16xf32>
      %add3A_688 = arith.addf %select_n3A_685, %add3A_687 : vector<16xf32>
      %mul3A_689 = arith.constant 5.000000e-01 : f32
      %mul3A_690 = vector.broadcast %mul3A_689 : f32 to vector<16xf32>
      %mul3A_691 = arith.mulf %mul3A_690, %add3A_688 : vector<16xf32>
      %mul3A_692 = arith.mulf %mul3A_691, %mul3A_618 : vector<16xf32>
      %add3A_693 = arith.addf %select_n3A_685, %select_n3A_685 : vector<16xf32>
      %and3A_694 = arith.andi %add3A_562, %broadcast_in_dim3A_10 : vector<16xi32>
      %mul3A_695 = arith.mulf %select_n3A_677, %mul3A_692 : vector<16xf32>
      %mul3A_696 = arith.mulf %add3A_693, %mul3A_695 : vector<16xf32>
      tpu.vector_store_idx %arg13[%and3A_694, %broadcast_in_dim3A_6], %mul3A_695 masked %lt3A_564 : memref<512x8xf32, #tpu.memory_space<vmem>>[vector<16xi32>, vector<16xi32>], vector<16xf32>, vector<16xi1>
      %broadcast_in_dim3A_697 = arith.constant 1 : i32
      %broadcast_in_dim3A_698 = vector.broadcast %broadcast_in_dim3A_697 : i32 to vector<16xi32>
      tpu.vector_store_idx %arg13[%and3A_694, %broadcast_in_dim3A_698], %mul3A_696 masked %lt3A_564 : memref<512x8xf32, #tpu.memory_space<vmem>>[vector<16xi32>, vector<16xi32>], vector<16xf32>, vector<16xi1>
      %mul3A_699 = arith.mulf %add3A_693, %mul3A_696 : vector<16xf32>
      %sub3A_700 = arith.subf %mul3A_699, %mul3A_695 : vector<16xf32>
      %broadcast_in_dim3A_701 = arith.constant 2 : i32
      %broadcast_in_dim3A_702 = vector.broadcast %broadcast_in_dim3A_701 : i32 to vector<16xi32>
      tpu.vector_store_idx %arg13[%and3A_694, %broadcast_in_dim3A_702], %sub3A_700 masked %lt3A_564 : memref<512x8xf32, #tpu.memory_space<vmem>>[vector<16xi32>, vector<16xi32>], vector<16xf32>, vector<16xi1>
      %mul3A_703 = arith.mulf %add3A_693, %sub3A_700 : vector<16xf32>
      %sub3A_704 = arith.subf %mul3A_703, %mul3A_696 : vector<16xf32>
      %broadcast_in_dim3A_705 = arith.constant 3 : i32
      %broadcast_in_dim3A_706 = vector.broadcast %broadcast_in_dim3A_705 : i32 to vector<16xi32>
      tpu.vector_store_idx %arg13[%and3A_694, %broadcast_in_dim3A_706], %sub3A_704 masked %lt3A_564 : memref<512x8xf32, #tpu.memory_space<vmem>>[vector<16xi32>, vector<16xi32>], vector<16xf32>, vector<16xi1>
      %mul3A_707 = arith.mulf %add3A_693, %sub3A_704 : vector<16xf32>
      %sub3A_708 = arith.subf %mul3A_707, %sub3A_700 : vector<16xf32>
      %broadcast_in_dim3A_709 = arith.constant 4 : i32
      %broadcast_in_dim3A_710 = vector.broadcast %broadcast_in_dim3A_709 : i32 to vector<16xi32>
      tpu.vector_store_idx %arg13[%and3A_694, %broadcast_in_dim3A_710], %sub3A_708 masked %lt3A_564 : memref<512x8xf32, #tpu.memory_space<vmem>>[vector<16xi32>, vector<16xi32>], vector<16xf32>, vector<16xi1>
      %mul3A_711 = arith.mulf %add3A_693, %sub3A_708 : vector<16xf32>
      %sub3A_712 = arith.subf %mul3A_711, %sub3A_704 : vector<16xf32>
      %broadcast_in_dim3A_713 = arith.constant 5 : i32
      %broadcast_in_dim3A_714 = vector.broadcast %broadcast_in_dim3A_713 : i32 to vector<16xi32>
      tpu.vector_store_idx %arg13[%and3A_694, %broadcast_in_dim3A_714], %sub3A_712 masked %lt3A_564 : memref<512x8xf32, #tpu.memory_space<vmem>>[vector<16xi32>, vector<16xi32>], vector<16xf32>, vector<16xi1>
      %mul3A_715 = arith.mulf %add3A_693, %sub3A_712 : vector<16xf32>
      %sub3A_716 = arith.subf %mul3A_715, %sub3A_708 : vector<16xf32>
      %broadcast_in_dim3A_717 = arith.constant 6 : i32
      %broadcast_in_dim3A_718 = vector.broadcast %broadcast_in_dim3A_717 : i32 to vector<16xi32>
      tpu.vector_store_idx %arg13[%and3A_694, %broadcast_in_dim3A_718], %sub3A_716 masked %lt3A_564 : memref<512x8xf32, #tpu.memory_space<vmem>>[vector<16xi32>, vector<16xi32>], vector<16xf32>, vector<16xi1>
      %mul3A_719 = arith.mulf %add3A_693, %sub3A_716 : vector<16xf32>
      %sub3A_720 = arith.subf %mul3A_719, %sub3A_712 : vector<16xf32>
      %broadcast_in_dim3A_721 = arith.constant 7 : i32
      %broadcast_in_dim3A_722 = vector.broadcast %broadcast_in_dim3A_721 : i32 to vector<16xi32>
      tpu.vector_store_idx %arg13[%and3A_694, %broadcast_in_dim3A_722], %sub3A_720 masked %lt3A_564 : memref<512x8xf32, #tpu.memory_space<vmem>>[vector<16xi32>, vector<16xi32>], vector<16xf32>, vector<16xi1>
      %shift_right_logical3A_723 = arith.constant 7 : i32
      %shift_right_logical3A_724 = vector.broadcast %shift_right_logical3A_723 : i32 to vector<16xi32>
      %shift_right_logical3A_725 = arith.shrui %and3A_694, %shift_right_logical3A_724 : vector<16xi32>
      %and3A_726 = arith.andi %and3A_694, %broadcast_in_dim3A_12 : vector<16xi32>
      tpu.vector_store_idx %arg14[%shift_right_logical3A_725, %and3A_726], %get3A_575 masked %lt3A_564 : memref<4x128xi32, #tpu.memory_space<vmem>>[vector<16xi32>, vector<16xi32>], vector<16xi32>, vector<16xi1>
      %shift_right_logical3A_727 = arith.constant 7 : i32
      %shift_right_logical3A_728 = arith.shrui %min3A_54, %shift_right_logical3A_727 : i32
      %shift_right_logical3A_729 = arith.constant 7 : i32
      %shift_right_logical3A_730 = arith.shrui %min3A, %shift_right_logical3A_729 : i32
      %gt3A = arith.cmpi sgt, %shift_right_logical3A_728, %shift_right_logical3A_730 : i32
      %convert_element_type3A_731 = arith.extui %gt3A : i1 to i32
      %cond3A_732 = arith.constant 0 : i32
      %cond3A_733 = arith.cmpi ne, %convert_element_type3A_731, %cond3A_732 : i32
      scf.if %cond3A_733 {
        %shift_right_logical3A_735 = arith.constant 7 : i32
        %shift_right_logical3A_736 = arith.shrui %min3A, %shift_right_logical3A_735 : i32
        %and3A_737 = arith.constant 3 : i32
        %and3A_738 = arith.andi %shift_right_logical3A_736, %and3A_737 : i32
        %mul3A_739 = arith.constant 128 : i32
        %mul3A_740 = arith.muli %and3A_738, %mul3A_739 : i32
        "tpu.region"() ({
          %run_scoped3A_741 = tpu.sem_alloc : memref<!tpu.dma_semaphore, #tpu.memory_space<semaphore_mem>>
          %dma_start3A = arith.constant 0 : i32
          %dma_start3A_742 = tpu.memref_slice %arg13[%mul3A_740, %dma_start3A] : memref<512x8xf32, #tpu.memory_space<vmem>> -> memref<128x8xf32, #tpu.memory_space<vmem>>
          %dma_start3A_743 = arith.constant 0 : i32
          %dma_start3A_744 = tpu.memref_slice %arg14[%and3A_738, %dma_start3A_743] : memref<4x128xi32, #tpu.memory_space<vmem>> -> memref<1x128xi32, #tpu.memory_space<vmem>>
          %dma_start3A_745 = tpu.memref_squeeze %dma_start3A_744 : memref<1x128xi32, #tpu.memory_space<vmem>> -> memref<128xi32, #tpu.memory_space<vmem>>
          %dma_start3A_746 = arith.constant 0 : i32
          %dma_start3A_747 = arith.constant 0 : i32
          %dma_start3A_748 = tpu.memref_slice %arg15[%dma_start3A_746, %dma_start3A_747] : memref<40960x8xf32, #tpu.memory_space<vmem_shared>> -> memref<40960x8xf32, #tpu.memory_space<vmem_shared>>
          tpu.enqueue_indirect_dma source(%dma_start3A_742 : memref<128x8xf32, #tpu.memory_space<vmem>>) target(%dma_start3A_748 : memref<40960x8xf32, #tpu.memory_space<vmem_shared>>) offsets(%dma_start3A_745 : memref<128xi32, #tpu.memory_space<vmem>>) semaphore(%run_scoped3A_741 : memref<!tpu.dma_semaphore, #tpu.memory_space<semaphore_mem>>) {add = true}
          %dma_wait3A = arith.constant 0 : i32
          %dma_wait3A_749 = tpu.memref_slice %arg13[%mul3A_740, %dma_wait3A] : memref<512x8xf32, #tpu.memory_space<vmem>> -> memref<128x8xf32, #tpu.memory_space<vmem>>
          %dma_wait3A_750 = arith.constant 0 : i32
          %dma_wait3A_751 = tpu.memref_slice %arg14[%and3A_738, %dma_wait3A_750] : memref<4x128xi32, #tpu.memory_space<vmem>> -> memref<1x128xi32, #tpu.memory_space<vmem>>
          %dma_wait3A_752 = tpu.memref_squeeze %dma_wait3A_751 : memref<1x128xi32, #tpu.memory_space<vmem>> -> memref<128xi32, #tpu.memory_space<vmem>>
          %dma_wait3A_753 = arith.constant 0 : i32
          %dma_wait3A_754 = arith.constant 0 : i32
          %dma_wait3A_755 = tpu.memref_slice %arg15[%dma_wait3A_753, %dma_wait3A_754] : memref<40960x8xf32, #tpu.memory_space<vmem_shared>> -> memref<40960x8xf32, #tpu.memory_space<vmem_shared>>
          tpu.wait_indirect_dma semaphore(%run_scoped3A_741 : memref<!tpu.dma_semaphore, #tpu.memory_space<semaphore_mem>>) src(%dma_wait3A_749 : memref<128x8xf32, #tpu.memory_space<vmem>>) dst(%dma_wait3A_755 : memref<40960x8xf32, #tpu.memory_space<vmem_shared>>)
          tpu.yield
        }) : () -> ()
      } else {
      }
      %while3A_734 = arith.constant 0 : i32
      scf.yield %while3A_734 : i32
    }
    %and3A = arith.constant 127 : i32
    %and3A_38 = arith.andi %scan3A_18, %and3A : i32
    %ne3A = arith.constant 0 : i32
    %ne3A_39 = arith.cmpi ne, %and3A_38, %ne3A : i32
    %convert_element_type3A = arith.extui %ne3A_39 : i1 to i32
    %cond3A = arith.constant 0 : i32
    %cond3A_40 = arith.cmpi ne, %convert_element_type3A, %cond3A : i32
    scf.if %cond3A_40 {
      %add3A_46 = arith.constant 127 : i32
      %add3A_47 = arith.addi %scan3A_18, %add3A_46 : i32
      %and3A_48 = arith.constant -128 : i32
      %and3A_49 = arith.andi %add3A_47, %and3A_48 : i32
      %add3A_50 = vector.broadcast %scan3A_18 : i32 to vector<16xi32>
      %add3A_51 = arith.addi %add3A_50, %iota3A : vector<16xi32>
      %add3A_52 = arith.constant 0 : i32
      %add3A_53 = vector.broadcast %add3A_52 : i32 to vector<16xi32>
      %add3A_54 = arith.addi %add3A_51, %add3A_53 : vector<16xi32>
      %and3A_55 = arith.andi %add3A_54, %broadcast_in_dim3A_10 : vector<16xi32>
      %shift_right_logical3A_56 = arith.constant 7 : i32
      %shift_right_logical3A_57 = vector.broadcast %shift_right_logical3A_56 : i32 to vector<16xi32>
      %shift_right_logical3A_58 = arith.shrui %and3A_55, %shift_right_logical3A_57 : vector<16xi32>
      %and3A_59 = arith.andi %and3A_55, %broadcast_in_dim3A_12 : vector<16xi32>
      %lt3A = vector.broadcast %and3A_49 : i32 to vector<16xi32>
      %lt3A_60 = arith.cmpi slt, %add3A_54, %lt3A : vector<16xi32>
      tpu.vector_store_idx %arg14[%shift_right_logical3A_58, %and3A_59], %broadcast_in_dim3A_8 masked %lt3A_60 : memref<4x128xi32, #tpu.memory_space<vmem>>[vector<16xi32>, vector<16xi32>], vector<16xi32>, vector<16xi1>
      %add3A_61 = vector.broadcast %scan3A_18 : i32 to vector<16xi32>
      %add3A_62 = arith.addi %add3A_61, %iota3A : vector<16xi32>
      %add3A_63 = arith.constant 16 : i32
      %add3A_64 = vector.broadcast %add3A_63 : i32 to vector<16xi32>
      %add3A_65 = arith.addi %add3A_62, %add3A_64 : vector<16xi32>
      %and3A_66 = arith.andi %add3A_65, %broadcast_in_dim3A_10 : vector<16xi32>
      %shift_right_logical3A_67 = arith.constant 7 : i32
      %shift_right_logical3A_68 = vector.broadcast %shift_right_logical3A_67 : i32 to vector<16xi32>
      %shift_right_logical3A_69 = arith.shrui %and3A_66, %shift_right_logical3A_68 : vector<16xi32>
      %and3A_70 = arith.andi %and3A_66, %broadcast_in_dim3A_12 : vector<16xi32>
      %lt3A_71 = vector.broadcast %and3A_49 : i32 to vector<16xi32>
      %lt3A_72 = arith.cmpi slt, %add3A_65, %lt3A_71 : vector<16xi32>
      tpu.vector_store_idx %arg14[%shift_right_logical3A_69, %and3A_70], %broadcast_in_dim3A_8 masked %lt3A_72 : memref<4x128xi32, #tpu.memory_space<vmem>>[vector<16xi32>, vector<16xi32>], vector<16xi32>, vector<16xi1>
      %add3A_73 = vector.broadcast %scan3A_18 : i32 to vector<16xi32>
      %add3A_74 = arith.addi %add3A_73, %iota3A : vector<16xi32>
      %add3A_75 = arith.constant 32 : i32
      %add3A_76 = vector.broadcast %add3A_75 : i32 to vector<16xi32>
      %add3A_77 = arith.addi %add3A_74, %add3A_76 : vector<16xi32>
      %and3A_78 = arith.andi %add3A_77, %broadcast_in_dim3A_10 : vector<16xi32>
      %shift_right_logical3A_79 = arith.constant 7 : i32
      %shift_right_logical3A_80 = vector.broadcast %shift_right_logical3A_79 : i32 to vector<16xi32>
      %shift_right_logical3A_81 = arith.shrui %and3A_78, %shift_right_logical3A_80 : vector<16xi32>
      %and3A_82 = arith.andi %and3A_78, %broadcast_in_dim3A_12 : vector<16xi32>
      %lt3A_83 = vector.broadcast %and3A_49 : i32 to vector<16xi32>
      %lt3A_84 = arith.cmpi slt, %add3A_77, %lt3A_83 : vector<16xi32>
      tpu.vector_store_idx %arg14[%shift_right_logical3A_81, %and3A_82], %broadcast_in_dim3A_8 masked %lt3A_84 : memref<4x128xi32, #tpu.memory_space<vmem>>[vector<16xi32>, vector<16xi32>], vector<16xi32>, vector<16xi1>
      %add3A_85 = vector.broadcast %scan3A_18 : i32 to vector<16xi32>
      %add3A_86 = arith.addi %add3A_85, %iota3A : vector<16xi32>
      %add3A_87 = arith.constant 48 : i32
      %add3A_88 = vector.broadcast %add3A_87 : i32 to vector<16xi32>
      %add3A_89 = arith.addi %add3A_86, %add3A_88 : vector<16xi32>
      %and3A_90 = arith.andi %add3A_89, %broadcast_in_dim3A_10 : vector<16xi32>
      %shift_right_logical3A_91 = arith.constant 7 : i32
      %shift_right_logical3A_92 = vector.broadcast %shift_right_logical3A_91 : i32 to vector<16xi32>
      %shift_right_logical3A_93 = arith.shrui %and3A_90, %shift_right_logical3A_92 : vector<16xi32>
      %and3A_94 = arith.andi %and3A_90, %broadcast_in_dim3A_12 : vector<16xi32>
      %lt3A_95 = vector.broadcast %and3A_49 : i32 to vector<16xi32>
      %lt3A_96 = arith.cmpi slt, %add3A_89, %lt3A_95 : vector<16xi32>
      tpu.vector_store_idx %arg14[%shift_right_logical3A_93, %and3A_94], %broadcast_in_dim3A_8 masked %lt3A_96 : memref<4x128xi32, #tpu.memory_space<vmem>>[vector<16xi32>, vector<16xi32>], vector<16xi32>, vector<16xi1>
      %add3A_97 = vector.broadcast %scan3A_18 : i32 to vector<16xi32>
      %add3A_98 = arith.addi %add3A_97, %iota3A : vector<16xi32>
      %add3A_99 = arith.constant 64 : i32
      %add3A_100 = vector.broadcast %add3A_99 : i32 to vector<16xi32>
      %add3A_101 = arith.addi %add3A_98, %add3A_100 : vector<16xi32>
      %and3A_102 = arith.andi %add3A_101, %broadcast_in_dim3A_10 : vector<16xi32>
      %shift_right_logical3A_103 = arith.constant 7 : i32
      %shift_right_logical3A_104 = vector.broadcast %shift_right_logical3A_103 : i32 to vector<16xi32>
      %shift_right_logical3A_105 = arith.shrui %and3A_102, %shift_right_logical3A_104 : vector<16xi32>
      %and3A_106 = arith.andi %and3A_102, %broadcast_in_dim3A_12 : vector<16xi32>
      %lt3A_107 = vector.broadcast %and3A_49 : i32 to vector<16xi32>
      %lt3A_108 = arith.cmpi slt, %add3A_101, %lt3A_107 : vector<16xi32>
      tpu.vector_store_idx %arg14[%shift_right_logical3A_105, %and3A_106], %broadcast_in_dim3A_8 masked %lt3A_108 : memref<4x128xi32, #tpu.memory_space<vmem>>[vector<16xi32>, vector<16xi32>], vector<16xi32>, vector<16xi1>
      %add3A_109 = vector.broadcast %scan3A_18 : i32 to vector<16xi32>
      %add3A_110 = arith.addi %add3A_109, %iota3A : vector<16xi32>
      %add3A_111 = arith.constant 80 : i32
      %add3A_112 = vector.broadcast %add3A_111 : i32 to vector<16xi32>
      %add3A_113 = arith.addi %add3A_110, %add3A_112 : vector<16xi32>
      %and3A_114 = arith.andi %add3A_113, %broadcast_in_dim3A_10 : vector<16xi32>
      %shift_right_logical3A_115 = arith.constant 7 : i32
      %shift_right_logical3A_116 = vector.broadcast %shift_right_logical3A_115 : i32 to vector<16xi32>
      %shift_right_logical3A_117 = arith.shrui %and3A_114, %shift_right_logical3A_116 : vector<16xi32>
      %and3A_118 = arith.andi %and3A_114, %broadcast_in_dim3A_12 : vector<16xi32>
      %lt3A_119 = vector.broadcast %and3A_49 : i32 to vector<16xi32>
      %lt3A_120 = arith.cmpi slt, %add3A_113, %lt3A_119 : vector<16xi32>
      tpu.vector_store_idx %arg14[%shift_right_logical3A_117, %and3A_118], %broadcast_in_dim3A_8 masked %lt3A_120 : memref<4x128xi32, #tpu.memory_space<vmem>>[vector<16xi32>, vector<16xi32>], vector<16xi32>, vector<16xi1>
      %add3A_121 = vector.broadcast %scan3A_18 : i32 to vector<16xi32>
      %add3A_122 = arith.addi %add3A_121, %iota3A : vector<16xi32>
      %add3A_123 = arith.constant 96 : i32
      %add3A_124 = vector.broadcast %add3A_123 : i32 to vector<16xi32>
      %add3A_125 = arith.addi %add3A_122, %add3A_124 : vector<16xi32>
      %and3A_126 = arith.andi %add3A_125, %broadcast_in_dim3A_10 : vector<16xi32>
      %shift_right_logical3A_127 = arith.constant 7 : i32
      %shift_right_logical3A_128 = vector.broadcast %shift_right_logical3A_127 : i32 to vector<16xi32>
      %shift_right_logical3A_129 = arith.shrui %and3A_126, %shift_right_logical3A_128 : vector<16xi32>
      %and3A_130 = arith.andi %and3A_126, %broadcast_in_dim3A_12 : vector<16xi32>
      %lt3A_131 = vector.broadcast %and3A_49 : i32 to vector<16xi32>
      %lt3A_132 = arith.cmpi slt, %add3A_125, %lt3A_131 : vector<16xi32>
      tpu.vector_store_idx %arg14[%shift_right_logical3A_129, %and3A_130], %broadcast_in_dim3A_8 masked %lt3A_132 : memref<4x128xi32, #tpu.memory_space<vmem>>[vector<16xi32>, vector<16xi32>], vector<16xi32>, vector<16xi1>
      %add3A_133 = vector.broadcast %scan3A_18 : i32 to vector<16xi32>
      %add3A_134 = arith.addi %add3A_133, %iota3A : vector<16xi32>
      %add3A_135 = arith.constant 112 : i32
      %add3A_136 = vector.broadcast %add3A_135 : i32 to vector<16xi32>
      %add3A_137 = arith.addi %add3A_134, %add3A_136 : vector<16xi32>
      %and3A_138 = arith.andi %add3A_137, %broadcast_in_dim3A_10 : vector<16xi32>
      %shift_right_logical3A_139 = arith.constant 7 : i32
      %shift_right_logical3A_140 = vector.broadcast %shift_right_logical3A_139 : i32 to vector<16xi32>
      %shift_right_logical3A_141 = arith.shrui %and3A_138, %shift_right_logical3A_140 : vector<16xi32>
      %and3A_142 = arith.andi %and3A_138, %broadcast_in_dim3A_12 : vector<16xi32>
      %lt3A_143 = vector.broadcast %and3A_49 : i32 to vector<16xi32>
      %lt3A_144 = arith.cmpi slt, %add3A_137, %lt3A_143 : vector<16xi32>
      tpu.vector_store_idx %arg14[%shift_right_logical3A_141, %and3A_142], %broadcast_in_dim3A_8 masked %lt3A_144 : memref<4x128xi32, #tpu.memory_space<vmem>>[vector<16xi32>, vector<16xi32>], vector<16xi32>, vector<16xi1>
      %shift_right_logical3A_145 = arith.constant 7 : i32
      %shift_right_logical3A_146 = arith.shrui %scan3A_18, %shift_right_logical3A_145 : i32
      %and3A_147 = arith.constant 3 : i32
      %and3A_148 = arith.andi %shift_right_logical3A_146, %and3A_147 : i32
      %mul3A_149 = arith.constant 128 : i32
      %mul3A_150 = arith.muli %and3A_148, %mul3A_149 : i32
      "tpu.region"() ({
        %run_scoped3A_151 = tpu.sem_alloc : memref<!tpu.dma_semaphore, #tpu.memory_space<semaphore_mem>>
        %dma_start3A = arith.constant 0 : i32
        %dma_start3A_152 = tpu.memref_slice %arg13[%mul3A_150, %dma_start3A] : memref<512x8xf32, #tpu.memory_space<vmem>> -> memref<128x8xf32, #tpu.memory_space<vmem>>
        %dma_start3A_153 = arith.constant 0 : i32
        %dma_start3A_154 = tpu.memref_slice %arg14[%and3A_148, %dma_start3A_153] : memref<4x128xi32, #tpu.memory_space<vmem>> -> memref<1x128xi32, #tpu.memory_space<vmem>>
        %dma_start3A_155 = tpu.memref_squeeze %dma_start3A_154 : memref<1x128xi32, #tpu.memory_space<vmem>> -> memref<128xi32, #tpu.memory_space<vmem>>
        %dma_start3A_156 = arith.constant 0 : i32
        %dma_start3A_157 = arith.constant 0 : i32
        %dma_start3A_158 = tpu.memref_slice %arg15[%dma_start3A_156, %dma_start3A_157] : memref<40960x8xf32, #tpu.memory_space<vmem_shared>> -> memref<40960x8xf32, #tpu.memory_space<vmem_shared>>
        tpu.enqueue_indirect_dma source(%dma_start3A_152 : memref<128x8xf32, #tpu.memory_space<vmem>>) target(%dma_start3A_158 : memref<40960x8xf32, #tpu.memory_space<vmem_shared>>) offsets(%dma_start3A_155 : memref<128xi32, #tpu.memory_space<vmem>>) semaphore(%run_scoped3A_151 : memref<!tpu.dma_semaphore, #tpu.memory_space<semaphore_mem>>) {add = true}
        %dma_wait3A = arith.constant 0 : i32
        %dma_wait3A_159 = tpu.memref_slice %arg13[%mul3A_150, %dma_wait3A] : memref<512x8xf32, #tpu.memory_space<vmem>> -> memref<128x8xf32, #tpu.memory_space<vmem>>
        %dma_wait3A_160 = arith.constant 0 : i32
        %dma_wait3A_161 = tpu.memref_slice %arg14[%and3A_148, %dma_wait3A_160] : memref<4x128xi32, #tpu.memory_space<vmem>> -> memref<1x128xi32, #tpu.memory_space<vmem>>
        %dma_wait3A_162 = tpu.memref_squeeze %dma_wait3A_161 : memref<1x128xi32, #tpu.memory_space<vmem>> -> memref<128xi32, #tpu.memory_space<vmem>>
        %dma_wait3A_163 = arith.constant 0 : i32
        %dma_wait3A_164 = arith.constant 0 : i32
        %dma_wait3A_165 = tpu.memref_slice %arg15[%dma_wait3A_163, %dma_wait3A_164] : memref<40960x8xf32, #tpu.memory_space<vmem_shared>> -> memref<40960x8xf32, #tpu.memory_space<vmem_shared>>
        tpu.wait_indirect_dma semaphore(%run_scoped3A_151 : memref<!tpu.dma_semaphore, #tpu.memory_space<semaphore_mem>>) src(%dma_wait3A_159 : memref<128x8xf32, #tpu.memory_space<vmem>>) dst(%dma_wait3A_165 : memref<40960x8xf32, #tpu.memory_space<vmem_shared>>)
        tpu.yield
      }) : () -> ()
    } else {
    }
    %barrier3A_41 = arith.constant 0 : index
    tpu.barrier barrier_id(%barrier3A_41)
    %mul3A_42 = arith.constant 2560 : i32
    %mul3A_43 = arith.muli %arg1, %mul3A_42 : i32
    %mul3A_44 = arith.constant 2560 : i32
    %mul3A_45 = arith.muli %arg1, %mul3A_44 : i32
    "tpu.region"() ({
      %run_scoped3A_46 = tpu.sem_alloc : memref<!tpu.dma_semaphore, #tpu.memory_space<semaphore_mem>>
      %dma_start3A = arith.constant 0 : i32
      %dma_start3A_47 = tpu.memref_slice %arg6[%arg0, %mul3A_45, %dma_start3A] : memref<2x40960x8xf32, #tpu.memory_space<hbm>> -> memref<1x2560x8xf32, #tpu.memory_space<hbm>>
      %dma_start3A_48 = tpu.memref_squeeze %dma_start3A_47 : memref<1x2560x8xf32, #tpu.memory_space<hbm>> -> memref<2560x8xf32, #tpu.memory_space<hbm>>
      %dma_start3A_49 = arith.constant 0 : i32
      %dma_start3A_50 = tpu.memref_slice %arg15[%mul3A_43, %dma_start3A_49] : memref<40960x8xf32, #tpu.memory_space<vmem_shared>> -> memref<2560x8xf32, #tpu.memory_space<vmem_shared>>
      tpu.enqueue_dma source(%dma_start3A_50 : memref<2560x8xf32, #tpu.memory_space<vmem_shared>>) target(%dma_start3A_48 : memref<2560x8xf32, #tpu.memory_space<hbm>>) target_semaphore(%run_scoped3A_46 : memref<!tpu.dma_semaphore, #tpu.memory_space<semaphore_mem>>)
      %dma_wait3A = arith.constant 0 : i32
      %dma_wait3A_51 = tpu.memref_slice %arg6[%arg0, %mul3A_45, %dma_wait3A] : memref<2x40960x8xf32, #tpu.memory_space<hbm>> -> memref<1x2560x8xf32, #tpu.memory_space<hbm>>
      %dma_wait3A_52 = tpu.memref_squeeze %dma_wait3A_51 : memref<1x2560x8xf32, #tpu.memory_space<hbm>> -> memref<2560x8xf32, #tpu.memory_space<hbm>>
      %dma_wait3A_53 = arith.constant 0 : i32
      %dma_wait3A_54 = tpu.memref_slice %arg15[%mul3A_43, %dma_wait3A_53] : memref<40960x8xf32, #tpu.memory_space<vmem_shared>> -> memref<2560x8xf32, #tpu.memory_space<vmem_shared>>
      tpu.wait_dma2 semaphore(%run_scoped3A_46 : memref<!tpu.dma_semaphore, #tpu.memory_space<semaphore_mem>>) src(%dma_wait3A_54 : memref<2560x8xf32, #tpu.memory_space<vmem_shared>>) dst(%dma_wait3A_52 : memref<2560x8xf32, #tpu.memory_space<hbm>>)
      tpu.yield
    }) : () -> ()
    return
  }
}

module attributes {stable_mosaic.version = 14 : i64} {
  func.func @_tc_tail_kernel(%arg0: i32, %arg1: memref<2x4x1000x8xf32, #tpu.memory_space<vmem>>, %arg2: memref<1000x1xi32, #tpu.memory_space<vmem>>, %arg3: memref<1000x1xi32, #tpu.memory_space<vmem>>, %arg4: memref<4x128xf32, #tpu.memory_space<vmem>>, %arg5: memref<8x128xf32, #tpu.memory_space<vmem>>, %arg6: memref<128x128xf32, #tpu.memory_space<vmem>>, %arg7: memref<128x128xf32, #tpu.memory_space<vmem>>, %arg8: memref<1x128xf32, #tpu.memory_space<vmem>>, %arg9: memref<1x8xf32, #tpu.memory_space<vmem>>) attributes {dimension_semantics = [#tpu.dimension_semantics<arbitrary>], iteration_bounds = array<i64: 10>, scalar_prefetch = 0 : i64, scratch_operands = 0 : i64, tpu.core_type = #tpu.core_type<tc>, window_params = [{transform_indices = @transform_0, window_bounds = array<i64: 2, 4, 1000, 8>}, {transform_indices = @transform_1, window_bounds = array<i64: 1000, 1>}, {transform_indices = @transform_2, window_bounds = array<i64: 1000, 1>}, {pipeline_mode = #tpu.pipeline_mode<synchronous>, transform_indices = @transform_3, window_bounds = array<i64: 4, 128>}, {pipeline_mode = #tpu.pipeline_mode<synchronous>, transform_indices = @transform_4, window_bounds = array<i64: 8, 128>}, {pipeline_mode = #tpu.pipeline_mode<synchronous>, transform_indices = @transform_5, window_bounds = array<i64: 128, 128>}, {pipeline_mode = #tpu.pipeline_mode<synchronous>, transform_indices = @transform_6, window_bounds = array<i64: 128, 128>}, {pipeline_mode = #tpu.pipeline_mode<synchronous>, transform_indices = @transform_7, window_bounds = array<i64: 1, 128>}, {pipeline_mode = #tpu.pipeline_mode<synchronous>, transform_indices = @transform_8, window_bounds = array<i64: 1, 8>}]} {
    %eq3A = arith.constant 0 : i32
    %eq3A_0 = arith.cmpi eq, %arg0, %eq3A : i32
    %convert_element_type3A = arith.extui %eq3A_0 : i1 to i32
    %cond3A = arith.constant 0 : i32
    %cond3A_1 = arith.cmpi ne, %convert_element_type3A, %cond3A : i32
    scf.if %cond3A_1 {
      %broadcast_in_dim3A_101 = arith.constant 0.000000e+00 : f32
      %broadcast_in_dim3A_102 = vector.broadcast %broadcast_in_dim3A_101 : f32 to vector<1x8xf32>
      %swap3A_103 = arith.constant 0 : index
      %swap3A_104 = arith.constant 0 : index
      %swap3A_105 = vector.load %arg9[%swap3A_103, %swap3A_104] : memref<1x8xf32, #tpu.memory_space<vmem>>, vector<1x8xf32>
      tpu.vector_store %arg9[%swap3A_103, %swap3A_104], %broadcast_in_dim3A_102 {strides = array<i32>} : memref<1x8xf32, #tpu.memory_space<vmem>>, vector<1x8xf32>,
    } else {
    }
    %get3A = arith.constant 0 : index
    %get3A_2 = arith.constant 0 : index
    %get3A_3 = arith.constant 0 : index
    %get3A_4 = arith.constant 0 : index
    %get3A_5 = vector.load %arg1[%get3A, %get3A_2, %get3A_3, %get3A_4] : memref<2x4x1000x8xf32, #tpu.memory_space<vmem>>, vector<1x4x1000x8xf32>
    %get3A_6 = vector.shape_cast %get3A_5 : vector<1x4x1000x8xf32> to vector<4x1000x8xf32>
    %get3A_7 = arith.constant 1 : index
    %get3A_8 = arith.constant 0 : index
    %get3A_9 = arith.constant 0 : index
    %get3A_10 = arith.constant 0 : index
    %get3A_11 = vector.load %arg1[%get3A_7, %get3A_8, %get3A_9, %get3A_10] : memref<2x4x1000x8xf32, #tpu.memory_space<vmem>>, vector<1x4x1000x8xf32>
    %get3A_12 = vector.shape_cast %get3A_11 : vector<1x4x1000x8xf32> to vector<4x1000x8xf32>
    %add3A = arith.addf %get3A_6, %get3A_12 : vector<4x1000x8xf32>
    %get3A_13 = arith.constant 0 : index
    %get3A_14 = arith.constant 0 : index
    %get3A_15 = vector.load %arg4[%get3A_13, %get3A_14] : memref<4x128xf32, #tpu.memory_space<vmem>>, vector<4x128xf32>
    %get3A_16 = arith.constant 0 : index
    %get3A_17 = arith.constant 0 : index
    %get3A_18 = vector.load %arg6[%get3A_16, %get3A_17] : memref<128x128xf32, #tpu.memory_space<vmem>>, vector<128x128xf32>
    %dot_general3A = arith.constant dense<0.000000e+00> : vector<4x128xf32>
    %dot_general3A_19 = tpu.matmul %get3A_15, %get3A_18, %dot_general3A {dimension_numbers = #tpu.dot_dimension_numbers<[1], [0], [0], [1], [0, 0, 1, 1], [], []>, precision = #tpu.contract_precision<fp32>, transpose_lhs_hint = false} : vector<4x128xf32>, vector<128x128xf32>, vector<4x128xf32> -> vector<4x128xf32>
    %get3A_20 = arith.constant 0 : index
    %get3A_21 = arith.constant 0 : index
    %get3A_22 = vector.load %arg5[%get3A_20, %get3A_21] : memref<8x128xf32, #tpu.memory_space<vmem>>, vector<8x128xf32>
    %slice3A = vector.extract_strided_slice %add3A {offsets = [0, 0, 0], sizes = [1, 1000, 8], strides = [1, 1, 1]} : vector<4x1000x8xf32> to vector<1x1000x8xf32>
    %squeeze3A = vector.shape_cast %slice3A : vector<1x1000x8xf32> to vector<1000x8xf32>
    %dot_general3A_23 = arith.constant dense<0.000000e+00> : vector<1000x128xf32>
    %dot_general3A_24 = tpu.matmul %squeeze3A, %get3A_22, %dot_general3A_23 {dimension_numbers = #tpu.dot_dimension_numbers<[1], [0], [0], [1], [0, 0, 1, 1], [], []>, precision = #tpu.contract_precision<fp32>, transpose_lhs_hint = false} : vector<1000x8xf32>, vector<8x128xf32>, vector<1000x128xf32> -> vector<1000x128xf32>
    %slice3A_25 = vector.extract_strided_slice %dot_general3A_19 {offsets = [0, 0], sizes = [1, 128], strides = [1, 1]} : vector<4x128xf32> to vector<1x128xf32>
    %mul3A = vector.broadcast %slice3A_25 : vector<1x128xf32> to vector<1000x128xf32>
    %mul3A_26 = arith.mulf %dot_general3A_24, %mul3A : vector<1000x128xf32>
    %slice3A_27 = vector.extract_strided_slice %add3A {offsets = [1, 0, 0], sizes = [1, 1000, 8], strides = [1, 1, 1]} : vector<4x1000x8xf32> to vector<1x1000x8xf32>
    %squeeze3A_28 = vector.shape_cast %slice3A_27 : vector<1x1000x8xf32> to vector<1000x8xf32>
    %dot_general3A_29 = arith.constant dense<0.000000e+00> : vector<1000x128xf32>
    %dot_general3A_30 = tpu.matmul %squeeze3A_28, %get3A_22, %dot_general3A_29 {dimension_numbers = #tpu.dot_dimension_numbers<[1], [0], [0], [1], [0, 0, 1, 1], [], []>, precision = #tpu.contract_precision<fp32>, transpose_lhs_hint = false} : vector<1000x8xf32>, vector<8x128xf32>, vector<1000x128xf32> -> vector<1000x128xf32>
    %slice3A_31 = vector.extract_strided_slice %dot_general3A_19 {offsets = [1, 0], sizes = [1, 128], strides = [1, 1]} : vector<4x128xf32> to vector<1x128xf32>
    %mul3A_32 = vector.broadcast %slice3A_31 : vector<1x128xf32> to vector<1000x128xf32>
    %mul3A_33 = arith.mulf %dot_general3A_30, %mul3A_32 : vector<1000x128xf32>
    %add3A_34 = arith.addf %mul3A_26, %mul3A_33 : vector<1000x128xf32>
    %slice3A_35 = vector.extract_strided_slice %add3A {offsets = [2, 0, 0], sizes = [1, 1000, 8], strides = [1, 1, 1]} : vector<4x1000x8xf32> to vector<1x1000x8xf32>
    %squeeze3A_36 = vector.shape_cast %slice3A_35 : vector<1x1000x8xf32> to vector<1000x8xf32>
    %dot_general3A_37 = arith.constant dense<0.000000e+00> : vector<1000x128xf32>
    %dot_general3A_38 = tpu.matmul %squeeze3A_36, %get3A_22, %dot_general3A_37 {dimension_numbers = #tpu.dot_dimension_numbers<[1], [0], [0], [1], [0, 0, 1, 1], [], []>, precision = #tpu.contract_precision<fp32>, transpose_lhs_hint = false} : vector<1000x8xf32>, vector<8x128xf32>, vector<1000x128xf32> -> vector<1000x128xf32>
    %slice3A_39 = vector.extract_strided_slice %dot_general3A_19 {offsets = [2, 0], sizes = [1, 128], strides = [1, 1]} : vector<4x128xf32> to vector<1x128xf32>
    %mul3A_40 = vector.broadcast %slice3A_39 : vector<1x128xf32> to vector<1000x128xf32>
    %mul3A_41 = arith.mulf %dot_general3A_38, %mul3A_40 : vector<1000x128xf32>
    %add3A_42 = arith.addf %add3A_34, %mul3A_41 : vector<1000x128xf32>
    %slice3A_43 = vector.extract_strided_slice %add3A {offsets = [3, 0, 0], sizes = [1, 1000, 8], strides = [1, 1, 1]} : vector<4x1000x8xf32> to vector<1x1000x8xf32>
    %squeeze3A_44 = vector.shape_cast %slice3A_43 : vector<1x1000x8xf32> to vector<1000x8xf32>
    %dot_general3A_45 = arith.constant dense<0.000000e+00> : vector<1000x128xf32>
    %dot_general3A_46 = tpu.matmul %squeeze3A_44, %get3A_22, %dot_general3A_45 {dimension_numbers = #tpu.dot_dimension_numbers<[1], [0], [0], [1], [0, 0, 1, 1], [], []>, precision = #tpu.contract_precision<fp32>, transpose_lhs_hint = false} : vector<1000x8xf32>, vector<8x128xf32>, vector<1000x128xf32> -> vector<1000x128xf32>
    %slice3A_47 = vector.extract_strided_slice %dot_general3A_19 {offsets = [3, 0], sizes = [1, 128], strides = [1, 1]} : vector<4x128xf32> to vector<1x128xf32>
    %mul3A_48 = vector.broadcast %slice3A_47 : vector<1x128xf32> to vector<1000x128xf32>
    %mul3A_49 = arith.mulf %dot_general3A_46, %mul3A_48 : vector<1000x128xf32>
    %add3A_50 = arith.addf %add3A_42, %mul3A_49 : vector<1000x128xf32>
    %get3A_51 = arith.constant 0 : index
    %get3A_52 = arith.constant 0 : index
    %get3A_53 = vector.load %arg2[%get3A_51, %get3A_52] : memref<1000x1xi32, #tpu.memory_space<vmem>>, vector<1000x1xi32>
    %iota3A = tpu.iota {dimensions = array<i32: 1>} : vector<1000x4xi32>
    %eq3A_54 = vector.broadcast %get3A_53 : vector<1000x1xi32> to vector<1000x4xi32>
    %eq3A_55 = arith.cmpi eq, %eq3A_54, %iota3A : vector<1000x4xi32>
    %convert_element_type3A_56 = arith.extui %eq3A_55 : vector<1000x4xi1> to vector<1000x4xi32>
    %convert_element_type3A_57 = arith.sitofp %convert_element_type3A_56 : vector<1000x4xi32> to vector<1000x4xf32>
    %get3A_58 = arith.constant 0 : index
    %get3A_59 = arith.constant 0 : index
    %get3A_60 = vector.load %arg4[%get3A_58, %get3A_59] : memref<4x128xf32, #tpu.memory_space<vmem>>, vector<4x128xf32>
    %dot_general3A_61 = arith.constant dense<0.000000e+00> : vector<1000x128xf32>
    %dot_general3A_62 = tpu.matmul %convert_element_type3A_57, %get3A_60, %dot_general3A_61 {dimension_numbers = #tpu.dot_dimension_numbers<[1], [0], [0], [1], [0, 0, 1, 1], [], []>, precision = #tpu.contract_precision<fp32>, transpose_lhs_hint = false} : vector<1000x4xf32>, vector<4x128xf32>, vector<1000x128xf32> -> vector<1000x128xf32>
    %get3A_63 = arith.constant 0 : index
    %get3A_64 = arith.constant 0 : index
    %get3A_65 = vector.load %arg7[%get3A_63, %get3A_64] : memref<128x128xf32, #tpu.memory_space<vmem>>, vector<128x128xf32>
    %dot_general3A_66 = arith.constant dense<0.000000e+00> : vector<1000x128xf32>
    %dot_general3A_67 = tpu.matmul %add3A_50, %get3A_65, %dot_general3A_66 {dimension_numbers = #tpu.dot_dimension_numbers<[1], [0], [0], [1], [0, 0, 1, 1], [], []>, precision = #tpu.contract_precision<fp32>, transpose_lhs_hint = false} : vector<1000x128xf32>, vector<128x128xf32>, vector<1000x128xf32> -> vector<1000x128xf32>
    %neg3A = arith.constant 0.000000e+00 : f32
    %neg3A_68 = vector.broadcast %neg3A : f32 to vector<1000x128xf32>
    %neg3A_69 = arith.subf %neg3A_68, %dot_general3A_67 : vector<1000x128xf32>
    %exp3A = math.exp %neg3A_69 : vector<1000x128xf32>
    %add3A_70 = arith.constant 1.000000e+00 : f32
    %add3A_71 = vector.broadcast %add3A_70 : f32 to vector<1000x128xf32>
    %add3A_72 = arith.addf %add3A_71, %exp3A : vector<1000x128xf32>
    %div3A = arith.constant 1.000000e+00 : f32
    %div3A_73 = vector.broadcast %div3A : f32 to vector<1000x128xf32>
    %div3A_74 = arith.divf %div3A_73, %add3A_72 : vector<1000x128xf32>
    %mul3A_75 = arith.mulf %dot_general3A_67, %div3A_74 : vector<1000x128xf32>
    %add3A_76 = arith.addf %mul3A_75, %dot_general3A_62 : vector<1000x128xf32>
    %get3A_77 = arith.constant 0 : index
    %get3A_78 = arith.constant 0 : index
    %get3A_79 = vector.load %arg8[%get3A_77, %get3A_78] : memref<1x128xf32, #tpu.memory_space<vmem>>, vector<1x128xf32>
    %mul3A_80 = vector.broadcast %get3A_79 : vector<1x128xf32> to vector<1000x128xf32>
    %mul3A_81 = arith.mulf %add3A_76, %mul3A_80 : vector<1000x128xf32>
    %reduce_sum3A = arith.constant dense<0.000000e+00> : vector<1000xf32>
    %reduce_sum3A_82 = vector.multi_reduction <add>, %mul3A_81, %reduce_sum3A [1] : vector<1000x128xf32> to vector<1000xf32>
    %broadcast_in_dim3A = vector.shape_cast %reduce_sum3A_82 : vector<1000xf32> to vector<1000x1xf32>
    %get3A_83 = arith.constant 0 : index
    %get3A_84 = arith.constant 0 : index
    %get3A_85 = vector.load %arg3[%get3A_83, %get3A_84] : memref<1000x1xi32, #tpu.memory_space<vmem>>, vector<1000x1xi32>
    %iota3A_86 = tpu.iota {dimensions = array<i32: 1>} : vector<1000x8xi32>
    %eq3A_87 = vector.broadcast %get3A_85 : vector<1000x1xi32> to vector<1000x8xi32>
    %eq3A_88 = arith.cmpi eq, %eq3A_87, %iota3A_86 : vector<1000x8xi32>
    %jit3A = arith.constant 0.000000e+00 : f32
    %broadcast_in_dim3A_89 = vector.shape_cast %broadcast_in_dim3A : vector<1000x1xf32> to vector<1000x1xf32>
    %broadcast_in_dim3A_90 = vector.broadcast %broadcast_in_dim3A_89 : vector<1000x1xf32> to vector<1000x8xf32>
    %broadcast_in_dim3A_91 = vector.broadcast %jit3A : f32 to vector<1000x8xf32>
    %select_n3A = arith.select %eq3A_88, %broadcast_in_dim3A_90, %broadcast_in_dim3A_91 : vector<1000x8xi1>, vector<1000x8xf32>
    %get3A_92 = arith.constant 0 : index
    %get3A_93 = arith.constant 0 : index
    %get3A_94 = vector.load %arg9[%get3A_92, %get3A_93] : memref<1x8xf32, #tpu.memory_space<vmem>>, vector<1x8xf32>
    %reduce_sum3A_95 = arith.constant dense<0.000000e+00> : vector<8xf32>
    %reduce_sum3A_96 = vector.multi_reduction <add>, %select_n3A, %reduce_sum3A_95 [0] : vector<1000x8xf32> to vector<8xf32>
    %broadcast_in_dim3A_97 = vector.shape_cast %reduce_sum3A_96 : vector<8xf32> to vector<1x8xf32>
    %add3A_98 = arith.addf %get3A_94, %broadcast_in_dim3A_97 : vector<1x8xf32>
    %swap3A = arith.constant 0 : index
    %swap3A_99 = arith.constant 0 : index
    %swap3A_100 = vector.load %arg9[%swap3A, %swap3A_99] : memref<1x8xf32, #tpu.memory_space<vmem>>, vector<1x8xf32>
    tpu.vector_store %arg9[%swap3A, %swap3A_99], %add3A_98 {strides = array<i32>} : memref<1x8xf32, #tpu.memory_space<vmem>>, vector<1x8xf32>,
    return
  }
  func.func @transform_0(%arg0: i32) -> (i32, i32, i32, i32) {
    %c0_i32 = arith.constant 0 : i32
    %c0_i32_0 = arith.constant 0 : i32
    %c0_i32_1 = arith.constant 0 : i32
    %c0_i32_2 = arith.constant 0 : i32
    return %c0_i32, %c0_i32_0, %arg0, %c0_i32_1 : i32, i32, i32, i32
  }
  func.func @transform_1(%arg0: i32) -> (i32, i32) {
    %c0_i32 = arith.constant 0 : i32
    %c0_i32_0 = arith.constant 0 : i32
    return %arg0, %c0_i32 : i32, i32
  }
  func.func @transform_2(%arg0: i32) -> (i32, i32) {
    %c0_i32 = arith.constant 0 : i32
    %c0_i32_0 = arith.constant 0 : i32
    return %arg0, %c0_i32 : i32, i32
  }
  func.func @transform_3(%arg0: i32) -> (i32, i32) {
    %c0_i32 = arith.constant 0 : i32
    %c0_i32_0 = arith.constant 0 : i32
    %c0_i32_1 = arith.constant 0 : i32
    return %c0_i32, %c0_i32_0 : i32, i32
  }
  func.func @transform_4(%arg0: i32) -> (i32, i32) {
    %c0_i32 = arith.constant 0 : i32
    %c0_i32_0 = arith.constant 0 : i32
    %c0_i32_1 = arith.constant 0 : i32
    return %c0_i32, %c0_i32_0 : i32, i32
  }
  func.func @transform_5(%arg0: i32) -> (i32, i32) {
    %c0_i32 = arith.constant 0 : i32
    %c0_i32_0 = arith.constant 0 : i32
    %c0_i32_1 = arith.constant 0 : i32
    return %c0_i32, %c0_i32_0 : i32, i32
  }
  func.func @transform_6(%arg0: i32) -> (i32, i32) {
    %c0_i32 = arith.constant 0 : i32
    %c0_i32_0 = arith.constant 0 : i32
    %c0_i32_1 = arith.constant 0 : i32
    return %c0_i32, %c0_i32_0 : i32, i32
  }
  func.func @transform_7(%arg0: i32) -> (i32, i32) {
    %c0_i32 = arith.constant 0 : i32
    %c0_i32_0 = arith.constant 0 : i32
    %c0_i32_1 = arith.constant 0 : i32
    return %c0_i32, %c0_i32_0 : i32, i32
  }
  func.func @transform_8(%arg0: i32) -> (i32, i32) {
    %c0_i32 = arith.constant 0 : i32
    %c0_i32_0 = arith.constant 0 : i32
    %c0_i32_1 = arith.constant 0 : i32
    return %c0_i32, %c0_i32_0 : i32, i32
  }
}

</mosaic_0001>

<sc_bundles>
// kernel: kernel.4.cloned.1.call-start
scs
__scs_entry_jumppad:
0x0: {  	(pc) =	sbr.rel $0x88, $3  }
0x1: {  	(tag) =	ssettag $0x0;
	lr =	simm.s32 $0x1  }
0x2: {  	[smem:$0x3F98] =	sst lr;
	_ =	strace $0xD0000000  }
0x3: {  	_ = 	snop  }
0x4: {  	_ = 	snop  }
0x5: {  	_ = 	snop  }
0x6: {  	_ = 	snop  }
0x7: {  	_ = 	snop  }
__scs_overlays_trampoline_lowered:
0x8: {  	[smem:$0x3FA7] =	sst s0  }
0x9: {  	[smem:$0x3FA8] =	sst s1  }
0xa: {  	[smem:$0x3FA9] =	sst s2  }
0xb: {  	[smem:$0x3FAA] =	sst s3  }
0xc: {  	[smem:$0x3FAB] =	sst s4  }
0xd: {  	[smem:$0x3FAC] =	sst s5  }
0xe: {  	[smem:$0x3FAD] =	sst s6  }
0xf: {  	[smem:$0x3FAE] =	sst s7  }
0x10: {  	[smem:$0x3FAF] =	sst s8  }
0x11: {  	[smem:$0x3FB0] =	sst s9;
	s0 =	simm.s32 @!p0 $0x0  }
0x12: {  	s1 =	sld [smem:$0x3F96];
	s0 =	simm.s32 @p0 $0x1  }
0x13: {  	[smem:$0x3FB1] =	sst s0;
	s0 =	simm.s32 @!p1 $0x0  }
0x14: {  	s2 =	sld [smem:$0x3F95];
	s0 =	simm.s32 @p1 $0x1  }
0x15: {  	[smem:$0x3FB2] =	sst s0;
	s0 =	simm.s32 @!p2 $0x0  }
0x16: {  	s3 =	sld [smem:$0x3FDB];
	s0 =	simm.s32 @p2 $0x1  }
0x17: {  	s4 =	simm.s32 $0x1BF5;
	[smem:$0x3FB4] =	sst s0  }
0x18: {  	s0 =	sld [smem:$0x3F97];
	_ =	swait.ge [sflag:s4], $0x0  }
0x19: {  	s7 =	sld [smem:$0x3F98]  }
0x1a: {  	s8 =	sadd.s32 $0xFFFFE003, lr  }
0x1b: {  	s9 =	sadd.s32 $0xFFFFFEF7, lr;
	s5 =	simm.s32 $0xFFFFFFFF;
	p2 =	slt.u32 s8, $0xFFFFF086  }
0x1c: {  	p1 =	slt.u32 s9, $0xF7A;
	s5 =	simm.s32 @!p2 $0x0  }
0x1d: {  	s5 =	simm.s32 @p1 $0x1;
	p0 =	seq.s32 s7, s2  }
0x1e: {  	s7 =	smul.u32 @!p0 $0xF7A, s2;
	p2 =	seq.s32 @!p0 s5, $0x0  }
0x1f: {  	s9 =	smul.u32 $0xF7A, s1;
	s8 =	simm.s32 @!p0 $0x1BF5;
	p2 =	por !p2, p0  }
0x20: {  	[sflag:s8] =	ssyncset.s32 @!p0 $0xFFFFF086;
	s6 =	sadd.s32 @!p0 s3, s7;
	s7 =	simm.s32 @!p0 $0x108  }
0x21: {  	s3 =	sadd.s32 s3, s9;
	s6 =	sadd.s32 @!p0 $0x88, s6;
	s7 =	simm.s32 @p2 $0x1082  }
0x22: {  	[simem:s7], [sflag:s8] =	dma.local @!p0 [hbm:s6], $0xF7A  }
0x23: {  	s9 =	sor.u32 $0xD0000000, s2;
	s6 =	simm.s32 $0x108;
	_ =	swait.ge @!p0 [sflag:s8], $0x0  }
0x24: {  	s3 =	sadd.s32 $0x88, s3;
	s6 =	simm.s32 @!p1 $0x1082;
	[sflag:s4] =	ssyncset.s32 $0xFFFFF086  }
0x25: {  	[simem:s6], [sflag:s4] =	dma.local [hbm:s3], $0xF7A  }
0x26: {  	[smem:$0x3F98] =	sst s1;
	(tag) =	ssettag s2;
	_ =	strace s9  }
0x27: {  	s1 =	sld [smem:$0x3FA8]  }
0x28: {  	s2 =	sld [smem:$0x3FA9]  }
0x29: {  	s4 =	sld [smem:$0x3FAB]  }
0x2a: {  	p0 =	seq.s32 s5, $0x0;
	s5 =	sld [smem:$0x3FAC]  }
0x2b: {  	s6 =	sld [smem:$0x3FAD]  }
0x2c: {  	s7 =	sld [smem:$0x3FAE]  }
0x2d: {  	s3 =	simm.s32 $0x108;
	s8 =	sld [smem:$0x3FAF]  }
0x2e: {  	s3 =	simm.s32 @!p0 $0x1082;
	s9 =	sld [smem:$0x3FB0]  }
0x2f: {  	lr =	sadd.s32 s0, s3;
	s0 =	sld [smem:$0x3FA7]  }
0x30: {  	s3 =	sld [smem:$0x3FAA]  }
0x31: {  	[smem:$0x3FB3] =	sst s10  }
0x32: {  	s10 =	sld [smem:$0x3FB1];
	_ =	sdelay $0x3  }
0x33: {  	p0 =	seq.s32 s10, $0x1;
	s10 =	sld [smem:$0x3FB3];
	_ =	sdelay $0x3  }
0x34: {  	[smem:$0x3FB3] =	sst s10  }
0x35: {  	s10 =	sld [smem:$0x3FB2];
	_ =	sdelay $0x3  }
0x36: {  	p1 =	seq.s32 s10, $0x1;
	s10 =	sld [smem:$0x3FB3];
	_ =	sdelay $0x3  }
0x37: {  	[smem:$0x3FB3] =	sst s10  }
0x38: {  	s10 =	sld [smem:$0x3FB4]  }
0x39: {  	_ = 	snop;
	(pc) =	sbr.ind lr, $3  }
0x3a: {  	_ = 	snop  }
0x3b: {  	_ = 	snop  }
0x3c: {  	p2 =	seq.s32 s10, $0x1;
	s10 =	sld [smem:$0x3FB3]  }
0x3d: {  	_ =	shalt  }
0x3e: {  	_ =	shalt  }
0x3f: {  	_ =	shalt  }
0x40: {  	_ =	shalt  }
0x41: {  	_ =	shalt  }
0x42: {  	_ =	shalt  }
0x43: {  	_ =	shalt  }
0x44: {  	_ =	shalt  }
0x45: {  	_ =	shalt  }
0x46: {  	_ =	shalt  }
0x47: {  	_ =	shalt  }
0x48: {  	_ =	shalt  }
0x49: {  	_ =	shalt  }
0x4a: {  	_ =	shalt  }
0x4b: {  	_ =	shalt  }
0x4c: {  	_ =	shalt  }
0x4d: {  	_ =	shalt  }
0x4e: {  	_ =	shalt  }
0x4f: {  	_ =	shalt  }
0x50: {  	_ =	shalt  }
0x51: {  	_ =	shalt  }
0x52: {  	_ =	shalt  }
0x53: {  	_ =	shalt  }
0x54: {  	_ =	shalt  }
0x55: {  	_ =	shalt  }
0x56: {  	_ =	shalt  }
0x57: {  	_ =	shalt  }
0x58: {  	_ =	shalt  }
0x59: {  	_ =	shalt  }
0x5a: {  	_ =	shalt  }
0x5b: {  	_ =	shalt  }
0x5c: {  	_ =	shalt  }
0x5d: {  	_ =	shalt  }
0x5e: {  	_ =	shalt  }
0x5f: {  	_ =	shalt  }
0x60: {  	_ =	shalt  }
0x61: {  	_ =	shalt  }
0x62: {  	_ =	shalt  }
0x63: {  	_ =	shalt  }
0x64: {  	_ =	shalt  }
0x65: {  	_ =	shalt  }
0x66: {  	_ =	shalt  }
0x67: {  	_ =	shalt  }
0x68: {  	_ =	shalt  }
0x69: {  	_ =	shalt  }
0x6a: {  	_ =	shalt  }
0x6b: {  	_ =	shalt  }
0x6c: {  	_ =	shalt  }
0x6d: {  	_ =	shalt  }
0x6e: {  	_ =	shalt  }
0x6f: {  	_ =	shalt  }
0x70: {  	_ =	shalt  }
0x71: {  	_ =	shalt  }
0x72: {  	_ =	shalt  }
0x73: {  	_ =	shalt  }
0x74: {  	_ =	shalt  }
0x75: {  	_ =	shalt  }
0x76: {  	_ =	shalt  }
0x77: {  	_ =	shalt  }
0x78: {  	_ =	shalt  }
0x79: {  	_ =	shalt  }
0x7a: {  	_ =	shalt  }
0x7b: {  	_ =	shalt  }
0x7c: {  	_ =	shalt  }
0x7d: {  	_ =	shalt  }
0x7e: {  	_ =	shalt  }
0x7f: {  	_ =	shalt  }
0x80: {  	_ =	shalt  }
0x81: {  	_ =	shalt  }
0x82: {  	_ =	shalt  }
0x83: {  	_ =	shalt  }
0x84: {  	_ =	shalt  }
0x85: {  	_ =	shalt  }
0x86: {  	_ =	shalt  }
0x87: {  	_ =	shalt  }
.Lfunc_end0:
.L_simem_size_0:
called_computation_lowered:
.L_overlay_start_0:
0x88: {  	s2 =	sld [smem:$0x3FD9]  }
0x89: {  	s3 =	sld [smem:$0x3FFE];
	_ =	sdelay $0x1  }
0x8a: {  	s1 =	srdreg.scid  }
0x8b: {  	s0 =	sand.u32 $0x1, s1  }
0x8c: {  	s16 =	sshll.u32 s0, $0xA;
	s2 =	sadd.s32 s3, s2  }
0x8d: {  	s2 =	sadd.s32 s2, s16  }
0x8e: {  	[smem:$0x3FBF] =	sst s2  }
0x8f: {  	_ = 	snop  }
0x90: {  	(tm) =	ssettm $0x1  }
0x91: {  	s17 =	sld [smem:$0x3FFB];
	_ =	sdelay $0x3  }
0x92: {  	_ =	strace s17  }
0x93: {  	s2 =	sld [smem:$0x3FFC];
	_ =	sdelay $0x3  }
0x94: {  	_ =	strace s2  }
0x95: {  	s2 =	sld [smem:$0x3FFD];
	_ =	sdelay $0x3  }
0x96: {  	_ =	strace s2  }
0x97: {  	_ =	strace $0x8FFFFFFF  }
0x98: {  	s18 =	sld [smem:$0x3FDB];
	_ =	sdelay $0x1  }
0x99: {  	s19 =	simm.s32 $_scs_section_size  }
0x9a: {  	s4 =	simm.s32 $_size__tile_overlayer_lowered;
	s5 =	simm.s32 $_tile_overlayer_lowered  }
0x9b: {  	s22 =	simm.s32 $0x1BFF;
	s21 =	sshll.u32 s5, $0x1;
	s2 =	sadd.s32 s19, s18  }
0x9c: {  	s6 =	simm.s32 $0x0;
	s20 =	sshll.u32 s4, $0x1;
	s4 =	sadd.s32 s21, s2  }
0x9d: {  	[timem:s6], [sflag:s22] =	dma.local [hbm:s4], s20  }
0x9e: {  	_ =	swait.ge [sflag:s22], s20  }
0x9f: {  	s3 =	ssub.s32 $0x0, s20;
	[sflag:s22] =	ssyncset.done $0x0  }
0xa0: {  	[sflag:s22] =	ssyncadd.s32 s3;
	_ =	sdelay $0x1  }
0xa1: {  	s23 =	simm.s32 $0x1B8B  }
0xa2: {  	_ =	swait.ge [sflag:s23], $0x1  }
0xa3: {  	[sflag:s23] =	ssyncset.done $0x0  }
0xa4: {  	s25 =	simm.s32 $0x1B8E;
	s24 =	sld [smem:$0x3FFE];
	[sflag:s23] =	ssyncadd.s32 $0xFFFFFFFF  }
0xa5: {  	s26 =	simm.s32 $execute0_lowered;
	[smem:$0x3FD2] =	sst s25  }
0xa6: {  	s4 =	sshll.u32 s26, $0x1;
	_ =	strace $0x80000046;
	[dreg:$0x1] =	wrdreg $0xFFFFFFFF  }
0xa7: {  	s28 =	simm.s32 $_size_execute0_lowered;
	s2 =	sadd.s32 s2, s4;
	[dreg:$0x0] =	wrdreg $0x0  }
0xa8: {  	s4 =	sshll.u32 s28, $0x1;
	[dreg:$0x2] =	wrdreg s2  }
0xa9: {  	[dreg:$0x3] =	wrdreg s4  }
0xaa: {  	[dreg:$0x4] =	wrdreg $0xC0  }
0xab: {  	_ =	task [dreg:s6], $0x5FFFF  }
0xac: {  	[dreg:$0x1] =	wrdreg $0xFFFFFFFF  }
0xad: {  	[dreg:$0x0] =	wrdreg $0x60  }
0xae: {  	[dreg:$0x2] =	wrdreg s24  }
0xaf: {  	[dreg:$0x3] =	wrdreg $0x14A800  }
0xb0: {  	[dreg:$0x4] =	wrdreg $0x9  }
0xb1: {  	_ =	task.clear_ibuf [dreg:s6], $0x5FFFF;
	_ =	strace $0x90000046  }
0xb2: {  	s29 =	simm.s32 $0x9;
	_ =	strace $0x80000048  }
0xb3: {  	_ =	swait.ge [sflag:s29], $0x1  }
0xb4: {  	[sflag:s29] =	ssyncadd.s32 $0xFFFFFFFF  }
0xb5: {  	_ =	strace $0x90000048  }
0xb6: {  	_ =	sfence  }
0xb7: {  	s30 =	sld [smem:$0x0];
	_ =	sdelay $0x2  }
0xb8: {  	s31 =	sshll.u32 s1, $0xD;
	s1 =	sshrl.u32 s1, $0x2  }
0xb9: {  	s3 =	sand.u32 $0x4000, s31;
	s1 =	sadd.s32 s1, s30  }
0xba: {  	s0 =	sor.u32 s3, s0;
	s1 =	sshll.u32 s1, $0x11  }
0xbb: {  	s0 =	sor.u32 s1, s0  }
0xbc: {  	s0 =	sadd.s32 $0x8F2B, s0  }
0xbd: {  	[sflag:s0] =	ssyncadd.remote.s32 $0x1  }
0xbe: {  	_ =	sfence.sel $0xFFFF  }
0xbf: {  	[dreg:$0x0] =	wrdreg $0xFFFFFFFF;
	(pc) =	sbr.abs _section_cstart, $3  }
0xc0: {  	[dreg:$0x1] =	wrdreg $0xFFFFFFFF  }
0xc1: {  	_ =	task.clear_ibuf [dreg:s6], $0x2FFFF;
	_ =	strace $0x9FFFFFFF  }
0xc2: {  	(tm) =	ssettm $0x7FFFFFFF  }
0xc3: {  	_ =	shalt  }
tec
execute0_lowered:
.L_overlay_start_1:
0x0: {  	(tag) =	ssettag $0x1  }
0x1: {  	s1 =	srdreg.scid  }
0x2: {  	s0 =	stileid.u32;
	s7 =	rddreg [dreg:$0x0]  }
0x3: {  	s2 =	rddreg [dreg:$0x1];
	s3 =	simm.s32 $0x0;
	s15 =	simm.s32 $0x9C40  }
0x4: {  	s16 =	simm.s32 $0xC350;
	s17 =	simm.s32 $0xEA60;
	s18 =	simm.s32 $0x11170  }
0x5: {  	s19 =	simm.s32 $0x13880;
	s20 =	simm.s32 $0x14880;
	s21 =	simm.s32 $0x0  }
0x6: {  	s6 =	sand.u32 $0x1, s1;
	s26 =	sshll.u32 s0, $0x1;
	s9 =	smul.u32 $0x5000, s0  }
0x7: {  	[smem:$0x7FF] =	sst s3;
	s4 =	sadd.s32 $0x1A00, s7;
	s5 =	sadd.s32 $0x1400, s7  }
0x8: {  	s31 =	sshll.u32 s0, $0x6;
	s1 =	sor.u32 s6, s26;
	s10 =	smul.u32 $0x50000, s6  }
0x9: {  	_ =	strace $0x80000047;
	s29 =	ssub.s32 $0x2, s6;
	s8 =	smul.u32 $0x2710, s1  }
0xa: {  	s6 =	sadd.s32 $0x16400, s7;
	s30 =	sshrl.u32 s29, $0x1;
	s14 =	sadd.s32 s9, s2  }
.Ltmp0:
0xb: {  	s10 =	sadd.s32 s9, s10;
	s8 =	sshrl.u32 s8, $0x3;
	(pc) =	sbr.rel .LBB2_1-.Ltmp0, $4  }
0xc: {  	s13 =	ssub.s32 s29, s30;
	s28 =	sshrl.u32 s10, $0x3;
	s11 =	sadd.s32 s8, s7  }
0xd: {  	v0 =	vlaneseq.u32;
	s12 =	sadd.s32 s28, s7;
	s7 =	sor.u32 $0x1C01, s31;
	s8 =	sadd.s32 $0x2A00, s11  }
0xe: {  	v2 =	vshrl.u32 v0, $0x3;
	s9 =	sadd.s32 $0xC640, s11;
	s10 =	sadd.s32 $0x16E00, s12;
	s11 =	smax.u32 s13, $0x1  }
0xf: {  	v1 =	vimm.s32 $0x0;
	v2 =	vmul.u32 $0x8, v2;
	s12 =	sshrl.u32 s14, $0x3;
	s13 =	simm.s32 $0x1;
	s14 =	simm.s32 $0x7530  }
.LBB2_6:
0x10: {  	s22 =	sand.u32 $0x7F, s1  }
0x11: {  	p0 =	seq.s32 s22, $0x0  }
0x12: {  	v3 =	vlaneseq.u32 @!p0  }
0x13: {  	v6 =	vimm.s32 @!p0 $0x2710;
	v4 =	vadd.s32 @!p0 s1, v3  }
0x14: {  	s22 =	sadd.s32 @!p0 $0x7F, s1;
	v5 =	vor.u32 @!p0 $0x10, v3;
	v7 =	vor.u32 @!p0 $0x20, v3;
	v8 =	vor.u32 @!p0 $0x30, v3  }
0x15: {  	s22 =	sand.u32 @!p0 $0xFFFFFF80, s22;
	v9 =	vor.u32 @!p0 $0x40, v3;
	v10 =	vor.u32 @!p0 $0x50, v3;
	v11 =	vor.u32 @!p0 $0x60, v3  }
0x16: {  	v3 =	vor.u32 @!p0 $0x70, v3;
	vm0 =	vlt.s32 @!p0 v4, s22;
	v5 =	vadd.s32 @!p0 s1, v5  }
0x17: {  	v4 =	vand.u32 @!p0 $0x1FF, v4;
	v7 =	vadd.s32 @!p0 s1, v7;
	vm1 =	vlt.s32 @!p0 v5, s22  }
0x18: {  	v8 =	vadd.s32 @!p0 s1, v8;
	v5 =	vand.u32 @!p0 $0x1FF, v5;
	vm2 =	vlt.s32 @!p0 v7, s22  }
0x19: {  	v9 =	vadd.s32 @!p0 s1, v9;
	v7 =	vand.u32 @!p0 $0x1FF, v7;
	vm3 =	vlt.s32 @!p0 v8, s22  }
0x1a: {  	v10 =	vadd.s32 @!p0 s1, v10;
	v8 =	vand.u32 @!p0 $0x1FF, v8;
	vm4 =	vlt.s32 @!p0 v9, s22  }
0x1b: {  	s23 =	simm.s32 @!p0 $0x14880;
	v11 =	vadd.s32 @!p0 s1, v11;
	v9 =	vand.u32 @!p0 $0x1FF, v9;
	vm5 =	vlt.s32 @!p0 v10, s22  }
0x1c: {  	v3 =	vadd.s32 @!p0 s1, v3;
	[tilespmem:v4+s23+$0x0] =	vst.idx.msk @!p0 vm0, v6;
	v4 =	vand.u32 @!p0 $0x1FF, v10;
	vm0 =	vlt.s32 @!p0 v11, s22  }
0x1d: {  	[tilespmem:v5+s23+$0x0] =	vst.idx.msk @!p0 vm1, v6;
	v5 =	vand.u32 @!p0 $0x1FF, v11;
	vm1 =	vlt.s32 @!p0 v3, s22  }
0x1e: {  	v3 =	vand.u32 @!p0 $0x1FF, v3;
	[tilespmem:v7+s23+$0x0] =	vst.idx.msk @!p0 vm2, v6  }
0x1f: {  	[tilespmem:v8+s23+$0x0] =	vst.idx.msk @!p0 vm3, v6  }
0x20: {  	[tilespmem:v9+s23+$0x0] =	vst.idx.msk @!p0 vm4, v6  }
0x21: {  	s1 =	sand.u32 @!p0 $0x180, s1;
	[tilespmem:v4+s23+$0x0] =	vst.idx.msk @!p0 vm5, v6  }
0x22: {  	s22 =	sshll.u32 @!p0 s1, $0x3;
	[tilespmem:v5+s23+$0x0] =	vst.idx.msk @!p0 vm0, v6  }
0x23: {  	s1 =	sadd.s32 @!p0 $0x14880, s1;
	s22 =	sadd.s32 @!p0 $0x13880, s22;
	[tilespmem:v3+s23+$0x0] =	vst.idx.msk @!p0 vm1, v6;
	s23 =	simm.s32 @!p0 $0x80  }
0x24: {  	[spmem:s2] =	stream.indirect.scatter.add.f32 @!p0 [tilespmem:s22], [sflag:$0x1], $0x8, s1, s23, $0xb8;
	[tilespmem:$0x19A80] =	vst v63  }
0x25: {  	s1 =	simm.s32 @!p0 $0x1  }
0x26: {  	_ =	swait.ge @!p0 [sflag:s1], $0x400  }
0x27: {  	s21 =	sadd.s32 $0x1, s21;
	[sflag:s1] =	ssyncset.done @!p0 $0x0  }
0x28: {  	[sflag:s1] =	ssyncadd.s32 @!p0 $0xFFFFFC00;
	p0 =	sne.s32 s21, s11  }
.Ltmp1:
0x29: {  	[bflag:$0x0] =	sbarrier.arrive $0xFFFF;
	(pc) =	sbr.rel @!p0 .LBB2_7-.Ltmp1, $4  }
0x2a: {  	[hbm:s10], [sflag:s7] =	dma.local [spmem:s12], $0xA00  }
0x2b: {  	_ =	swait.ge [sflag:s13], $0xA00  }
0x2c: {  	[sflag:s13] =	ssyncset.done $0x0  }
0x2d: {  	[sflag:s13] =	ssyncadd.s32 $0xFFFFF600  }
.LBB2_1:
0x2e: {  	[spmem:s12], [sflag:s7] =	dma.local [hbm:s6], $0xA00  }
0x2f: {  	_ =	swait.ge [sflag:s13], $0xA00  }
0x30: {  	[sflag:s13] =	ssyncset.done $0x0  }
0x31: {  	[sflag:s13] =	ssyncadd.s32 $0xFFFFF600  }
0x32: {  	[tilespmem:s3], [sflag:$0x1] =	stream.linear.gather [hbm4b:s4+s3], $0x7530, $0x38;
	[tilespmem:$0x19A80] =	vst v63  }
0x33: {  	_ =	swait.ge [sflag:s13], $0x7530  }
0x34: {  	[sflag:s13] =	ssyncset.done $0x0  }
0x35: {  	[sflag:s13] =	ssyncadd.s32 $0xFFFF8AD0  }
0x36: {  	[tilespmem:s14], [sflag:$0x1] =	stream.linear.gather [hbm4b:s5+s3], $0x2710, $0x38;
	[tilespmem:$0x19A80] =	vst v63  }
0x37: {  	_ =	swait.ge [sflag:s13], $0x2710  }
0x38: {  	[sflag:s13] =	ssyncset.done $0x0  }
0x39: {  	[sflag:s13] =	ssyncadd.s32 $0xFFFFD8F0  }
0x3a: {  	[tilespmem:s15], [sflag:$0x1] =	stream.linear.gather [hbm4b:s8+s3], $0x2710, $0x38;
	[tilespmem:$0x19A80] =	vst v63  }
0x3b: {  	_ =	swait.ge [sflag:s13], $0x2710  }
0x3c: {  	[sflag:s13] =	ssyncset.done $0x0  }
0x3d: {  	[sflag:s13] =	ssyncadd.s32 $0xFFFFD8F0  }
0x3e: {  	[tilespmem:s16], [sflag:$0x1] =	stream.linear.gather [hbm4b:s9+s3], $0x2710, $0x38;
	[tilespmem:$0x19A80] =	vst v63  }
0x3f: {  	_ =	swait.ge [sflag:s13], $0x2710  }
0x40: {  	[sflag:s13] =	ssyncset.done $0x0  }
0x41: {  	[sflag:s13] =	ssyncadd.s32 $0xFFFFD8F0  }
0x42: {  	s23 =	simm.s32 $0x0;
	s1 =	simm.s32 $0x0;
	[bflag:$0x0] =	sbarrier.arrive $0xFFFF  }
.LBB2_2:
0x43: {  	s24 =	sshra.s32 s23, $0x2  }
0x44: {  	v8 =	vld [tilespmem:s24+$0x9C40];
	_ =	sdelay $0x1  }
0x45: {  	v5 =	vld [tilespmem:s24+$0xC350]  }
0x46: {  	v7 =	vld [tilespmem:s24+$0x9C50];
	_ =	sdelay $0x1  }
0x47: {  	v16 =	vld [tilespmem:s24+$0x9C60];
	v3 =	vmul.u32 $0x3, v8  }
0x48: {  	v23 =	vld [tilespmem:s24+$0x9C70]  }
0x49: {  	v6 =	vmul.u32 $0x3, v5  }
0x4a: {  	v13 =	vmul.u32 $0x3, v7;
	_ =	sdelay $0x1  }
0x4b: {  	v22 =	vmul.u32 $0x3, v16  }
0x4c: {  	v28 =	vmul.u32 $0x3, v23;
	v10 =	vld.idx.msk [tilespmem:v3+s3+$0x0], $0xffff  }
0x4d: {  	v4 =	vadd.s32 $0x1, v3;
	v9 =	vadd.s32 $0x2, v3;
	v3 =	vld [tilespmem:s24+$0xC360]  }
0x4e: {  	v14 =	vld.idx.msk [tilespmem:v6+s3+$0x0], $0xffff  }
0x4f: {  	v40 =	vadd.s32 $0x1, v13;
	v15 =	vadd.s32 $0x2, v13;
	v13 =	vld.idx.msk [tilespmem:v13+s3+$0x0], $0xffff  }
0x50: {  	v11 =	vadd.s32 $0x1, v6;
	v39 =	vadd.s32 $0x2, v6;
	v6 =	vld [tilespmem:s24+$0xC380]  }
0x51: {  	v41 =	vld.idx.msk [tilespmem:v22+s3+$0x0], $0xffff  }
0x52: {  	v46 =	vadd.s32 $0x1, v28;
	v31 =	vadd.s32 $0x2, v28;
	v28 =	vld.idx.msk [tilespmem:v28+s3+$0x0], $0xffff  }
0x53: {  	v12 =	vld.idx.msk [tilespmem:v4+s3+$0x0], $0xffff  }
0x54: {  	v9 =	vld.idx.msk [tilespmem:v9+s3+$0x0], $0xffff  }
0x55: {  	v24 =	vadd.s32 $0x1, v22;
	v11 =	vld.idx.msk [tilespmem:v11+s3+$0x0], $0xffff  }
0x56: {  	v26 =	vadd.s32 $0x2, v22;
	v4 =	vld [tilespmem:s24+$0xC370]  }
0x57: {  	v17 =	vld.idx.msk [tilespmem:v39+s3+$0x0], $0xffff;
	v18 =	vmul.u32 $0x3, v3  }
0x58: {  	v20 =	vld.idx.msk [tilespmem:v40+s3+$0x0], $0xffff  }
0x59: {  	v15 =	vld.idx.msk [tilespmem:v15+s3+$0x0], $0xffff;
	v19 =	vadd.s32 $0x1, v18  }
0x5a: {  	v43 =	vld.idx.msk [tilespmem:v24+s3+$0x0], $0xffff;
	v10 =	vsub.f32 v14, v10  }
0x5b: {  	v45 =	vld.idx.msk [tilespmem:v26+s3+$0x0], $0xffff;
	v25 =	vmul.u32 $0x3, v4;
	v11 =	vsub.f32 v11, v12;
	v21 =	vadd.s32 $0x2, v18  }
0x5c: {  	v26 =	vld.idx.msk [tilespmem:v46+s3+$0x0], $0xffff  }
0x5d: {  	v44 =	vmul.f32 v10, v10;
	v27 =	vadd.s32 $0x1, v25;
	v29 =	vmul.f32 v11, v11;
	v18 =	vld.idx.msk [tilespmem:v18+s3+$0x0], $0xffff  }
0x5e: {  	v30 =	vmul.u32 $0x3, v6;
	v42 =	vadd.s32 $0x2, v25;
	v19 =	vld.idx.msk [tilespmem:v19+s3+$0x0], $0xffff  }
0x5f: {  	v9 =	vsub.f32 v17, v9;
	v17 =	vadd.f32 v29, v44;
	v29 =	vld [tilespmem:s24+$0x9C80]  }
0x60: {  	v32 =	vadd.s32 $0x1, v30;
	v21 =	vld.idx.msk [tilespmem:v21+s3+$0x0], $0xffff  }
0x61: {  	v25 =	vld.idx.msk [tilespmem:v25+s3+$0x0], $0xffff  }
0x62: {  	v47 =	vmul.f32 v9, v9;
	v27 =	vld.idx.msk [tilespmem:v27+s3+$0x0], $0xffff  }
0x63: {  	v49 =	vadd.s32 $0x2, v30;
	v22 =	vld.idx.msk [tilespmem:v42+s3+$0x0], $0xffff;
	v13 =	vsub.f32 v18, v13;
	v18 =	vsub.f32 v19, v20  }
0x64: {  	v48 =	vld.idx.msk [tilespmem:v31+s3+$0x0], $0xffff;
	v17 =	vadd.f32 v47, v17  }
0x65: {  	v55 =	vld.idx.msk [tilespmem:v32+s3+$0x0], $0xffff;
	v15 =	vsub.f32 v21, v15;
	v51 =	vmul.f32 v13, v13;
	v52 =	vmul.f32 v18, v18  }
0x66: {  	v50 =	vld.idx.msk [tilespmem:v30+s3+$0x0], $0xffff;
	vm2 =	vlt.f32 v17, $2.500000000e+01;
	v14 =	vsub.f32 v25, v41  }
0x67: {  	v12 =	vsub.f32 v27, v43;
	v27 =	vld [tilespmem:s24+$0xC390];
	v57 =	vmul.f32 v15, v15;
	v56 =	vadd.f32 v52, v51  }
0x68: {  	v59 =	vsel vm2, $0x1, v1;
	v61 =	vmul.u32 $0x3, v29;
	v20 =	vld.idx.msk [tilespmem:v49+s3+$0x0], $0xffff;
	v22 =	vsub.f32 v22, v45  }
0x69: {  	(xrf0) =	vadd.scan.msk.s32 $0xffff, v59;
	v53 =	vmul.f32 v14, v14;
	v54 =	vmul.f32 v12, v12;
	v17 =	vadd.f32 v57, v56  }
0x6a: {  	v25 =	vsub.f32 v55, v26;
	v63 =	vadd.s32 $0x1, v61;
	v58 =	vmul.f32 v22, v22  }
0x6b: {  	v24 =	vadd.f32 v54, v53;
	vm0 =	vlt.f32 v17, $2.500000000e+01;
	v17 =	vsub.f32 v50, v28  }
0x6c: {  	v31 =	vmul.f32 v25, v25;
	v62 =	vmul.u32 $0x3, v27;
	v35 =	vsel vm0, $0x1, v1  }
0x6d: {  	v19 =	vsub.f32 v20, v48;
	v60 =	vadd.f32 v58, v24;
	v36 =	vmul.f32 v17, v17;
	(xrf0) =	vadd.scan.msk.s32 $0xffff, v35  }
0x6e: {  	v39 =	vadd.s32 $0x2, v61;
	v37 =	vadd.s32 $0x1, v62  }
0x6f: {  	v32, _, _ =	vpop (xrf0);
	v38 =	vmul.f32 v19, v19;
	vm1 =	vlt.f32 v60, $2.500000000e+01;
	v20 =	vadd.f32 v31, v36  }
0x70: {  	(v2sf) =	vpush v32, $0xF;
	v24 =	vld.idx.msk [tilespmem:v61+s3+$0x0], $0xffff;
	v33 =	vadd.s32 $0x2, v62;
	v34 =	vsel vm1, $0x1, v1  }
0x71: {  	v28 =	vld.idx.msk [tilespmem:v63+s3+$0x0], $0xffff;
	(xrf0) =	vadd.scan.msk.s32 $0xffff, v34;
	v20 =	vadd.f32 v38, v20  }
0x72: {  	v26 =	vld.idx.msk [tilespmem:v62+s3+$0x0], $0xffff  }
0x73: {  	v40 =	vld.idx.msk [tilespmem:v37+s3+$0x0], $0xffff;
	vm3 =	vlt.f32 v20, $2.500000000e+01;
	v41, _, _ =	vpop (xrf0)  }
0x74: {  	v42 =	vld.idx.msk [tilespmem:v39+s3+$0x0], $0xffff;
	(v2sf) =	vpush v41, $0xF;
	v43 =	vsel vm3, $0x1, v1  }
0x75: {  	v33 =	vld.idx.msk [tilespmem:v33+s3+$0x0], $0xffff;
	(xrf0) =	vadd.scan.msk.s32 $0xffff, v43;
	_ =	sdelay $0x1  }
0x76: {  	v44, _, _ =	vpop (xrf0);
	v24 =	vsub.f32 v26, v24  }
0x77: {  	v20 =	vsub.f32 v40, v28;
	(v2sf) =	vpush v44, $0xF;
	_ =	sdelay $0x1  }
0x78: {  	v45 =	vsub.f32 v33, v42;
	v46 =	vmul.f32 v24, v24;
	v47 =	vmul.f32 v20, v20  }
0x79: {  	v48, _, _ =	vpop (xrf0)  }
0x7a: {  	v49 =	vmul.f32 v45, v45;
	v28 =	vadd.f32 v47, v46;
	(v2sf) =	vpush v48, $0xF  }
0x7b: {  	v50 =	vmov s1  }
0x7c: {  	v51 =	vadd.s32 $0xFFFFFFFF, v50;
	v28 =	vadd.f32 v49, v28  }
0x7d: {  	v30 =	vbroadcast v51, $0x0;
	s26 =	spop (v2sf)  }
0x7e: {  	s22 =	sadd.s32 s1, s26;
	vm4 =	vlt.f32 v28, $2.500000000e+01  }
0x7f: {  	v8 =	vld.idx.msk [tilespmem:v8+s14+$0x0], $0xffff;
	v52 =	vadd.s32 v32, v30;
	v53 =	vmov s22;
	v54 =	vsel vm4, $0x1, v1  }
0x80: {  	v30 =	vadd.s32 $0xFFFFFFFF, v53;
	(xrf0) =	vadd.scan.msk.s32 $0xffff, v54  }
0x81: {  	v7 =	vld.idx.msk [tilespmem:v7+s14+$0x0], $0xffff;
	v30 =	vbroadcast v30, $0x0;
	s28 =	spop (v2sf)  }
0x82: {  	v16 =	vld.idx.msk [tilespmem:v16+s14+$0x0], $0xffff;
	s22 =	sadd.s32 s22, s28  }
0x83: {  	v23 =	vld.idx.msk [tilespmem:v23+s14+$0x0], $0xffff;
	v21 =	vadd.s32 v41, v30;
	v55 =	vmov s22  }
0x84: {  	v8 =	vmul.u32 $0x2800, v8;
	v29 =	vld.idx.msk [tilespmem:v29+s14+$0x0], $0xffff;
	[tilespmem:v52+s15+$0x0] =	vst.idx.msk vm2, v10;
	v56 =	vadd.s32 $0xFFFFFFFF, v55  }
0x85: {  	[tilespmem:v52+s16+$0x0] =	vst.idx.msk vm2, v11;
	s29 =	spop (v2sf);
	v10 =	vbroadcast v56, $0x0  }
0x86: {  	v5 =	vadd.s32 v5, v8;
	[tilespmem:v52+s17+$0x0] =	vst.idx.msk vm2, v9;
	s22 =	sadd.s32 s22, s29;
	v57, _, _ =	vpop (xrf0)  }
0x87: {  	[tilespmem:v52+s18+$0x0] =	vst.idx.msk vm2, v5;
	v59 =	vmov s22;
	(v2sf) =	vpush v57, $0xF;
	v58 =	vadd.s32 v44, v10  }
0x88: {  	v7 =	vmul.u32 $0x2800, v7;
	[tilespmem:v21+s15+$0x0] =	vst.idx.msk vm0, v13;
	v9 =	vadd.s32 $0xFFFFFFFF, v59  }
0x89: {  	[tilespmem:v21+s16+$0x0] =	vst.idx.msk vm0, v18;
	v9 =	vbroadcast v9, $0x0;
	s30 =	spop (v2sf)  }
0x8a: {  	v3 =	vadd.s32 v3, v7;
	[tilespmem:v21+s17+$0x0] =	vst.idx.msk vm0, v15;
	s22 =	sadd.s32 s22, s30  }
0x8b: {  	[tilespmem:v21+s18+$0x0] =	vst.idx.msk vm0, v3;
	v3 =	vadd.s32 v48, v9;
	v60 =	vmov s22  }
0x8c: {  	v61 =	vmul.u32 $0x2800, v16;
	[tilespmem:v58+s15+$0x0] =	vst.idx.msk vm1, v14;
	v7 =	vadd.s32 $0xFFFFFFFF, v60  }
0x8d: {  	[tilespmem:v58+s16+$0x0] =	vst.idx.msk vm1, v12;
	v7 =	vbroadcast v7, $0x0  }
0x8e: {  	v4 =	vadd.s32 v4, v61;
	[tilespmem:v58+s17+$0x0] =	vst.idx.msk vm1, v22  }
0x8f: {  	[tilespmem:v58+s18+$0x0] =	vst.idx.msk vm1, v4;
	v62 =	vadd.s32 v57, v7  }
0x90: {  	v63 =	vmul.u32 $0x2800, v23;
	[tilespmem:v3+s15+$0x0] =	vst.idx.msk vm3, v17  }
0x91: {  	[tilespmem:v3+s16+$0x0] =	vst.idx.msk vm3, v25  }
0x92: {  	p0 =	sne.s32 s23, $0x9B00;
	v5 =	vadd.s32 v6, v63;
	[tilespmem:v3+s17+$0x0] =	vst.idx.msk vm3, v19  }
.Ltmp2:
0x93: {  	[tilespmem:v3+s18+$0x0] =	vst.idx.msk vm3, v5;
	(pc) =	sbr.rel @p0 .LBB2_2-.Ltmp2, $4  }
0x94: {  	v3 =	vmul.u32 $0x2800, v29;
	[tilespmem:v62+s15+$0x0] =	vst.idx.msk vm4, v24  }
0x95: {  	[tilespmem:v62+s16+$0x0] =	vst.idx.msk vm4, v20  }
0x96: {  	s31 =	spop (v2sf);
	v3 =	vadd.s32 v27, v3;
	[tilespmem:v62+s17+$0x0] =	vst.idx.msk vm4, v45  }
0x97: {  	s23 =	sadd.s32 $0x140, s23;
	s1 =	sadd.s32 s22, s31;
	[tilespmem:v62+s18+$0x0] =	vst.idx.msk vm4, v3  }
0x98: {  	s23 =	sadd.s32 $0x3F, s1  }
0x99: {  	s23 =	sshrl.u32 s23, $0x6  }
0x9a: {  	p0 =	seq.s32 s23, $0x0  }
.Ltmp3:
0x9b: {  	_ = 	snop;
	(pc) =	sbr.rel @p0 .LBB2_6-.Ltmp3, $1  }
0x9c: {  	_ =	sdelay $0x3  }
0x9d: {  	s24 =	simm.s32 $0x40;
	s25 =	simm.s32 $0x9C60  }
0x9e: {  	v3 =	vmov s1;
	s26 =	simm.s32 $0xC370;
	s28 =	simm.s32 $0xEA80;
	s29 =	simm.s32 $0x11190  }
.LBB2_5:
0x9f: {  	v4 =	vld [tilespmem:s25+$0xFFFFFFE0]  }
0xa0: {  	v5 =	vld [tilespmem:s26+$0xFFFFFFE0];
	_ =	sdelay $0x1  }
0xa1: {  	v6 =	vld [tilespmem:s28+$0xFFFFFFE0];
	_ =	sdelay $0x2  }
0xa2: {  	v4 =	vmul.f32 v4, v4;
	v5 =	vmul.f32 v5, v5;
	_ =	sdelay $0x1  }
0xa3: {  	v4 =	vadd.f32 v5, v4;
	v5 =	vmul.f32 v6, v6;
	_ =	sdelay $0x1  }
0xa4: {  	v4 =	vadd.f32 v5, v4;
	_ =	sdelay $0x1  }
0xa5: {  	v4 =	vadd.f32 $9.999999960e-13, v4;
	_ =	sdelay $0x1  }
0xa6: {  	v5 =	vshra.s32 v4, $0x1;
	v57 =	vmul.f32 $5.000000000e-01, v4  }
0xa7: {  	v5 =	vsub.s32 $0x5F3759DF, v5  }
0xa8: {  	v7 =	vmul.f32 v5, v57;
	_ =	sdelay $0x1  }
0xa9: {  	v7 =	vmul.f32 v5, v7;
	_ =	sdelay $0x1  }
0xaa: {  	v7 =	vsub.f32 $1.500000000e+00, v7;
	_ =	sdelay $0x1  }
0xab: {  	v5 =	vmul.f32 v5, v7;
	_ =	sdelay $0x1  }
0xac: {  	v7 =	vmul.f32 v5, v57;
	_ =	sdelay $0x1  }
0xad: {  	v7 =	vmul.f32 v7, v5;
	_ =	sdelay $0x1  }
0xae: {  	v7 =	vsub.f32 $1.500000000e+00, v7;
	_ =	sdelay $0x1  }
0xaf: {  	v5 =	vmul.f32 v7, v5;
	_ =	sdelay $0x1  }
0xb0: {  	v6 =	vmul.f32 v5, v57;
	_ =	sdelay $0x1  }
0xb1: {  	v6 =	vmul.f32 v6, v5;
	_ =	sdelay $0x1  }
0xb2: {  	v6 =	vsub.f32 $1.500000000e+00, v6;
	_ =	sdelay $0x1  }
0xb3: {  	v5 =	vmul.f32 v6, v5;
	_ =	sdelay $0x1  }
0xb4: {  	v4 =	vmul.f32 v5, v4;
	_ =	sdelay $0x1  }
0xb5: {  	v4 =	vmin.f32 v4, $5.000000000e+00  }
0xb6: {  	v4 =	vmul.f32 $6.283185480e-01, v4;
	_ =	sdelay $0x1  }
0xb7: {  	v58 =	vmul.f32 $6.366197460e-01, v4;
	_ =	sdelay $0x1  }
0xb8: {  	v6 =	vadd.f32 $5.000000000e-01, v58;
	_ =	sdelay $0x1  }
0xb9: {  	v6 =	vtrunc.f32 v6  }
0xba: {  	v6 =	vcvt.f32.s32 v6;
	_ =	sdelay $0x1  }
0xbb: {  	v59 =	vcvt.s32.f32 v6;
	_ =	sdelay $0x1  }
0xbc: {  	v7 =	vmul.f32 $1.570796370e+00, v59;
	_ =	sdelay $0x1  }
0xbd: {  	v4 =	vsub.f32 v4, v7;
	_ =	sdelay $0x1  }
0xbe: {  	v7 =	vmul.f32 v4, v4;
	_ =	sdelay $0x1  }
0xbf: {  	v8 =	vmul.f32 $1.951529560e-04, v7;
	v9 =	vmul.f32 $2.443315680e-05, v7;
	_ =	sdelay $0x1  }
0xc0: {  	v8 =	vsub.f32 $8.332161230e-03, v8;
	v9 =	vadd.f32 $-1.388731650e-03, v9;
	_ =	sdelay $0x1  }
0xc1: {  	v8 =	vmul.f32 v8, v7;
	v9 =	vmul.f32 v9, v7  }
0xc2: {  	v10 =	vmul.f32 v7, v4;
	v11 =	vmul.f32 $5.000000000e-01, v7  }
0xc3: {  	v7 =	vmul.f32 v7, v7;
	v8 =	vadd.f32 $-1.666665520e-01, v8;
	v9 =	vadd.f32 $4.166664560e-02, v9;
	_ =	sdelay $0x1  }
0xc4: {  	v60 =	vsub.f32 $1.000000000e+00, v11;
	v8 =	vmul.f32 v8, v10;
	v7 =	vmul.f32 v9, v7;
	_ =	sdelay $0x1  }
0xc5: {  	v4 =	vadd.f32 v8, v4;
	v7 =	vadd.f32 v7, v60;
	_ =	sdelay $0x1  }
0xc6: {  	v8 =	vsub.f32 $0.0e+00, v4;
	v61 =	vsub.f32 $0.0e+00, v7  }
0xc7: {  	vm0 =	veq.s32 v6, $0x1  }
0xc8: {  	vm1 =	veq.s32 v6, $0x0;
	v62 =	vsel vm0, v8, v61  }
0xc9: {  	v6 =	vsel vm1, v7, v62  }
0xca: {  	v63 =	vadd.f32 $1.000000000e+00, v6;
	_ =	sdelay $0x1  }
0xcb: {  	v9 =	vmul.f32 $5.000000000e-01, v63;
	_ =	sdelay $0x1  }
0xcc: {  	v7 =	vsel vm0, v7, v8;
	v5 =	vmul.f32 v9, v5  }
0xcd: {  	v4 =	vsel vm1, v4, v7  }
0xce: {  	v6 =	vadd.f32 v6, v6;
	v4 =	vmul.f32 v5, v4;
	_ =	sdelay $0x1  }
0xcf: {  	v5 =	vmul.f32 v4, v6;
	_ =	sdelay $0x1  }
0xd0: {  	v12 =	vmul.f32 v5, v6;
	_ =	sdelay $0x1  }
0xd1: {  	v7 =	vsub.f32 v12, v4;
	_ =	sdelay $0x1  }
0xd2: {  	v13 =	vmul.f32 v7, v6;
	_ =	sdelay $0x1  }
0xd3: {  	v8 =	vsub.f32 v13, v5;
	_ =	sdelay $0x1  }
0xd4: {  	v14 =	vmul.f32 v8, v6  }
0xd5: {  	s30 =	sadd.s32 $0xFFFFFFC0, s24  }
0xd6: {  	v15 =	vor.u32 s30, v0;
	v9 =	vsub.f32 v14, v7  }
0xd7: {  	vm6 =	vlt.s32 v15, v3;
	v10 =	vshll.u32 v15, $0x3  }
0xd8: {  	v10 =	vand.u32 $0xE78, v10;
	v16 =	vmul.f32 v9, v6  }
0xd9: {  	v12 =	vor.u32 $0x1, v10  }
0xda: {  	v13 =	vor.u32 $0x2, v10;
	v11 =	vsub.f32 v16, v8  }
0xdb: {  	v14 =	vor.u32 $0x3, v10  }
0xdc: {  	v16 =	vor.u32 $0x4, v10;
	v17 =	vmul.f32 v11, v6  }
0xdd: {  	v18 =	vmov s30;
	v15 =	vld [tilespmem:s29+$0xFFFFFFE0];
	v19 =	vor.u32 $0x5, v10;
	[tilespmem:v10+s19+$0x0] =	vst.idx.msk vm6, v4  }
0xde: {  	v4 =	vand.u32 $0x1C8, v18;
	[tilespmem:v12+s19+$0x0] =	vst.idx.msk vm6, v5;
	v5 =	vsub.f32 v17, v9;
	v17 =	vor.u32 $0x6, v10  }
0xdf: {  	v18 =	vor.u32 $0x7, v10;
	v20 =	vor.u32 v2, v4;
	v4 =	vand.u32 $0x7, v0;
	[tilespmem:v13+s19+$0x0] =	vst.idx.msk vm6, v7  }
0xe0: {  	v21 =	vor.u32 v4, v20;
	[tilespmem:v14+s19+$0x0] =	vst.idx.msk vm6, v8;
	v6 =	vmul.f32 v5, v6  }
0xe1: {  	[tilespmem:v16+s19+$0x0] =	vst.idx.msk vm6, v9  }
0xe2: {  	[tilespmem:v19+s19+$0x0] =	vst.idx.msk vm6, v11;
	v6 =	vsub.f32 v6, v11  }
0xe3: {  	[tilespmem:v17+s19+$0x0] =	vst.idx.msk vm6, v5  }
0xe4: {  	[tilespmem:v18+s19+$0x0] =	vst.idx.msk vm6, v6  }
0xe5: {  	[tilespmem:v21+s20+$0x0] =	vst.idx.msk vm6, v15  }
0xe6: {  	v5 =	vld [tilespmem:s25+$0xFFFFFFF0]  }
0xe7: {  	v6 =	vld [tilespmem:s26+$0xFFFFFFF0];
	_ =	sdelay $0x1  }
0xe8: {  	v7 =	vld [tilespmem:s28+$0xFFFFFFF0];
	_ =	sdelay $0x2  }
0xe9: {  	v5 =	vmul.f32 v5, v5;
	v6 =	vmul.f32 v6, v6;
	_ =	sdelay $0x1  }
0xea: {  	v22 =	vmul.f32 v7, v7;
	v5 =	vadd.f32 v6, v5;
	_ =	sdelay $0x1  }
0xeb: {  	v5 =	vadd.f32 v22, v5;
	_ =	sdelay $0x1  }
0xec: {  	v5 =	vadd.f32 $9.999999960e-13, v5;
	_ =	sdelay $0x1  }
0xed: {  	v23 =	vshra.s32 v5, $0x1;
	v24 =	vmul.f32 $5.000000000e-01, v5  }
0xee: {  	v6 =	vsub.s32 $0x5F3759DF, v23  }
0xef: {  	v25 =	vmul.f32 v6, v24;
	_ =	sdelay $0x1  }
0xf0: {  	v8 =	vmul.f32 v6, v25;
	_ =	sdelay $0x1  }
0xf1: {  	v8 =	vsub.f32 $1.500000000e+00, v8;
	_ =	sdelay $0x1  }
0xf2: {  	v6 =	vmul.f32 v6, v8;
	_ =	sdelay $0x1  }
0xf3: {  	v8 =	vmul.f32 v6, v24;
	_ =	sdelay $0x1  }
0xf4: {  	v8 =	vmul.f32 v8, v6;
	_ =	sdelay $0x1  }
0xf5: {  	v8 =	vsub.f32 $1.500000000e+00, v8;
	_ =	sdelay $0x1  }
0xf6: {  	v6 =	vmul.f32 v8, v6;
	_ =	sdelay $0x1  }
0xf7: {  	v7 =	vmul.f32 v6, v24;
	_ =	sdelay $0x1  }
0xf8: {  	v7 =	vmul.f32 v7, v6;
	_ =	sdelay $0x1  }
0xf9: {  	v7 =	vsub.f32 $1.500000000e+00, v7;
	_ =	sdelay $0x1  }
0xfa: {  	v6 =	vmul.f32 v7, v6;
	_ =	sdelay $0x1  }
0xfb: {  	v5 =	vmul.f32 v6, v5;
	_ =	sdelay $0x1  }
0xfc: {  	v5 =	vmin.f32 v5, $5.000000000e+00  }
0xfd: {  	v5 =	vmul.f32 $6.283185480e-01, v5;
	_ =	sdelay $0x1  }
0xfe: {  	v26 =	vmul.f32 $6.366197460e-01, v5;
	_ =	sdelay $0x1  }
0xff: {  	v7 =	vadd.f32 $5.000000000e-01, v26;
	_ =	sdelay $0x1  }
0x100: {  	v7 =	vtrunc.f32 v7  }
0x101: {  	v7 =	vcvt.f32.s32 v7;
	_ =	sdelay $0x1  }
0x102: {  	v27 =	vcvt.s32.f32 v7;
	_ =	sdelay $0x1  }
0x103: {  	v8 =	vmul.f32 $1.570796370e+00, v27;
	_ =	sdelay $0x1  }
0x104: {  	v5 =	vsub.f32 v5, v8;
	_ =	sdelay $0x1  }
0x105: {  	v8 =	vmul.f32 v5, v5;
	_ =	sdelay $0x1  }
0x106: {  	v28 =	vmul.f32 $1.951529560e-04, v8;
	v29 =	vmul.f32 $2.443315680e-05, v8;
	_ =	sdelay $0x1  }
0x107: {  	v9 =	vsub.f32 $8.332161230e-03, v28;
	v10 =	vadd.f32 $-1.388731650e-03, v29;
	_ =	sdelay $0x1  }
0x108: {  	v9 =	vmul.f32 v9, v8;
	v10 =	vmul.f32 v10, v8  }
0x109: {  	v30 =	vmul.f32 v8, v5;
	v31 =	vmul.f32 $5.000000000e-01, v8  }
0x10a: {  	v8 =	vmul.f32 v8, v8;
	v9 =	vadd.f32 $-1.666665520e-01, v9;
	v10 =	vadd.f32 $4.166664560e-02, v10;
	_ =	sdelay $0x1  }
0x10b: {  	v32 =	vsub.f32 $1.000000000e+00, v31;
	v9 =	vmul.f32 v9, v30;
	v8 =	vmul.f32 v10, v8;
	_ =	sdelay $0x1  }
0x10c: {  	v5 =	vadd.f32 v9, v5;
	v8 =	vadd.f32 v8, v32;
	_ =	sdelay $0x1  }
0x10d: {  	v9 =	vsub.f32 $0.0e+00, v5;
	v33 =	vsub.f32 $0.0e+00, v8  }
0x10e: {  	vm7 =	veq.s32 v7, $0x1  }
0x10f: {  	vm8 =	veq.s32 v7, $0x0;
	v34 =	vsel vm7, v9, v33  }
0x110: {  	v7 =	vsel vm8, v8, v34  }
0x111: {  	v35 =	vadd.f32 $1.000000000e+00, v7;
	_ =	sdelay $0x1  }
0x112: {  	v10 =	vmul.f32 $5.000000000e-01, v35;
	_ =	sdelay $0x1  }
0x113: {  	v8 =	vsel vm7, v8, v9;
	v6 =	vmul.f32 v10, v6  }
0x114: {  	v5 =	vsel vm8, v5, v8  }
0x115: {  	v7 =	vadd.f32 v7, v7;
	v5 =	vmul.f32 v6, v5;
	_ =	sdelay $0x1  }
0x116: {  	v6 =	vmul.f32 v5, v7;
	_ =	sdelay $0x1  }
0x117: {  	v36 =	vmul.f32 v6, v7;
	_ =	sdelay $0x1  }
0x118: {  	v8 =	vsub.f32 v36, v5;
	_ =	sdelay $0x1  }
0x119: {  	v37 =	vmul.f32 v8, v7;
	_ =	sdelay $0x1  }
0x11a: {  	v9 =	vsub.f32 v37, v6;
	_ =	sdelay $0x1  }
0x11b: {  	v38 =	vmul.f32 v9, v7  }
0x11c: {  	s31 =	sadd.s32 $0xFFFFFFD0, s24  }
0x11d: {  	v39 =	vor.u32 s31, v0;
	v10 =	vsub.f32 v38, v8  }
0x11e: {  	vm9 =	vlt.s32 v39, v3;
	v11 =	vshll.u32 v39, $0x3  }
0x11f: {  	v11 =	vand.u32 $0xEF8, v11;
	v40 =	vmul.f32 v10, v7  }
0x120: {  	v41 =	vor.u32 $0x1, v11  }
0x121: {  	v42 =	vor.u32 $0x2, v11;
	v12 =	vsub.f32 v40, v9  }
0x122: {  	v43 =	vor.u32 $0x3, v11  }
0x123: {  	v44 =	vor.u32 $0x4, v11;
	v45 =	vmul.f32 v12, v7  }
0x124: {  	v46 =	vmov s31;
	v16 =	vld [tilespmem:s29+$0xFFFFFFF0];
	[tilespmem:v11+s19+$0x0] =	vst.idx.msk vm9, v5;
	v5 =	vor.u32 $0x5, v11  }
0x125: {  	v49 =	vand.u32 $0x1D8, v46;
	v48 =	vor.u32 $0x6, v11;
	[tilespmem:v41+s19+$0x0] =	vst.idx.msk vm9, v6;
	v47 =	vsub.f32 v45, v10  }
0x126: {  	v51 =	vor.u32 v2, v49;
	v50 =	vor.u32 $0x7, v11;
	[tilespmem:v42+s19+$0x0] =	vst.idx.msk vm9, v8  }
0x127: {  	v52 =	vor.u32 v4, v51;
	[tilespmem:v43+s19+$0x0] =	vst.idx.msk vm9, v9;
	v7 =	vmul.f32 v47, v7  }
0x128: {  	[tilespmem:v44+s19+$0x0] =	vst.idx.msk vm9, v10  }
0x129: {  	[tilespmem:v5+s19+$0x0] =	vst.idx.msk vm9, v12;
	v5 =	vsub.f32 v7, v12  }
0x12a: {  	[tilespmem:v48+s19+$0x0] =	vst.idx.msk vm9, v47  }
0x12b: {  	[tilespmem:v50+s19+$0x0] =	vst.idx.msk vm9, v5  }
0x12c: {  	[tilespmem:v52+s20+$0x0] =	vst.idx.msk vm9, v16  }
0x12d: {  	v5 =	vld [tilespmem:s25+$0x0]  }
0x12e: {  	v6 =	vld [tilespmem:s26+$0x0];
	_ =	sdelay $0x1  }
0x12f: {  	v53 =	vld [tilespmem:s28+$0x0];
	_ =	sdelay $0x2  }
0x130: {  	v5 =	vmul.f32 v5, v5;
	v6 =	vmul.f32 v6, v6;
	_ =	sdelay $0x1  }
0x131: {  	v54 =	vmul.f32 v53, v53;
	v5 =	vadd.f32 v6, v5;
	_ =	sdelay $0x1  }
0x132: {  	v5 =	vadd.f32 v54, v5;
	_ =	sdelay $0x1  }
0x133: {  	v5 =	vadd.f32 $9.999999960e-13, v5;
	_ =	sdelay $0x1  }
0x134: {  	v55 =	vshra.s32 v5, $0x1;
	v56 =	vmul.f32 $5.000000000e-01, v5  }
0x135: {  	v6 =	vsub.s32 $0x5F3759DF, v55  }
0x136: {  	v57 =	vmul.f32 v6, v56;
	_ =	sdelay $0x1  }
0x137: {  	v8 =	vmul.f32 v6, v57;
	_ =	sdelay $0x1  }
0x138: {  	v8 =	vsub.f32 $1.500000000e+00, v8;
	_ =	sdelay $0x1  }
0x139: {  	v6 =	vmul.f32 v6, v8;
	_ =	sdelay $0x1  }
0x13a: {  	v8 =	vmul.f32 v6, v56;
	_ =	sdelay $0x1  }
0x13b: {  	v8 =	vmul.f32 v8, v6;
	_ =	sdelay $0x1  }
0x13c: {  	v8 =	vsub.f32 $1.500000000e+00, v8;
	_ =	sdelay $0x1  }
0x13d: {  	v6 =	vmul.f32 v8, v6;
	_ =	sdelay $0x1  }
0x13e: {  	v7 =	vmul.f32 v6, v56;
	_ =	sdelay $0x1  }
0x13f: {  	v7 =	vmul.f32 v7, v6;
	_ =	sdelay $0x1  }
0x140: {  	v7 =	vsub.f32 $1.500000000e+00, v7;
	_ =	sdelay $0x1  }
0x141: {  	v6 =	vmul.f32 v7, v6;
	_ =	sdelay $0x1  }
0x142: {  	v5 =	vmul.f32 v6, v5;
	_ =	sdelay $0x1  }
0x143: {  	v5 =	vmin.f32 v5, $5.000000000e+00  }
0x144: {  	v5 =	vmul.f32 $6.283185480e-01, v5;
	_ =	sdelay $0x1  }
0x145: {  	v58 =	vmul.f32 $6.366197460e-01, v5;
	_ =	sdelay $0x1  }
0x146: {  	v7 =	vadd.f32 $5.000000000e-01, v58;
	_ =	sdelay $0x1  }
0x147: {  	v7 =	vtrunc.f32 v7  }
0x148: {  	v7 =	vcvt.f32.s32 v7;
	_ =	sdelay $0x1  }
0x149: {  	v59 =	vcvt.s32.f32 v7;
	_ =	sdelay $0x1  }
0x14a: {  	v8 =	vmul.f32 $1.570796370e+00, v59;
	_ =	sdelay $0x1  }
0x14b: {  	v5 =	vsub.f32 v5, v8;
	_ =	sdelay $0x1  }
0x14c: {  	v8 =	vmul.f32 v5, v5;
	_ =	sdelay $0x1  }
0x14d: {  	v60 =	vmul.f32 $1.951529560e-04, v8;
	v61 =	vmul.f32 $2.443315680e-05, v8;
	_ =	sdelay $0x1  }
0x14e: {  	v9 =	vsub.f32 $8.332161230e-03, v60;
	v10 =	vadd.f32 $-1.388731650e-03, v61;
	_ =	sdelay $0x1  }
0x14f: {  	v9 =	vmul.f32 v9, v8;
	v10 =	vmul.f32 v10, v8  }
0x150: {  	v62 =	vmul.f32 v8, v5;
	v63 =	vmul.f32 $5.000000000e-01, v8  }
0x151: {  	v8 =	vmul.f32 v8, v8;
	v9 =	vadd.f32 $-1.666665520e-01, v9;
	v10 =	vadd.f32 $4.166664560e-02, v10;
	_ =	sdelay $0x1  }
0x152: {  	v12 =	vsub.f32 $1.000000000e+00, v63;
	v9 =	vmul.f32 v9, v62;
	v8 =	vmul.f32 v10, v8;
	_ =	sdelay $0x1  }
0x153: {  	v5 =	vadd.f32 v9, v5;
	v8 =	vadd.f32 v8, v12;
	_ =	sdelay $0x1  }
0x154: {  	v9 =	vsub.f32 $0.0e+00, v5;
	v13 =	vsub.f32 $0.0e+00, v8  }
0x155: {  	vm10 =	veq.s32 v7, $0x1  }
0x156: {  	vm11 =	veq.s32 v7, $0x0;
	v14 =	vsel vm10, v9, v13  }
0x157: {  	v7 =	vsel vm11, v8, v14  }
0x158: {  	v15 =	vadd.f32 $1.000000000e+00, v7;
	_ =	sdelay $0x1  }
0x159: {  	v10 =	vmul.f32 $5.000000000e-01, v15;
	_ =	sdelay $0x1  }
0x15a: {  	v8 =	vsel vm10, v8, v9;
	v6 =	vmul.f32 v10, v6  }
0x15b: {  	v5 =	vsel vm11, v5, v8  }
0x15c: {  	v7 =	vadd.f32 v7, v7;
	v5 =	vmul.f32 v6, v5;
	_ =	sdelay $0x1  }
0x15d: {  	v6 =	vmul.f32 v5, v7;
	_ =	sdelay $0x1  }
0x15e: {  	v16 =	vmul.f32 v6, v7;
	_ =	sdelay $0x1  }
0x15f: {  	v8 =	vsub.f32 v16, v5;
	_ =	sdelay $0x1  }
0x160: {  	v17 =	vmul.f32 v8, v7;
	_ =	sdelay $0x1  }
0x161: {  	v9 =	vsub.f32 v17, v6;
	_ =	sdelay $0x1  }
0x162: {  	v18 =	vmul.f32 v9, v7  }
0x163: {  	s22 =	sadd.s32 $0xFFFFFFE0, s24  }
0x164: {  	v19 =	vor.u32 s22, v0;
	v10 =	vsub.f32 v18, v8  }
0x165: {  	vm12 =	vlt.s32 v19, v3;
	v11 =	vshll.u32 v19, $0x3  }
0x166: {  	v11 =	vand.u32 $0xF78, v11;
	v20 =	vmul.f32 v10, v7  }
0x167: {  	v21 =	vor.u32 $0x1, v11  }
0x168: {  	v22 =	vor.u32 $0x2, v11;
	v12 =	vsub.f32 v20, v9  }
0x169: {  	v23 =	vor.u32 $0x3, v11  }
0x16a: {  	v24 =	vor.u32 $0x4, v11;
	v25 =	vmul.f32 v12, v7  }
0x16b: {  	v26 =	vmov s22;
	v16 =	vld [tilespmem:s29+$0x0];
	[tilespmem:v11+s19+$0x0] =	vst.idx.msk vm12, v5;
	v5 =	vor.u32 $0x5, v11  }
0x16c: {  	v29 =	vand.u32 $0x1E8, v26;
	v28 =	vor.u32 $0x6, v11;
	[tilespmem:v21+s19+$0x0] =	vst.idx.msk vm12, v6;
	v27 =	vsub.f32 v25, v10  }
0x16d: {  	v31 =	vor.u32 v2, v29;
	v30 =	vor.u32 $0x7, v11;
	[tilespmem:v22+s19+$0x0] =	vst.idx.msk vm12, v8  }
0x16e: {  	v32 =	vor.u32 v4, v31;
	[tilespmem:v23+s19+$0x0] =	vst.idx.msk vm12, v9;
	v7 =	vmul.f32 v27, v7  }
0x16f: {  	[tilespmem:v24+s19+$0x0] =	vst.idx.msk vm12, v10  }
0x170: {  	[tilespmem:v5+s19+$0x0] =	vst.idx.msk vm12, v12;
	v5 =	vsub.f32 v7, v12  }
0x171: {  	[tilespmem:v28+s19+$0x0] =	vst.idx.msk vm12, v27  }
0x172: {  	[tilespmem:v30+s19+$0x0] =	vst.idx.msk vm12, v5  }
0x173: {  	[tilespmem:v32+s20+$0x0] =	vst.idx.msk vm12, v16  }
0x174: {  	v5 =	vld [tilespmem:s25+$0x10]  }
0x175: {  	v6 =	vld [tilespmem:s26+$0x10];
	_ =	sdelay $0x1  }
0x176: {  	v33 =	vld [tilespmem:s28+$0x10];
	_ =	sdelay $0x2  }
0x177: {  	v5 =	vmul.f32 v5, v5;
	v6 =	vmul.f32 v6, v6;
	_ =	sdelay $0x1  }
0x178: {  	v34 =	vmul.f32 v33, v33;
	v5 =	vadd.f32 v6, v5;
	_ =	sdelay $0x1  }
0x179: {  	v5 =	vadd.f32 v34, v5;
	_ =	sdelay $0x1  }
0x17a: {  	v5 =	vadd.f32 $9.999999960e-13, v5;
	_ =	sdelay $0x1  }
0x17b: {  	v35 =	vshra.s32 v5, $0x1;
	v36 =	vmul.f32 $5.000000000e-01, v5  }
0x17c: {  	v6 =	vsub.s32 $0x5F3759DF, v35  }
0x17d: {  	v37 =	vmul.f32 v6, v36;
	_ =	sdelay $0x1  }
0x17e: {  	v8 =	vmul.f32 v6, v37;
	_ =	sdelay $0x1  }
0x17f: {  	v8 =	vsub.f32 $1.500000000e+00, v8;
	_ =	sdelay $0x1  }
0x180: {  	v6 =	vmul.f32 v6, v8;
	_ =	sdelay $0x1  }
0x181: {  	v8 =	vmul.f32 v6, v36;
	_ =	sdelay $0x1  }
0x182: {  	v8 =	vmul.f32 v8, v6;
	_ =	sdelay $0x1  }
0x183: {  	v8 =	vsub.f32 $1.500000000e+00, v8;
	_ =	sdelay $0x1  }
0x184: {  	v6 =	vmul.f32 v8, v6;
	_ =	sdelay $0x1  }
0x185: {  	v7 =	vmul.f32 v6, v36;
	_ =	sdelay $0x1  }
0x186: {  	v7 =	vmul.f32 v7, v6;
	_ =	sdelay $0x1  }
0x187: {  	v7 =	vsub.f32 $1.500000000e+00, v7;
	_ =	sdelay $0x1  }
0x188: {  	v6 =	vmul.f32 v7, v6;
	_ =	sdelay $0x1  }
0x189: {  	v5 =	vmul.f32 v6, v5;
	_ =	sdelay $0x1  }
0x18a: {  	v5 =	vmin.f32 v5, $5.000000000e+00  }
0x18b: {  	v5 =	vmul.f32 $6.283185480e-01, v5;
	_ =	sdelay $0x1  }
0x18c: {  	v38 =	vmul.f32 $6.366197460e-01, v5;
	_ =	sdelay $0x1  }
0x18d: {  	v7 =	vadd.f32 $5.000000000e-01, v38;
	_ =	sdelay $0x1  }
0x18e: {  	v7 =	vtrunc.f32 v7  }
0x18f: {  	v7 =	vcvt.f32.s32 v7;
	_ =	sdelay $0x1  }
0x190: {  	v39 =	vcvt.s32.f32 v7;
	_ =	sdelay $0x1  }
0x191: {  	v8 =	vmul.f32 $1.570796370e+00, v39;
	_ =	sdelay $0x1  }
0x192: {  	v5 =	vsub.f32 v5, v8;
	_ =	sdelay $0x1  }
0x193: {  	v8 =	vmul.f32 v5, v5;
	_ =	sdelay $0x1  }
0x194: {  	v40 =	vmul.f32 $1.951529560e-04, v8;
	v41 =	vmul.f32 $2.443315680e-05, v8;
	_ =	sdelay $0x1  }
0x195: {  	v9 =	vsub.f32 $8.332161230e-03, v40;
	v10 =	vadd.f32 $-1.388731650e-03, v41;
	_ =	sdelay $0x1  }
0x196: {  	v9 =	vmul.f32 v9, v8;
	v10 =	vmul.f32 v10, v8  }
0x197: {  	v42 =	vmul.f32 v8, v5;
	v43 =	vmul.f32 $5.000000000e-01, v8  }
0x198: {  	v8 =	vmul.f32 v8, v8;
	v9 =	vadd.f32 $-1.666665520e-01, v9;
	v10 =	vadd.f32 $4.166664560e-02, v10;
	_ =	sdelay $0x1  }
0x199: {  	v44 =	vsub.f32 $1.000000000e+00, v43;
	v9 =	vmul.f32 v9, v42;
	v8 =	vmul.f32 v10, v8;
	_ =	sdelay $0x1  }
0x19a: {  	v5 =	vadd.f32 v9, v5;
	v8 =	vadd.f32 v8, v44;
	_ =	sdelay $0x1  }
0x19b: {  	v9 =	vsub.f32 $0.0e+00, v5;
	v45 =	vsub.f32 $0.0e+00, v8  }
0x19c: {  	vm13 =	veq.s32 v7, $0x1  }
0x19d: {  	vm14 =	veq.s32 v7, $0x0;
	v46 =	vsel vm13, v9, v45  }
0x19e: {  	v7 =	vsel vm14, v8, v46  }
0x19f: {  	v47 =	vadd.f32 $1.000000000e+00, v7;
	_ =	sdelay $0x1  }
0x1a0: {  	v10 =	vmul.f32 $5.000000000e-01, v47;
	_ =	sdelay $0x1  }
0x1a1: {  	v8 =	vsel vm13, v8, v9;
	v6 =	vmul.f32 v10, v6  }
0x1a2: {  	v5 =	vsel vm14, v5, v8  }
0x1a3: {  	v7 =	vadd.f32 v7, v7;
	v5 =	vmul.f32 v6, v5;
	_ =	sdelay $0x1  }
0x1a4: {  	v6 =	vmul.f32 v5, v7;
	_ =	sdelay $0x1  }
0x1a5: {  	v48 =	vmul.f32 v6, v7;
	_ =	sdelay $0x1  }
0x1a6: {  	v8 =	vsub.f32 v48, v5;
	_ =	sdelay $0x1  }
0x1a7: {  	v49 =	vmul.f32 v8, v7;
	_ =	sdelay $0x1  }
0x1a8: {  	v9 =	vsub.f32 v49, v6;
	_ =	sdelay $0x1  }
0x1a9: {  	v50 =	vmul.f32 v9, v7  }
0x1aa: {  	s22 =	sadd.s32 $0xFFFFFFF0, s24  }
0x1ab: {  	v51 =	vor.u32 s22, v0;
	v10 =	vsub.f32 v50, v8  }
0x1ac: {  	vm15 =	vlt.s32 v51, v3;
	v11 =	vshll.u32 v51, $0x3  }
0x1ad: {  	v11 =	vand.u32 $0xFF8, v11;
	v52 =	vmul.f32 v10, v7  }
0x1ae: {  	v53 =	vor.u32 $0x1, v11  }
0x1af: {  	v54 =	vor.u32 $0x2, v11;
	v12 =	vsub.f32 v52, v9  }
0x1b0: {  	v55 =	vor.u32 $0x3, v11  }
0x1b1: {  	v56 =	vor.u32 $0x4, v11;
	v57 =	vmul.f32 v12, v7  }
0x1b2: {  	v58 =	vmov s22;
	v16 =	vld [tilespmem:s29+$0x10];
	[tilespmem:v11+s19+$0x0] =	vst.idx.msk vm15, v5;
	v5 =	vor.u32 $0x5, v11  }
0x1b3: {  	p1 =	slt.s32 s24, s1;
	v61 =	vand.u32 $0x1F8, v58;
	v60 =	vor.u32 $0x6, v11;
	[tilespmem:v53+s19+$0x0] =	vst.idx.msk vm15, v6;
	v59 =	vsub.f32 v57, v10  }
0x1b4: {  	p0 =	slt.s32 s30, s1;
	s31 =	smov.u32 s1;
	s22 =	smov.u32 s1;
	v63 =	vor.u32 v2, v61;
	v62 =	vor.u32 $0x7, v11;
	[tilespmem:v54+s19+$0x0] =	vst.idx.msk vm15, v8  }
0x1b5: {  	s31 =	smov.u32 @p0 s30;
	s22 =	smov.u32 @p1 s24;
	v4 =	vor.u32 v4, v63;
	[tilespmem:v55+s19+$0x0] =	vst.idx.msk vm15, v9;
	v7 =	vmul.f32 v59, v7  }
0x1b6: {  	s30 =	sshrl.u32 s31, $0x7;
	s22 =	sshrl.u32 s22, $0x7;
	[tilespmem:v56+s19+$0x0] =	vst.idx.msk vm15, v10  }
0x1b7: {  	p0 =	sle.u32 s22, s30;
	[tilespmem:v5+s19+$0x0] =	vst.idx.msk vm15, v12;
	v5 =	vsub.f32 v7, v12  }
0x1b8: {  	s22 =	sand.u32 @!p0 $0x180, s31;
	[tilespmem:v60+s19+$0x0] =	vst.idx.msk vm15, v59  }
0x1b9: {  	s30 =	sshll.u32 @!p0 s22, $0x3;
	[tilespmem:v62+s19+$0x0] =	vst.idx.msk vm15, v5  }
0x1ba: {  	s31 =	simm.s32 @!p0 $0x80;
	s22 =	sadd.s32 @!p0 $0x14880, s22;
	s30 =	sadd.s32 @!p0 $0x13880, s30;
	[tilespmem:v4+s20+$0x0] =	vst.idx.msk vm15, v16  }
0x1bb: {  	[spmem:s2] =	stream.indirect.scatter.add.f32 @!p0 [tilespmem:s30], [sflag:$0x1], $0x8, s22, s31, $0xb8;
	[tilespmem:$0x19A80] =	vst v63  }
0x1bc: {  	s22 =	simm.s32 @!p0 $0x1  }
0x1bd: {  	_ =	swait.ge @!p0 [sflag:s22], $0x400  }
0x1be: {  	s23 =	sadd.s32 $0xFFFFFFFF, s23;
	[sflag:s22] =	ssyncset.done @!p0 $0x0  }
0x1bf: {  	[sflag:s22] =	ssyncadd.s32 @!p0 $0xFFFFFC00;
	p0 =	sne.s32 s23, $0x0  }
.Ltmp4:
0x1c0: {  	_ = 	snop;
	(pc) =	sbr.rel @p0 .LBB2_5-.Ltmp4, $3  }
0x1c1: {  	_ =	sdelay $0x1  }
0x1c2: {  	s24 =	sadd.s32 $0x40, s24;
	s25 =	sadd.s32 $0x40, s25  }
0x1c3: {  	s26 =	sadd.s32 $0x40, s26;
	s28 =	sadd.s32 $0x40, s28;
	s29 =	sadd.s32 $0x40, s29  }
.Ltmp5:
0x1c4: {  	_ = 	snop;
	(pc) =	sbr.rel .LBB2_6-.Ltmp5, $1  }
0x1c5: {  	_ =	sdelay $0x3  }
.LBB2_7:
0x1c6: {  	_ =	sfence.sel $0x180000  }
0x1c7: {  	[bflag:$0x0] =	sbarrier.arrive $0xFFFF  }
0x1c8: {  	_ =	strace $0x90000047  }
0x1c9: {  	[bflag:$0x2] =	sbarrier.arrive $0xFFFF  }
0x1ca: {  	p0 =	sne.s32 s0, $0x0;
	s0 =	rddreg [dreg:$0x2]  }
0x1cb: {  	s0 =	sadd.s32 @!p0 $0x100000, s0  }
0x1cc: {  	[sflag:s0] =	ssyncadd.tile.s32 @!p0 $0x1;
	_ =	shalt  }
.Lfunc_end2:
_tile_overlayer_lowered:
.L_overlay_start_2:
0x1cd: {  	(tag) =	ssettag $0x2  }
0x1ce: {  	s0 =	rddreg [dreg:$0x0];
	s2 =	stileid.u32  }
0x1cf: {  	s1 =	rddreg [dreg:$0x1];
	p0 =	sne.s32 s2, $0x0  }
0x1d0: {  	s3 =	rddreg [dreg:$0x2];
	[bflag:$0x3] =	sbarrier.arrive $0xFFFF;
	s2 =	simm.s32 @!p0 $0x1C01  }
0x1d1: {  	[timem:s3], [sflag:s2] =	dma.local @!p0 [hbm:s0], s1  }
0x1d2: {  	s0 =	simm.s32 @!p0 $0x1  }
0x1d3: {  	_ =	swait.ge @!p0 [sflag:s0], s1  }
0x1d4: {  	s1 =	ssub.s32 @!p0 $0x0, s1;
	[sflag:s0] =	ssyncset.done @!p0 $0x0  }
0x1d5: {  	[sflag:s0] =	ssyncadd.s32 @!p0 s1  }
0x1d6: {  	[bflag:$0x3] =	sbarrier.arrive $0xFFFF  }
0x1d7: {  	_ =	shalt  }

</sc_bundles>
